<compile_context>
chip_gen: v7x
topology: tpu7x:2x2x1
jax: 0.10.2.dev20260603
libtpu: 0.0.44.dev20260713+nightly
codegen_flags: <defaults>
</compile_context>

<pallas_src>
import functools

import jax
import jax.numpy as jnp
from jax import lax
from jax.experimental import pallas as pl
from jax.experimental.pallas import tpu as pltpu
from jax.experimental.pallas import tpu_sc as plsc

N = 10000
F = 128
H = 128
B = 256
E = 160000
C = 86
L = 3

TILE = 48
NP = N + TILE


_CH = 128
_NCH = 80
_EPW = _NCH * _CH
_EPAD = 16 * _EPW
_RPT = 632


@functools.cache
def _build_sc_segment_sum():
    @functools.partial(
        pl.kernel,
        out_type=jax.ShapeDtypeStruct((2 * N, H), jnp.float32),
        mesh=plsc.VectorSubcoreMesh(core_axis_name="c", subcore_axis_name="s"),
        scratch_types=[
            pltpu.VMEM((_NCH // 2, _CH), jnp.int32),
            pltpu.VMEM((_NCH // 2, _CH), jnp.int32),
            pltpu.VMEM((_CH, H), jnp.float32),
            pltpu.VMEM((_CH, H), jnp.float32),
            pltpu.VMEM_SHARED((N, H), jnp.float32),
            pltpu.SemaphoreType.DMA,
            pltpu.SemaphoreType.DMA,
        ],
    )
    def sc_seg_sum(h_hbm, src_hbm, dst_hbm, zeros_hbm, out_hbm,
                   idx_s, idx_d, rows0, rows1, agg_sh, sem0, sem1):
        c = lax.axis_index("c")
        s = lax.axis_index("s")
        w = c * 16 + s
        last = N - 15 * _RPT

        @pl.when(s < 15)
        def _():
            pltpu.sync_copy(zeros_hbm, agg_sh.at[pl.ds(s * _RPT, _RPT)])

        @pl.when(s == 15)
        def _():
            pltpu.sync_copy(zeros_hbm.at[pl.ds(0, last)],
                            agg_sh.at[pl.ds(15 * _RPT, last)])

        plsc.subcore_barrier()
        half = _NCH // 2
        for p in range(2):
            pltpu.sync_copy(src_hbm.at[w, p], idx_s)
            pltpu.sync_copy(dst_hbm.at[w, p], idx_d)

            pltpu.make_async_copy(h_hbm.at[idx_s.at[0]], rows0, sem0).start()

            def body(j, carry):
                i0 = 2 * j
                pltpu.make_async_copy(h_hbm.at[idx_s.at[i0 + 1]], rows1,
                                      sem1).start()
                pltpu.make_async_copy(h_hbm.at[idx_s.at[i0]], rows0,
                                      sem0).wait()
                pltpu.sync_copy(rows0, agg_sh.at[idx_d.at[i0]], add=True)

                @pl.when(i0 + 2 < half)
                def _():
                    pltpu.make_async_copy(h_hbm.at[idx_s.at[i0 + 2]], rows0,
                                          sem0).start()

                pltpu.make_async_copy(h_hbm.at[idx_s.at[i0 + 1]], rows1,
                                      sem1).wait()
                pltpu.sync_copy(rows1, agg_sh.at[idx_d.at[i0 + 1]], add=True)
                return carry

            lax.fori_loop(0, half // 2, body, 0)

        plsc.subcore_barrier()

        @pl.when(s < 15)
        def _():
            pltpu.sync_copy(agg_sh.at[pl.ds(s * _RPT, _RPT)],
                            out_hbm.at[pl.ds(c * N + s * _RPT, _RPT)])

        @pl.when(s == 15)
        def _():
            pltpu.sync_copy(agg_sh.at[pl.ds(15 * _RPT, last)],
                            out_hbm.at[pl.ds(c * N + 15 * _RPT, last)])

    return sc_seg_sum


def _sc_segment_sum(h_cat, src, dst, zeros_blk):
    return _build_sc_segment_sum()(h_cat, src, dst, zeros_blk)



def _proj_body(x_ref, w_ref, b_ref, o_ref):
    o_ref[0, :N] = jnp.dot(x_ref[0], w_ref[...],
                           preferred_element_type=jnp.float32) + b_ref[...]
    o_ref[0, N:] = jnp.zeros((NP - N, H), jnp.float32)


def _input_proj(x12, W_in, b_in):
    return pl.pallas_call(
        _proj_body,
        grid=(2,),
        in_specs=[
            pl.BlockSpec((1, N, F), lambda g: (g, 0, 0)),
            pl.BlockSpec((F, H), lambda g: (0, 0)),
            pl.BlockSpec((1, H), lambda g: (0, 0)),
        ],
        out_specs=pl.BlockSpec((1, NP, H), lambda g: (g, 0, 0)),
        out_shape=jax.ShapeDtypeStruct((2, NP, H), jnp.float32),
    )(x12, W_in, b_in.reshape(1, H))


def _layer_body(agg_ref, h_ref, w_ref, b_ref, g_ref, be_ref, o_ref):
    agg = agg_ref[0]
    z = jnp.dot(agg, w_ref[...], preferred_element_type=jnp.float32) + b_ref[...]
    mu = jnp.mean(z, axis=0, keepdims=True)
    var = jnp.mean((z - mu) ** 2, axis=0, keepdims=True)
    hn = g_ref[...] * (z - mu) / jnp.sqrt(var + 1e-5) + be_ref[...]
    o_ref[0, :N] = h_ref[0, :N] + jnp.maximum(hn, 0.0)
    o_ref[0, N:] = jnp.zeros((NP - N, H), jnp.float32)


def _layer_update(agg, h, Wc_i, bc_i, gamma_i, beta_i):
    return pl.pallas_call(
        _layer_body,
        grid=(2,),
        in_specs=[
            pl.BlockSpec((1, N, H), lambda g: (g, 0, 0)),
            pl.BlockSpec((1, NP, H), lambda g: (g, 0, 0)),
            pl.BlockSpec((H, H), lambda g: (0, 0)),
            pl.BlockSpec((1, H), lambda g: (0, 0)),
            pl.BlockSpec((1, H), lambda g: (0, 0)),
            pl.BlockSpec((1, H), lambda g: (0, 0)),
        ],
        out_specs=pl.BlockSpec((1, NP, H), lambda g: (g, 0, 0)),
        out_shape=jax.ShapeDtypeStruct((2, NP, H), jnp.float32),
    )(agg.reshape(2, N, H), h, Wc_i, bc_i.reshape(1, H),
      gamma_i.reshape(1, H), beta_i.reshape(1, H))


def _uv_body(h_ref, a_ref, b_ref, o_ref):
    o_ref[0] = jnp.dot(h_ref[0], a_ref[0],
                       preferred_element_type=jnp.float32) + b_ref[0]


def _uv_proj(hp12, A1s, ab1s):
    return pl.pallas_call(
        _uv_body,
        grid=(2,),
        in_specs=[
            pl.BlockSpec((1, NP, H), lambda g: (g, 0, 0)),
            pl.BlockSpec((1, H, H), lambda g: (g, 0, 0)),
            pl.BlockSpec((1, 1, H), lambda g: (g, 0, 0)),
        ],
        out_specs=pl.BlockSpec((1, NP, H), lambda g: (g, 0, 0)),
        out_shape=jax.ShapeDtypeStruct((2, NP, H), jnp.float32),
    )(hp12, A1s, ab1s)


def _attn_body(s1_ref, c1_ref, s2_ref, c2_ref,
               uv_ref, h_ref, a2_ref, ab2_ref,
               g1_ref, g2_ref, att1_buf, att2_buf):
    b = pl.program_id(0)
    s1 = s1_ref[b]
    n1 = c1_ref[b]
    s2 = s2_ref[b]
    n2 = c2_ref[b]
    nr1 = (n1 + TILE - 1) // TILE
    nc2 = (n2 + TILE - 1) // TILE

    a2 = a2_ref[...]
    ab2 = ab2_ref[0, 0]
    smax = jnp.sum(jnp.abs(a2)) + jnp.abs(ab2)

    def zbody(ct, carry):
        att2_buf[pl.ds(ct * TILE, TILE), :] = jnp.zeros((TILE, 1), jnp.float32)
        return carry
    lax.fori_loop(0, nc2, zbody, 0)

    def rbody(rt, denom):
        u_t = uv_ref[0, pl.ds(s1 + rt * TILE, TILE), :]
        rrem = n1 - rt * TILE

        def cbody(ct, carry):
            att1_acc, dn = carry
            v_t = uv_ref[1, pl.ds(s2 + ct * TILE, TILE), :]
            crem = n2 - ct * TILE
            t3 = jnp.tanh(u_t[:, None, :] + v_t[None, :, :])
            S = jnp.sum(t3 * a2[None, :, :], axis=-1) + ab2
            rmask = lax.broadcasted_iota(jnp.int32, (TILE, TILE), 0) < rrem
            cmask = lax.broadcasted_iota(jnp.int32, (TILE, TILE), 1) < crem
            e = jnp.where(rmask & cmask, jnp.exp(S - smax), 0.0)
            att1_acc = att1_acc + jnp.sum(e, axis=1, keepdims=True)
            col = jnp.sum(e.T, axis=1, keepdims=True)
            att2_buf[pl.ds(ct * TILE, TILE), :] = (
                att2_buf[pl.ds(ct * TILE, TILE), :] + col)
            return att1_acc, dn + jnp.sum(e)

        att1_acc, denom = lax.fori_loop(
            0, nc2, cbody, (jnp.zeros((TILE, 1), jnp.float32), denom))
        att1_buf[pl.ds(rt * TILE, TILE), :] = att1_acc
        return denom

    denom = lax.fori_loop(0, nr1, rbody, jnp.float32(0.0))
    dsafe = jnp.where(denom > 0.0, denom, 1.0)

    def g1body(rt, acc):
        w = att1_buf[pl.ds(rt * TILE, TILE), :] / dsafe
        h_t = h_ref[0, pl.ds(s1 + rt * TILE, TILE), :]
        return acc + jnp.sum(w * h_t, axis=0, keepdims=True)

    g1_ref[0] = lax.fori_loop(0, nr1, g1body, jnp.zeros((1, H), jnp.float32))

    def g2body(ct, acc):
        w = att2_buf[pl.ds(ct * TILE, TILE), :] / dsafe
        h_t = h_ref[1, pl.ds(s2 + ct * TILE, TILE), :]
        return acc + jnp.sum(w * h_t, axis=0, keepdims=True)

    g2_ref[0] = lax.fori_loop(0, nc2, g2body, jnp.zeros((1, H), jnp.float32))


def _attention(starts1, counts1, starts2, counts2, uv, h, a2t, ab2m):
    grid_spec = pltpu.PrefetchScalarGridSpec(
        num_scalar_prefetch=4,
        grid=(B,),
        in_specs=[
            pl.BlockSpec((2, NP, H), lambda b, *_: (0, 0, 0)),
            pl.BlockSpec((2, NP, H), lambda b, *_: (0, 0, 0)),
            pl.BlockSpec((1, H), lambda b, *_: (0, 0)),
            pl.BlockSpec((1, 1), lambda b, *_: (0, 0)),
        ],
        out_specs=[
            pl.BlockSpec((1, 1, H), lambda b, *_: (b, 0, 0)),
            pl.BlockSpec((1, 1, H), lambda b, *_: (b, 0, 0)),
        ],
        scratch_shapes=[
            pltpu.VMEM((NP, 1), jnp.float32),
            pltpu.VMEM((NP, 1), jnp.float32),
        ],
    )
    g1, g2 = pl.pallas_call(
        _attn_body,
        grid_spec=grid_spec,
        out_shape=[
            jax.ShapeDtypeStruct((B, 1, H), jnp.float32),
            jax.ShapeDtypeStruct((B, 1, H), jnp.float32),
        ],
    )(starts1, counts1, starts2, counts2, uv, h, a2t, ab2m)
    return g1.reshape(B, H), g2.reshape(B, H)


def _mlp_body(g1_ref, g2_ref, c1a_ref, c1b_ref, cb1_ref, c2_ref, cb2_ref, o_ref):
    hp = jnp.dot(g1_ref[...], c1a_ref[...], preferred_element_type=jnp.float32)
    hp = hp + jnp.dot(g2_ref[...], c1b_ref[...], preferred_element_type=jnp.float32)
    hp = jnp.maximum(hp + cb1_ref[...], 0.0)
    o_ref[...] = jnp.dot(hp, c2_ref[...],
                         preferred_element_type=jnp.float32) + cb2_ref[...]


def _final_mlp(g1, g2, C1, cb1, C2, cb2):
    return pl.pallas_call(
        _mlp_body,
        out_shape=jax.ShapeDtypeStruct((B, C), jnp.float32),
    )(g1, g2, C1[:H], C1[H:], cb1.reshape(1, H), C2, cb2.reshape(1, C))



def kernel(x1, x2, edge_index1, edge_index2, batch1, batch2, W_in, b_in, Wc, bc,
           gamma, beta, A1, ab1, A2, ab2, C1, cb1, C2, cb2):
    x12 = jnp.stack([x1, x2])
    pad = _EPAD - E
    k = jnp.arange(pad, dtype=jnp.int32) % 96
    spad = jnp.where(k < 48, N + k, NP + N + k - 48)
    dpad = jnp.arange(pad, dtype=jnp.int32) % N
    src1 = jnp.concatenate([edge_index1[0].astype(jnp.int32), spad])
    src2 = jnp.concatenate([edge_index2[0].astype(jnp.int32) + NP, spad])
    dst1 = jnp.concatenate([edge_index1[1].astype(jnp.int32), dpad])
    dst2 = jnp.concatenate([edge_index2[1].astype(jnp.int32), dpad])
    src = jnp.stack([src1, src2]).reshape(32, 2, _NCH // 2, _CH)
    dst = jnp.stack([dst1, dst2]).reshape(32, 2, _NCH // 2, _CH)
    zeros_blk = jnp.zeros((_RPT, H), jnp.float32)

    h = _input_proj(x12, W_in, b_in)
    for i in range(L):
        agg = _sc_segment_sum(h.reshape(2 * NP, H), src, dst, zeros_blk)
        h = _layer_update(agg, h, Wc[i], bc[i], gamma[i], beta[i])

    A1s = A1.reshape(2, H, H)
    ab1s = jnp.stack([ab1.reshape(1, H), jnp.zeros((1, H), jnp.float32)])
    uv = _uv_proj(h, A1s, ab1s)

    ar = jnp.arange(B, dtype=batch1.dtype)
    starts1 = jnp.searchsorted(batch1, ar, side="left").astype(jnp.int32)
    counts1 = jnp.searchsorted(batch1, ar, side="right").astype(jnp.int32) - starts1
    starts2 = jnp.searchsorted(batch2, ar, side="left").astype(jnp.int32)
    counts2 = jnp.searchsorted(batch2, ar, side="right").astype(jnp.int32) - starts2

    g1, g2 = _attention(starts1, counts1, starts2, counts2, uv, h,
                        A2.reshape(1, H), ab2.reshape(1, 1))
    return _final_mlp(g1, g2, C1, cb1, C2, cb2)

# --- scband reference (transcript-rebuilt; emitter-appended) ---
"""Pipeline reference for scband-substructure-attention-ddi-71734543777918 (READ-ONLY COPY).

The authoritative reference and input builder live on the scoring server;
editing this copy changes nothing except your own understanding.
"""

import jax, jax.numpy as jnp
import numpy as np

N = 10000
F = 128
H = 128
B = 256
E = 160000
C = 86
L = 3


def setup_inputs(seed: int = 0) -> dict:
    key = jax.random.key(seed)
    ks = jax.random.split(key, 24)
    x1 = jax.random.normal(ks[0], (N, F), dtype=jnp.float32)
    x2 = jax.random.normal(ks[1], (N, F), dtype=jnp.float32)
    edge_index1 = jax.random.randint(ks[2], (2, E), 0, N)
    edge_index2 = jax.random.randint(ks[3], (2, E), 0, N)
    batch1 = jnp.sort(jax.random.randint(ks[4], (N,), 0, B))
    batch1 = batch1.at[0].set(0).at[-1].set(B - 1)
    batch2 = jnp.sort(jax.random.randint(ks[5], (N,), 0, B))
    batch2 = batch2.at[0].set(0).at[-1].set(B - 1)
    W_in = jax.random.normal(ks[6], (F, H), dtype=jnp.float32) / np.sqrt(F)
    b_in = jnp.zeros((H,), dtype=jnp.float32)
    Wc = jax.random.normal(ks[7], (L, H, H), dtype=jnp.float32) / np.sqrt(H)
    bc = jnp.zeros((L, H), dtype=jnp.float32)
    gamma = jnp.ones((L, H), dtype=jnp.float32)
    beta = jnp.zeros((L, H), dtype=jnp.float32)
    A1 = jax.random.normal(ks[8], (2 * H, H), dtype=jnp.float32) / np.sqrt(2 * H)
    ab1 = jnp.zeros((H,), dtype=jnp.float32)
    A2 = jax.random.normal(ks[9], (H, 1), dtype=jnp.float32) / np.sqrt(H)
    ab2 = jnp.zeros((1,), dtype=jnp.float32)
    C1 = jax.random.normal(ks[10], (2 * H, H), dtype=jnp.float32) / np.sqrt(2 * H)
    cb1 = jnp.zeros((H,), dtype=jnp.float32)
    C2 = jax.random.normal(ks[11], (H, C), dtype=jnp.float32) / np.sqrt(H)
    cb2 = jnp.zeros((C,), dtype=jnp.float32)
    return {"x1": x1, "x2": x2, "edge_index1": edge_index1, "edge_index2": edge_index2,
            "batch1": batch1, "batch2": batch2, "W_in": W_in, "b_in": b_in, "Wc": Wc,
            "bc": bc, "gamma": gamma, "beta": beta, "A1": A1, "ab1": ab1, "A2": A2,
            "ab2": ab2, "C1": C1, "cb1": cb1, "C2": C2, "cb2": cb2}


def _bn(h, g, be):
    mu = jnp.mean(h, axis=0)
    var = jnp.var(h, axis=0)
    return g * (h - mu) / jnp.sqrt(var + 1e-5) + be


def _encode(x, ei, W_in, b_in, Wc, bc, gamma, beta):
    h = x @ W_in + b_in
    src = ei[0]
    dst = ei[1]
    for i in range(L):
        agg = jax.ops.segment_sum(h[src], dst, num_segments=h.shape[0])
        hn = jax.nn.relu(_bn(agg @ Wc[i] + bc[i], gamma[i], beta[i]))
        h = h + hn  # residual
    return h


def _score_chunk(h1c, h2, A1, ab1, A2, ab2):
    k = h1c.shape[0]
    n2 = h2.shape[0]
    pf = jnp.concatenate([
        jnp.broadcast_to(h1c[:, None, :], (k, n2, h1c.shape[1])),
        jnp.broadcast_to(h2[None, :, :], (k, n2, h2.shape[1])),
    ], axis=-1)
    return (jnp.tanh(pf @ A1 + ab1) @ A2 + ab2)[..., 0]


def reference(x1, x2, edge_index1, edge_index2, batch1, batch2, W_in, b_in, Wc, bc,
              gamma, beta, A1, ab1, A2, ab2, C1, cb1, C2, cb2):
    h1 = _encode(x1, edge_index1, W_in, b_in, Wc, bc, gamma, beta)
    h2 = _encode(x2, edge_index2, W_in, b_in, Wc, bc, gamma, beta)
    nb = B
    n1 = h1.shape[0]
    n2 = h2.shape[0]
    S = jax.lax.map(
        lambda c: _score_chunk(c, h2, A1, ab1, A2, ab2),
        h1.reshape(-1, 100, h1.shape[1]),
    ).reshape(n1, n2)
    mask = batch1[:, None] == batch2[None, :]
    seg = jnp.where(mask, batch1[:, None], nb)
    segf = seg.reshape(-1)
    m = jax.ops.segment_max(S.reshape(-1), segf, num_segments=nb + 1)
    e = jnp.exp(S - m[seg])
    em = jnp.where(mask, e, 0.0)
    denom = jax.ops.segment_sum(em.reshape(-1), segf, num_segments=nb + 1)
    pa = jnp.where(mask, e / denom[seg], 0.0)
    att1 = pa.sum(axis=1)
    att2 = pa.sum(axis=0)
    g1 = jax.ops.segment_sum(h1 * att1[:, None], batch1, num_segments=nb)
    g2 = jax.ops.segment_sum(h2 * att2[:, None], batch2, num_segments=nb)
    hp = jnp.concatenate([g1, g2], axis=1)
    logits = jax.nn.relu(hp @ C1 + cb1) @ C2 + cb2
    return logits

if __name__ == "__main__":
    import jax
    _d = setup_inputs()
    print(jax.jit(kernel)(*tuple(_d.values())))

</pallas_src>

<mosaic_0001>
#map = affine_map<(d0, d1) -> (0, 0)>
#map1 = affine_map<(d0, d1) -> (0, 0, 0, 0)>
module attributes {stable_mosaic.version = 14 : i64} {
  func.func @sc_seg_sum(%arg0: i32, %arg1: i32, %arg2: memref<20096x128xf32, #tpu.memory_space<hbm>>, %arg3: memref<32x2x40x128xi32, #tpu.memory_space<hbm>>, %arg4: memref<32x2x40x128xi32, #tpu.memory_space<hbm>>, %arg5: memref<632x128xf32, #tpu.memory_space<hbm>>, %arg6: memref<20000x128xf32, #tpu.memory_space<hbm>>, %arg7: memref<40x128xi32, #tpu.memory_space<vmem>>, %arg8: memref<40x128xi32, #tpu.memory_space<vmem>>, %arg9: memref<128x128xf32, #tpu.memory_space<vmem>>, %arg10: memref<128x128xf32, #tpu.memory_space<vmem>>, %arg11: memref<10000x128xf32, #tpu.memory_space<vmem_shared>>, %arg12: memref<!tpu.dma_semaphore, #tpu.memory_space<semaphore_mem>>, %arg13: memref<!tpu.dma_semaphore, #tpu.memory_space<semaphore_mem>>) attributes {dimension_semantics = [#tpu.dimension_semantics<core_parallel>, #tpu.dimension_semantics<subcore_parallel>], iteration_bounds = array<i64: 2, 16>, scalar_prefetch = 0 : i64, scratch_operands = 7 : i64, tpu.core_type = #tpu.core_type<sc_vector_subcore>, window_params = [{transform_indices = #map}, {transform_indices = #map1}, {transform_indices = #map1}, {transform_indices = #map}, {transform_indices = #map}]} {
    %mul3A = arith.constant 16 : i32
    %mul3A_0 = arith.muli %arg0, %mul3A : i32
    %add3A = arith.addi %mul3A_0, %arg1 : i32
    %lt3A = arith.constant 15 : i32
    %lt3A_1 = arith.cmpi slt, %arg1, %lt3A : i32
    %convert_element_type3A = arith.extui %lt3A_1 : i1 to i32
    %cond3A = arith.constant 0 : i32
    %cond3A_2 = arith.cmpi ne, %convert_element_type3A, %cond3A : i32
    scf.if %cond3A_2 {
      %mul3A_45 = arith.constant 632 : i32
      %mul3A_46 = arith.muli %arg1, %mul3A_45 : i32
      "tpu.region"() ({
        %run_scoped3A_47 = tpu.sem_alloc : memref<!tpu.dma_semaphore, #tpu.memory_space<semaphore_mem>>
        %dma_start3A_48 = arith.constant 0 : i32
        %dma_start3A_49 = tpu.memref_slice %arg11[%mul3A_46, %dma_start3A_48] : memref<10000x128xf32, #tpu.memory_space<vmem_shared>> -> memref<632x128xf32, #tpu.memory_space<vmem_shared>>
        tpu.enqueue_dma source(%arg5 : memref<632x128xf32, #tpu.memory_space<hbm>>) target(%dma_start3A_49 : memref<632x128xf32, #tpu.memory_space<vmem_shared>>) target_semaphore(%run_scoped3A_47 : memref<!tpu.dma_semaphore, #tpu.memory_space<semaphore_mem>>)
        %dma_wait3A = arith.constant 0 : i32
        %dma_wait3A_50 = tpu.memref_slice %arg11[%mul3A_46, %dma_wait3A] : memref<10000x128xf32, #tpu.memory_space<vmem_shared>> -> memref<632x128xf32, #tpu.memory_space<vmem_shared>>
        tpu.wait_dma2 semaphore(%run_scoped3A_47 : memref<!tpu.dma_semaphore, #tpu.memory_space<semaphore_mem>>) src(%arg5 : memref<632x128xf32, #tpu.memory_space<hbm>>) dst(%dma_wait3A_50 : memref<632x128xf32, #tpu.memory_space<vmem_shared>>)
        tpu.yield
      }) : () -> ()
    } else {
    }
    %eq3A = arith.constant 15 : i32
    %eq3A_3 = arith.cmpi eq, %arg1, %eq3A : i32
    %convert_element_type3A_4 = arith.extui %eq3A_3 : i1 to i32
    %cond3A_5 = arith.constant 0 : i32
    %cond3A_6 = arith.cmpi ne, %convert_element_type3A_4, %cond3A_5 : i32
    scf.if %cond3A_6 {
      "tpu.region"() ({
        %run_scoped3A_45 = tpu.sem_alloc : memref<!tpu.dma_semaphore, #tpu.memory_space<semaphore_mem>>
        %dma_start3A_46 = arith.constant 9480 : i32
        %dma_start3A_47 = arith.constant 0 : i32
        %dma_start3A_48 = tpu.memref_slice %arg11[%dma_start3A_46, %dma_start3A_47] : memref<10000x128xf32, #tpu.memory_space<vmem_shared>> -> memref<520x128xf32, #tpu.memory_space<vmem_shared>>
        %dma_start3A_49 = arith.constant 0 : i32
        %dma_start3A_50 = arith.constant 0 : i32
        %dma_start3A_51 = tpu.memref_slice %arg5[%dma_start3A_49, %dma_start3A_50] : memref<632x128xf32, #tpu.memory_space<hbm>> -> memref<520x128xf32, #tpu.memory_space<hbm>>
        tpu.enqueue_dma source(%dma_start3A_51 : memref<520x128xf32, #tpu.memory_space<hbm>>) target(%dma_start3A_48 : memref<520x128xf32, #tpu.memory_space<vmem_shared>>) target_semaphore(%run_scoped3A_45 : memref<!tpu.dma_semaphore, #tpu.memory_space<semaphore_mem>>)
        %dma_wait3A = arith.constant 9480 : i32
        %dma_wait3A_52 = arith.constant 0 : i32
        %dma_wait3A_53 = tpu.memref_slice %arg11[%dma_wait3A, %dma_wait3A_52] : memref<10000x128xf32, #tpu.memory_space<vmem_shared>> -> memref<520x128xf32, #tpu.memory_space<vmem_shared>>
        %dma_wait3A_54 = arith.constant 0 : i32
        %dma_wait3A_55 = arith.constant 0 : i32
        %dma_wait3A_56 = tpu.memref_slice %arg5[%dma_wait3A_54, %dma_wait3A_55] : memref<632x128xf32, #tpu.memory_space<hbm>> -> memref<520x128xf32, #tpu.memory_space<hbm>>
        tpu.wait_dma2 semaphore(%run_scoped3A_45 : memref<!tpu.dma_semaphore, #tpu.memory_space<semaphore_mem>>) src(%dma_wait3A_56 : memref<520x128xf32, #tpu.memory_space<hbm>>) dst(%dma_wait3A_53 : memref<520x128xf32, #tpu.memory_space<vmem_shared>>)
        tpu.yield
      }) : () -> ()
    } else {
    }
    %barrier3A = arith.constant 0 : index
    tpu.barrier barrier_id(%barrier3A)
    %run_scoped3A = arith.constant 0 : i32
    "tpu.region"() ({
      %run_scoped3A_45 = tpu.sem_alloc : memref<!tpu.dma_semaphore, #tpu.memory_space<semaphore_mem>>
      %dma_start3A_46 = arith.constant 0 : i32
      %dma_start3A_47 = arith.constant 0 : i32
      %dma_start3A_48 = tpu.memref_slice %arg3[%add3A, %run_scoped3A, %dma_start3A_46, %dma_start3A_47] : memref<32x2x40x128xi32, #tpu.memory_space<hbm>> -> memref<1x1x40x128xi32, #tpu.memory_space<hbm>>
      %dma_start3A_49 = tpu.memref_squeeze %dma_start3A_48 : memref<1x1x40x128xi32, #tpu.memory_space<hbm>> -> memref<40x128xi32, #tpu.memory_space<hbm>>
      %dma_start3A_50 = arith.constant 0 : i32
      %dma_start3A_51 = arith.constant 0 : i32
      %dma_start3A_52 = tpu.memref_slice %arg3[%add3A, %run_scoped3A, %dma_start3A_50, %dma_start3A_51] : memref<32x2x40x128xi32, #tpu.memory_space<hbm>> -> memref<1x1x40x128xi32, #tpu.memory_space<hbm>>
      %dma_start3A_53 = tpu.memref_squeeze %dma_start3A_52 : memref<1x1x40x128xi32, #tpu.memory_space<hbm>> -> memref<40x128xi32, #tpu.memory_space<hbm>>
      tpu.enqueue_dma source(%dma_start3A_53 : memref<40x128xi32, #tpu.memory_space<hbm>>) target(%arg7 : memref<40x128xi32, #tpu.memory_space<vmem>>) target_semaphore(%run_scoped3A_45 : memref<!tpu.dma_semaphore, #tpu.memory_space<semaphore_mem>>)
      %dma_wait3A = arith.constant 0 : i32
      %dma_wait3A_54 = arith.constant 0 : i32
      %dma_wait3A_55 = tpu.memref_slice %arg3[%add3A, %run_scoped3A, %dma_wait3A, %dma_wait3A_54] : memref<32x2x40x128xi32, #tpu.memory_space<hbm>> -> memref<1x1x40x128xi32, #tpu.memory_space<hbm>>
      %dma_wait3A_56 = tpu.memref_squeeze %dma_wait3A_55 : memref<1x1x40x128xi32, #tpu.memory_space<hbm>> -> memref<40x128xi32, #tpu.memory_space<hbm>>
      %dma_wait3A_57 = arith.constant 0 : i32
      %dma_wait3A_58 = arith.constant 0 : i32
      %dma_wait3A_59 = tpu.memref_slice %arg3[%add3A, %run_scoped3A, %dma_wait3A_57, %dma_wait3A_58] : memref<32x2x40x128xi32, #tpu.memory_space<hbm>> -> memref<1x1x40x128xi32, #tpu.memory_space<hbm>>
      %dma_wait3A_60 = tpu.memref_squeeze %dma_wait3A_59 : memref<1x1x40x128xi32, #tpu.memory_space<hbm>> -> memref<40x128xi32, #tpu.memory_space<hbm>>
      tpu.wait_dma2 semaphore(%run_scoped3A_45 : memref<!tpu.dma_semaphore, #tpu.memory_space<semaphore_mem>>) src(%dma_wait3A_60 : memref<40x128xi32, #tpu.memory_space<hbm>>) dst(%arg7 : memref<40x128xi32, #tpu.memory_space<vmem>>)
      tpu.yield
    }) : () -> ()
    %run_scoped3A_7 = arith.constant 0 : i32
    "tpu.region"() ({
      %run_scoped3A_45 = tpu.sem_alloc : memref<!tpu.dma_semaphore, #tpu.memory_space<semaphore_mem>>
      %dma_start3A_46 = arith.constant 0 : i32
      %dma_start3A_47 = arith.constant 0 : i32
      %dma_start3A_48 = tpu.memref_slice %arg4[%add3A, %run_scoped3A_7, %dma_start3A_46, %dma_start3A_47] : memref<32x2x40x128xi32, #tpu.memory_space<hbm>> -> memref<1x1x40x128xi32, #tpu.memory_space<hbm>>
      %dma_start3A_49 = tpu.memref_squeeze %dma_start3A_48 : memref<1x1x40x128xi32, #tpu.memory_space<hbm>> -> memref<40x128xi32, #tpu.memory_space<hbm>>
      %dma_start3A_50 = arith.constant 0 : i32
      %dma_start3A_51 = arith.constant 0 : i32
      %dma_start3A_52 = tpu.memref_slice %arg4[%add3A, %run_scoped3A_7, %dma_start3A_50, %dma_start3A_51] : memref<32x2x40x128xi32, #tpu.memory_space<hbm>> -> memref<1x1x40x128xi32, #tpu.memory_space<hbm>>
      %dma_start3A_53 = tpu.memref_squeeze %dma_start3A_52 : memref<1x1x40x128xi32, #tpu.memory_space<hbm>> -> memref<40x128xi32, #tpu.memory_space<hbm>>
      tpu.enqueue_dma source(%dma_start3A_53 : memref<40x128xi32, #tpu.memory_space<hbm>>) target(%arg8 : memref<40x128xi32, #tpu.memory_space<vmem>>) target_semaphore(%run_scoped3A_45 : memref<!tpu.dma_semaphore, #tpu.memory_space<semaphore_mem>>)
      %dma_wait3A = arith.constant 0 : i32
      %dma_wait3A_54 = arith.constant 0 : i32
      %dma_wait3A_55 = tpu.memref_slice %arg4[%add3A, %run_scoped3A_7, %dma_wait3A, %dma_wait3A_54] : memref<32x2x40x128xi32, #tpu.memory_space<hbm>> -> memref<1x1x40x128xi32, #tpu.memory_space<hbm>>
      %dma_wait3A_56 = tpu.memref_squeeze %dma_wait3A_55 : memref<1x1x40x128xi32, #tpu.memory_space<hbm>> -> memref<40x128xi32, #tpu.memory_space<hbm>>
      %dma_wait3A_57 = arith.constant 0 : i32
      %dma_wait3A_58 = arith.constant 0 : i32
      %dma_wait3A_59 = tpu.memref_slice %arg4[%add3A, %run_scoped3A_7, %dma_wait3A_57, %dma_wait3A_58] : memref<32x2x40x128xi32, #tpu.memory_space<hbm>> -> memref<1x1x40x128xi32, #tpu.memory_space<hbm>>
      %dma_wait3A_60 = tpu.memref_squeeze %dma_wait3A_59 : memref<1x1x40x128xi32, #tpu.memory_space<hbm>> -> memref<40x128xi32, #tpu.memory_space<hbm>>
      tpu.wait_dma2 semaphore(%run_scoped3A_45 : memref<!tpu.dma_semaphore, #tpu.memory_space<semaphore_mem>>) src(%dma_wait3A_60 : memref<40x128xi32, #tpu.memory_space<hbm>>) dst(%arg8 : memref<40x128xi32, #tpu.memory_space<vmem>>)
      tpu.yield
    }) : () -> ()
    %dma_start3A = arith.constant 0 : i32
    %dma_start3A_8 = arith.constant 0 : i32
    %dma_start3A_9 = tpu.memref_slice %arg7[%dma_start3A, %dma_start3A_8] : memref<40x128xi32, #tpu.memory_space<vmem>> -> memref<1x128xi32, #tpu.memory_space<vmem>>
    %dma_start3A_10 = tpu.memref_squeeze %dma_start3A_9 : memref<1x128xi32, #tpu.memory_space<vmem>> -> memref<128xi32, #tpu.memory_space<vmem>>
    %dma_start3A_11 = arith.constant 0 : i32
    %dma_start3A_12 = arith.constant 0 : i32
    %dma_start3A_13 = tpu.memref_slice %arg2[%dma_start3A_11, %dma_start3A_12] : memref<20096x128xf32, #tpu.memory_space<hbm>> -> memref<20096x128xf32, #tpu.memory_space<hbm>>
    tpu.enqueue_indirect_dma source(%dma_start3A_13 : memref<20096x128xf32, #tpu.memory_space<hbm>>) target(%arg9 : memref<128x128xf32, #tpu.memory_space<vmem>>) offsets(%dma_start3A_10 : memref<128xi32, #tpu.memory_space<vmem>>) semaphore(%arg12 : memref<!tpu.dma_semaphore, #tpu.memory_space<semaphore_mem>>)
    %scan3A = arith.constant 0 : i32
    %scan3A_14 = arith.constant 0 : i32
    %scan3A_15 = arith.constant 20 : i32
    %scan3A_16 = arith.addi %scan3A_14, %scan3A_15 : i32
    %scan3A_17 = arith.constant 1 : i32
    scf.for %scan3A_45 = %scan3A_14 to %scan3A_16 step %scan3A_17  : i32 {
      %mul3A_46 = arith.constant 2 : i32
      %mul3A_47 = arith.muli %mul3A_46, %scan3A_45 : i32
      %add3A_48 = arith.constant 1 : i32
      %add3A_49 = arith.addi %mul3A_47, %add3A_48 : i32
      %dma_start3A_50 = arith.constant 0 : i32
      %dma_start3A_51 = tpu.memref_slice %arg7[%add3A_49, %dma_start3A_50] : memref<40x128xi32, #tpu.memory_space<vmem>> -> memref<1x128xi32, #tpu.memory_space<vmem>>
      %dma_start3A_52 = tpu.memref_squeeze %dma_start3A_51 : memref<1x128xi32, #tpu.memory_space<vmem>> -> memref<128xi32, #tpu.memory_space<vmem>>
      %dma_start3A_53 = arith.constant 0 : i32
      %dma_start3A_54 = arith.constant 0 : i32
      %dma_start3A_55 = tpu.memref_slice %arg2[%dma_start3A_53, %dma_start3A_54] : memref<20096x128xf32, #tpu.memory_space<hbm>> -> memref<20096x128xf32, #tpu.memory_space<hbm>>
      tpu.enqueue_indirect_dma source(%dma_start3A_55 : memref<20096x128xf32, #tpu.memory_space<hbm>>) target(%arg10 : memref<128x128xf32, #tpu.memory_space<vmem>>) offsets(%dma_start3A_52 : memref<128xi32, #tpu.memory_space<vmem>>) semaphore(%arg13 : memref<!tpu.dma_semaphore, #tpu.memory_space<semaphore_mem>>)
      %dma_wait3A = arith.constant 0 : i32
      %dma_wait3A_56 = tpu.memref_slice %arg7[%mul3A_47, %dma_wait3A] : memref<40x128xi32, #tpu.memory_space<vmem>> -> memref<1x128xi32, #tpu.memory_space<vmem>>
      %dma_wait3A_57 = tpu.memref_squeeze %dma_wait3A_56 : memref<1x128xi32, #tpu.memory_space<vmem>> -> memref<128xi32, #tpu.memory_space<vmem>>
      %dma_wait3A_58 = arith.constant 0 : i32
      %dma_wait3A_59 = arith.constant 0 : i32
      %dma_wait3A_60 = tpu.memref_slice %arg2[%dma_wait3A_58, %dma_wait3A_59] : memref<20096x128xf32, #tpu.memory_space<hbm>> -> memref<20096x128xf32, #tpu.memory_space<hbm>>
      tpu.wait_indirect_dma semaphore(%arg12 : memref<!tpu.dma_semaphore, #tpu.memory_space<semaphore_mem>>) src(%dma_wait3A_60 : memref<20096x128xf32, #tpu.memory_space<hbm>>) dst(%arg9 : memref<128x128xf32, #tpu.memory_space<vmem>>)
      "tpu.region"() ({
        %run_scoped3A_78 = tpu.sem_alloc : memref<!tpu.dma_semaphore, #tpu.memory_space<semaphore_mem>>
        %dma_start3A_79 = arith.constant 0 : i32
        %dma_start3A_80 = tpu.memref_slice %arg8[%mul3A_47, %dma_start3A_79] : memref<40x128xi32, #tpu.memory_space<vmem>> -> memref<1x128xi32, #tpu.memory_space<vmem>>
        %dma_start3A_81 = tpu.memref_squeeze %dma_start3A_80 : memref<1x128xi32, #tpu.memory_space<vmem>> -> memref<128xi32, #tpu.memory_space<vmem>>
        %dma_start3A_82 = arith.constant 0 : i32
        %dma_start3A_83 = arith.constant 0 : i32
        %dma_start3A_84 = tpu.memref_slice %arg11[%dma_start3A_82, %dma_start3A_83] : memref<10000x128xf32, #tpu.memory_space<vmem_shared>> -> memref<10000x128xf32, #tpu.memory_space<vmem_shared>>
        tpu.enqueue_indirect_dma source(%arg9 : memref<128x128xf32, #tpu.memory_space<vmem>>) target(%dma_start3A_84 : memref<10000x128xf32, #tpu.memory_space<vmem_shared>>) offsets(%dma_start3A_81 : memref<128xi32, #tpu.memory_space<vmem>>) semaphore(%run_scoped3A_78 : memref<!tpu.dma_semaphore, #tpu.memory_space<semaphore_mem>>) {add = true}
        %dma_wait3A_85 = arith.constant 0 : i32
        %dma_wait3A_86 = tpu.memref_slice %arg8[%mul3A_47, %dma_wait3A_85] : memref<40x128xi32, #tpu.memory_space<vmem>> -> memref<1x128xi32, #tpu.memory_space<vmem>>
        %dma_wait3A_87 = tpu.memref_squeeze %dma_wait3A_86 : memref<1x128xi32, #tpu.memory_space<vmem>> -> memref<128xi32, #tpu.memory_space<vmem>>
        %dma_wait3A_88 = arith.constant 0 : i32
        %dma_wait3A_89 = arith.constant 0 : i32
        %dma_wait3A_90 = tpu.memref_slice %arg11[%dma_wait3A_88, %dma_wait3A_89] : memref<10000x128xf32, #tpu.memory_space<vmem_shared>> -> memref<10000x128xf32, #tpu.memory_space<vmem_shared>>
        tpu.wait_indirect_dma semaphore(%run_scoped3A_78 : memref<!tpu.dma_semaphore, #tpu.memory_space<semaphore_mem>>) src(%arg9 : memref<128x128xf32, #tpu.memory_space<vmem>>) dst(%dma_wait3A_90 : memref<10000x128xf32, #tpu.memory_space<vmem_shared>>)
        tpu.yield
      }) : () -> ()
      %add3A_61 = arith.constant 2 : i32
      %add3A_62 = arith.addi %mul3A_47, %add3A_61 : i32
      %lt3A_63 = arith.constant 40 : i32
      %lt3A_64 = arith.cmpi slt, %add3A_62, %lt3A_63 : i32
      %convert_element_type3A_65 = arith.extui %lt3A_64 : i1 to i32
      %cond3A_66 = arith.constant 0 : i32
      %cond3A_67 = arith.cmpi ne, %convert_element_type3A_65, %cond3A_66 : i32
      scf.if %cond3A_67 {
        %add3A_78 = arith.constant 2 : i32
        %add3A_79 = arith.addi %mul3A_47, %add3A_78 : i32
        %dma_start3A_80 = arith.constant 0 : i32
        %dma_start3A_81 = tpu.memref_slice %arg7[%add3A_79, %dma_start3A_80] : memref<40x128xi32, #tpu.memory_space<vmem>> -> memref<1x128xi32, #tpu.memory_space<vmem>>
        %dma_start3A_82 = tpu.memref_squeeze %dma_start3A_81 : memref<1x128xi32, #tpu.memory_space<vmem>> -> memref<128xi32, #tpu.memory_space<vmem>>
        %dma_start3A_83 = arith.constant 0 : i32
        %dma_start3A_84 = arith.constant 0 : i32
        %dma_start3A_85 = tpu.memref_slice %arg2[%dma_start3A_83, %dma_start3A_84] : memref<20096x128xf32, #tpu.memory_space<hbm>> -> memref<20096x128xf32, #tpu.memory_space<hbm>>
        tpu.enqueue_indirect_dma source(%dma_start3A_85 : memref<20096x128xf32, #tpu.memory_space<hbm>>) target(%arg9 : memref<128x128xf32, #tpu.memory_space<vmem>>) offsets(%dma_start3A_82 : memref<128xi32, #tpu.memory_space<vmem>>) semaphore(%arg12 : memref<!tpu.dma_semaphore, #tpu.memory_space<semaphore_mem>>)
      } else {
      }
      %add3A_68 = arith.constant 1 : i32
      %add3A_69 = arith.addi %mul3A_47, %add3A_68 : i32
      %dma_wait3A_70 = arith.constant 0 : i32
      %dma_wait3A_71 = tpu.memref_slice %arg7[%add3A_69, %dma_wait3A_70] : memref<40x128xi32, #tpu.memory_space<vmem>> -> memref<1x128xi32, #tpu.memory_space<vmem>>
      %dma_wait3A_72 = tpu.memref_squeeze %dma_wait3A_71 : memref<1x128xi32, #tpu.memory_space<vmem>> -> memref<128xi32, #tpu.memory_space<vmem>>
      %dma_wait3A_73 = arith.constant 0 : i32
      %dma_wait3A_74 = arith.constant 0 : i32
      %dma_wait3A_75 = tpu.memref_slice %arg2[%dma_wait3A_73, %dma_wait3A_74] : memref<20096x128xf32, #tpu.memory_space<hbm>> -> memref<20096x128xf32, #tpu.memory_space<hbm>>
      tpu.wait_indirect_dma semaphore(%arg13 : memref<!tpu.dma_semaphore, #tpu.memory_space<semaphore_mem>>) src(%dma_wait3A_75 : memref<20096x128xf32, #tpu.memory_space<hbm>>) dst(%arg10 : memref<128x128xf32, #tpu.memory_space<vmem>>)
      %add3A_76 = arith.constant 1 : i32
      %add3A_77 = arith.addi %mul3A_47, %add3A_76 : i32
      "tpu.region"() ({
        %run_scoped3A_78 = tpu.sem_alloc : memref<!tpu.dma_semaphore, #tpu.memory_space<semaphore_mem>>
        %dma_start3A_79 = arith.constant 0 : i32
        %dma_start3A_80 = tpu.memref_slice %arg8[%add3A_77, %dma_start3A_79] : memref<40x128xi32, #tpu.memory_space<vmem>> -> memref<1x128xi32, #tpu.memory_space<vmem>>
        %dma_start3A_81 = tpu.memref_squeeze %dma_start3A_80 : memref<1x128xi32, #tpu.memory_space<vmem>> -> memref<128xi32, #tpu.memory_space<vmem>>
        %dma_start3A_82 = arith.constant 0 : i32
        %dma_start3A_83 = arith.constant 0 : i32
        %dma_start3A_84 = tpu.memref_slice %arg11[%dma_start3A_82, %dma_start3A_83] : memref<10000x128xf32, #tpu.memory_space<vmem_shared>> -> memref<10000x128xf32, #tpu.memory_space<vmem_shared>>
        tpu.enqueue_indirect_dma source(%arg10 : memref<128x128xf32, #tpu.memory_space<vmem>>) target(%dma_start3A_84 : memref<10000x128xf32, #tpu.memory_space<vmem_shared>>) offsets(%dma_start3A_81 : memref<128xi32, #tpu.memory_space<vmem>>) semaphore(%run_scoped3A_78 : memref<!tpu.dma_semaphore, #tpu.memory_space<semaphore_mem>>) {add = true}
        %dma_wait3A_85 = arith.constant 0 : i32
        %dma_wait3A_86 = tpu.memref_slice %arg8[%add3A_77, %dma_wait3A_85] : memref<40x128xi32, #tpu.memory_space<vmem>> -> memref<1x128xi32, #tpu.memory_space<vmem>>
        %dma_wait3A_87 = tpu.memref_squeeze %dma_wait3A_86 : memref<1x128xi32, #tpu.memory_space<vmem>> -> memref<128xi32, #tpu.memory_space<vmem>>
        %dma_wait3A_88 = arith.constant 0 : i32
        %dma_wait3A_89 = arith.constant 0 : i32
        %dma_wait3A_90 = tpu.memref_slice %arg11[%dma_wait3A_88, %dma_wait3A_89] : memref<10000x128xf32, #tpu.memory_space<vmem_shared>> -> memref<10000x128xf32, #tpu.memory_space<vmem_shared>>
        tpu.wait_indirect_dma semaphore(%run_scoped3A_78 : memref<!tpu.dma_semaphore, #tpu.memory_space<semaphore_mem>>) src(%arg10 : memref<128x128xf32, #tpu.memory_space<vmem>>) dst(%dma_wait3A_90 : memref<10000x128xf32, #tpu.memory_space<vmem_shared>>)
        tpu.yield
      }) : () -> ()
    }
    %scan3A_18 = arith.constant 20 : i32
    %run_scoped3A_19 = arith.constant 1 : i32
    "tpu.region"() ({
      %run_scoped3A_45 = tpu.sem_alloc : memref<!tpu.dma_semaphore, #tpu.memory_space<semaphore_mem>>
      %dma_start3A_46 = arith.constant 0 : i32
      %dma_start3A_47 = arith.constant 0 : i32
      %dma_start3A_48 = tpu.memref_slice %arg3[%add3A, %run_scoped3A_19, %dma_start3A_46, %dma_start3A_47] : memref<32x2x40x128xi32, #tpu.memory_space<hbm>> -> memref<1x1x40x128xi32, #tpu.memory_space<hbm>>
      %dma_start3A_49 = tpu.memref_squeeze %dma_start3A_48 : memref<1x1x40x128xi32, #tpu.memory_space<hbm>> -> memref<40x128xi32, #tpu.memory_space<hbm>>
      %dma_start3A_50 = arith.constant 0 : i32
      %dma_start3A_51 = arith.constant 0 : i32
      %dma_start3A_52 = tpu.memref_slice %arg3[%add3A, %run_scoped3A_19, %dma_start3A_50, %dma_start3A_51] : memref<32x2x40x128xi32, #tpu.memory_space<hbm>> -> memref<1x1x40x128xi32, #tpu.memory_space<hbm>>
      %dma_start3A_53 = tpu.memref_squeeze %dma_start3A_52 : memref<1x1x40x128xi32, #tpu.memory_space<hbm>> -> memref<40x128xi32, #tpu.memory_space<hbm>>
      tpu.enqueue_dma source(%dma_start3A_53 : memref<40x128xi32, #tpu.memory_space<hbm>>) target(%arg7 : memref<40x128xi32, #tpu.memory_space<vmem>>) target_semaphore(%run_scoped3A_45 : memref<!tpu.dma_semaphore, #tpu.memory_space<semaphore_mem>>)
      %dma_wait3A = arith.constant 0 : i32
      %dma_wait3A_54 = arith.constant 0 : i32
      %dma_wait3A_55 = tpu.memref_slice %arg3[%add3A, %run_scoped3A_19, %dma_wait3A, %dma_wait3A_54] : memref<32x2x40x128xi32, #tpu.memory_space<hbm>> -> memref<1x1x40x128xi32, #tpu.memory_space<hbm>>
      %dma_wait3A_56 = tpu.memref_squeeze %dma_wait3A_55 : memref<1x1x40x128xi32, #tpu.memory_space<hbm>> -> memref<40x128xi32, #tpu.memory_space<hbm>>
      %dma_wait3A_57 = arith.constant 0 : i32
      %dma_wait3A_58 = arith.constant 0 : i32
      %dma_wait3A_59 = tpu.memref_slice %arg3[%add3A, %run_scoped3A_19, %dma_wait3A_57, %dma_wait3A_58] : memref<32x2x40x128xi32, #tpu.memory_space<hbm>> -> memref<1x1x40x128xi32, #tpu.memory_space<hbm>>
      %dma_wait3A_60 = tpu.memref_squeeze %dma_wait3A_59 : memref<1x1x40x128xi32, #tpu.memory_space<hbm>> -> memref<40x128xi32, #tpu.memory_space<hbm>>
      tpu.wait_dma2 semaphore(%run_scoped3A_45 : memref<!tpu.dma_semaphore, #tpu.memory_space<semaphore_mem>>) src(%dma_wait3A_60 : memref<40x128xi32, #tpu.memory_space<hbm>>) dst(%arg7 : memref<40x128xi32, #tpu.memory_space<vmem>>)
      tpu.yield
    }) : () -> ()
    %run_scoped3A_20 = arith.constant 1 : i32
    "tpu.region"() ({
      %run_scoped3A_45 = tpu.sem_alloc : memref<!tpu.dma_semaphore, #tpu.memory_space<semaphore_mem>>
      %dma_start3A_46 = arith.constant 0 : i32
      %dma_start3A_47 = arith.constant 0 : i32
      %dma_start3A_48 = tpu.memref_slice %arg4[%add3A, %run_scoped3A_20, %dma_start3A_46, %dma_start3A_47] : memref<32x2x40x128xi32, #tpu.memory_space<hbm>> -> memref<1x1x40x128xi32, #tpu.memory_space<hbm>>
      %dma_start3A_49 = tpu.memref_squeeze %dma_start3A_48 : memref<1x1x40x128xi32, #tpu.memory_space<hbm>> -> memref<40x128xi32, #tpu.memory_space<hbm>>
      %dma_start3A_50 = arith.constant 0 : i32
      %dma_start3A_51 = arith.constant 0 : i32
      %dma_start3A_52 = tpu.memref_slice %arg4[%add3A, %run_scoped3A_20, %dma_start3A_50, %dma_start3A_51] : memref<32x2x40x128xi32, #tpu.memory_space<hbm>> -> memref<1x1x40x128xi32, #tpu.memory_space<hbm>>
      %dma_start3A_53 = tpu.memref_squeeze %dma_start3A_52 : memref<1x1x40x128xi32, #tpu.memory_space<hbm>> -> memref<40x128xi32, #tpu.memory_space<hbm>>
      tpu.enqueue_dma source(%dma_start3A_53 : memref<40x128xi32, #tpu.memory_space<hbm>>) target(%arg8 : memref<40x128xi32, #tpu.memory_space<vmem>>) target_semaphore(%run_scoped3A_45 : memref<!tpu.dma_semaphore, #tpu.memory_space<semaphore_mem>>)
      %dma_wait3A = arith.constant 0 : i32
      %dma_wait3A_54 = arith.constant 0 : i32
      %dma_wait3A_55 = tpu.memref_slice %arg4[%add3A, %run_scoped3A_20, %dma_wait3A, %dma_wait3A_54] : memref<32x2x40x128xi32, #tpu.memory_space<hbm>> -> memref<1x1x40x128xi32, #tpu.memory_space<hbm>>
      %dma_wait3A_56 = tpu.memref_squeeze %dma_wait3A_55 : memref<1x1x40x128xi32, #tpu.memory_space<hbm>> -> memref<40x128xi32, #tpu.memory_space<hbm>>
      %dma_wait3A_57 = arith.constant 0 : i32
      %dma_wait3A_58 = arith.constant 0 : i32
      %dma_wait3A_59 = tpu.memref_slice %arg4[%add3A, %run_scoped3A_20, %dma_wait3A_57, %dma_wait3A_58] : memref<32x2x40x128xi32, #tpu.memory_space<hbm>> -> memref<1x1x40x128xi32, #tpu.memory_space<hbm>>
      %dma_wait3A_60 = tpu.memref_squeeze %dma_wait3A_59 : memref<1x1x40x128xi32, #tpu.memory_space<hbm>> -> memref<40x128xi32, #tpu.memory_space<hbm>>
      tpu.wait_dma2 semaphore(%run_scoped3A_45 : memref<!tpu.dma_semaphore, #tpu.memory_space<semaphore_mem>>) src(%dma_wait3A_60 : memref<40x128xi32, #tpu.memory_space<hbm>>) dst(%arg8 : memref<40x128xi32, #tpu.memory_space<vmem>>)
      tpu.yield
    }) : () -> ()
    %dma_start3A_21 = arith.constant 0 : i32
    %dma_start3A_22 = arith.constant 0 : i32
    %dma_start3A_23 = tpu.memref_slice %arg7[%dma_start3A_21, %dma_start3A_22] : memref<40x128xi32, #tpu.memory_space<vmem>> -> memref<1x128xi32, #tpu.memory_space<vmem>>
    %dma_start3A_24 = tpu.memref_squeeze %dma_start3A_23 : memref<1x128xi32, #tpu.memory_space<vmem>> -> memref<128xi32, #tpu.memory_space<vmem>>
    %dma_start3A_25 = arith.constant 0 : i32
    %dma_start3A_26 = arith.constant 0 : i32
    %dma_start3A_27 = tpu.memref_slice %arg2[%dma_start3A_25, %dma_start3A_26] : memref<20096x128xf32, #tpu.memory_space<hbm>> -> memref<20096x128xf32, #tpu.memory_space<hbm>>
    tpu.enqueue_indirect_dma source(%dma_start3A_27 : memref<20096x128xf32, #tpu.memory_space<hbm>>) target(%arg9 : memref<128x128xf32, #tpu.memory_space<vmem>>) offsets(%dma_start3A_24 : memref<128xi32, #tpu.memory_space<vmem>>) semaphore(%arg12 : memref<!tpu.dma_semaphore, #tpu.memory_space<semaphore_mem>>)
    %scan3A_28 = arith.constant 0 : i32
    %scan3A_29 = arith.constant 0 : i32
    %scan3A_30 = arith.constant 20 : i32
    %scan3A_31 = arith.addi %scan3A_29, %scan3A_30 : i32
    %scan3A_32 = arith.constant 1 : i32
    scf.for %scan3A_45 = %scan3A_29 to %scan3A_31 step %scan3A_32  : i32 {
      %mul3A_46 = arith.constant 2 : i32
      %mul3A_47 = arith.muli %mul3A_46, %scan3A_45 : i32
      %add3A_48 = arith.constant 1 : i32
      %add3A_49 = arith.addi %mul3A_47, %add3A_48 : i32
      %dma_start3A_50 = arith.constant 0 : i32
      %dma_start3A_51 = tpu.memref_slice %arg7[%add3A_49, %dma_start3A_50] : memref<40x128xi32, #tpu.memory_space<vmem>> -> memref<1x128xi32, #tpu.memory_space<vmem>>
      %dma_start3A_52 = tpu.memref_squeeze %dma_start3A_51 : memref<1x128xi32, #tpu.memory_space<vmem>> -> memref<128xi32, #tpu.memory_space<vmem>>
      %dma_start3A_53 = arith.constant 0 : i32
      %dma_start3A_54 = arith.constant 0 : i32
      %dma_start3A_55 = tpu.memref_slice %arg2[%dma_start3A_53, %dma_start3A_54] : memref<20096x128xf32, #tpu.memory_space<hbm>> -> memref<20096x128xf32, #tpu.memory_space<hbm>>
      tpu.enqueue_indirect_dma source(%dma_start3A_55 : memref<20096x128xf32, #tpu.memory_space<hbm>>) target(%arg10 : memref<128x128xf32, #tpu.memory_space<vmem>>) offsets(%dma_start3A_52 : memref<128xi32, #tpu.memory_space<vmem>>) semaphore(%arg13 : memref<!tpu.dma_semaphore, #tpu.memory_space<semaphore_mem>>)
      %dma_wait3A = arith.constant 0 : i32
      %dma_wait3A_56 = tpu.memref_slice %arg7[%mul3A_47, %dma_wait3A] : memref<40x128xi32, #tpu.memory_space<vmem>> -> memref<1x128xi32, #tpu.memory_space<vmem>>
      %dma_wait3A_57 = tpu.memref_squeeze %dma_wait3A_56 : memref<1x128xi32, #tpu.memory_space<vmem>> -> memref<128xi32, #tpu.memory_space<vmem>>
      %dma_wait3A_58 = arith.constant 0 : i32
      %dma_wait3A_59 = arith.constant 0 : i32
      %dma_wait3A_60 = tpu.memref_slice %arg2[%dma_wait3A_58, %dma_wait3A_59] : memref<20096x128xf32, #tpu.memory_space<hbm>> -> memref<20096x128xf32, #tpu.memory_space<hbm>>
      tpu.wait_indirect_dma semaphore(%arg12 : memref<!tpu.dma_semaphore, #tpu.memory_space<semaphore_mem>>) src(%dma_wait3A_60 : memref<20096x128xf32, #tpu.memory_space<hbm>>) dst(%arg9 : memref<128x128xf32, #tpu.memory_space<vmem>>)
      "tpu.region"() ({
        %run_scoped3A_78 = tpu.sem_alloc : memref<!tpu.dma_semaphore, #tpu.memory_space<semaphore_mem>>
        %dma_start3A_79 = arith.constant 0 : i32
        %dma_start3A_80 = tpu.memref_slice %arg8[%mul3A_47, %dma_start3A_79] : memref<40x128xi32, #tpu.memory_space<vmem>> -> memref<1x128xi32, #tpu.memory_space<vmem>>
        %dma_start3A_81 = tpu.memref_squeeze %dma_start3A_80 : memref<1x128xi32, #tpu.memory_space<vmem>> -> memref<128xi32, #tpu.memory_space<vmem>>
        %dma_start3A_82 = arith.constant 0 : i32
        %dma_start3A_83 = arith.constant 0 : i32
        %dma_start3A_84 = tpu.memref_slice %arg11[%dma_start3A_82, %dma_start3A_83] : memref<10000x128xf32, #tpu.memory_space<vmem_shared>> -> memref<10000x128xf32, #tpu.memory_space<vmem_shared>>
        tpu.enqueue_indirect_dma source(%arg9 : memref<128x128xf32, #tpu.memory_space<vmem>>) target(%dma_start3A_84 : memref<10000x128xf32, #tpu.memory_space<vmem_shared>>) offsets(%dma_start3A_81 : memref<128xi32, #tpu.memory_space<vmem>>) semaphore(%run_scoped3A_78 : memref<!tpu.dma_semaphore, #tpu.memory_space<semaphore_mem>>) {add = true}
        %dma_wait3A_85 = arith.constant 0 : i32
        %dma_wait3A_86 = tpu.memref_slice %arg8[%mul3A_47, %dma_wait3A_85] : memref<40x128xi32, #tpu.memory_space<vmem>> -> memref<1x128xi32, #tpu.memory_space<vmem>>
        %dma_wait3A_87 = tpu.memref_squeeze %dma_wait3A_86 : memref<1x128xi32, #tpu.memory_space<vmem>> -> memref<128xi32, #tpu.memory_space<vmem>>
        %dma_wait3A_88 = arith.constant 0 : i32
        %dma_wait3A_89 = arith.constant 0 : i32
        %dma_wait3A_90 = tpu.memref_slice %arg11[%dma_wait3A_88, %dma_wait3A_89] : memref<10000x128xf32, #tpu.memory_space<vmem_shared>> -> memref<10000x128xf32, #tpu.memory_space<vmem_shared>>
        tpu.wait_indirect_dma semaphore(%run_scoped3A_78 : memref<!tpu.dma_semaphore, #tpu.memory_space<semaphore_mem>>) src(%arg9 : memref<128x128xf32, #tpu.memory_space<vmem>>) dst(%dma_wait3A_90 : memref<10000x128xf32, #tpu.memory_space<vmem_shared>>)
        tpu.yield
      }) : () -> ()
      %add3A_61 = arith.constant 2 : i32
      %add3A_62 = arith.addi %mul3A_47, %add3A_61 : i32
      %lt3A_63 = arith.constant 40 : i32
      %lt3A_64 = arith.cmpi slt, %add3A_62, %lt3A_63 : i32
      %convert_element_type3A_65 = arith.extui %lt3A_64 : i1 to i32
      %cond3A_66 = arith.constant 0 : i32
      %cond3A_67 = arith.cmpi ne, %convert_element_type3A_65, %cond3A_66 : i32
      scf.if %cond3A_67 {
        %add3A_78 = arith.constant 2 : i32
        %add3A_79 = arith.addi %mul3A_47, %add3A_78 : i32
        %dma_start3A_80 = arith.constant 0 : i32
        %dma_start3A_81 = tpu.memref_slice %arg7[%add3A_79, %dma_start3A_80] : memref<40x128xi32, #tpu.memory_space<vmem>> -> memref<1x128xi32, #tpu.memory_space<vmem>>
        %dma_start3A_82 = tpu.memref_squeeze %dma_start3A_81 : memref<1x128xi32, #tpu.memory_space<vmem>> -> memref<128xi32, #tpu.memory_space<vmem>>
        %dma_start3A_83 = arith.constant 0 : i32
        %dma_start3A_84 = arith.constant 0 : i32
        %dma_start3A_85 = tpu.memref_slice %arg2[%dma_start3A_83, %dma_start3A_84] : memref<20096x128xf32, #tpu.memory_space<hbm>> -> memref<20096x128xf32, #tpu.memory_space<hbm>>
        tpu.enqueue_indirect_dma source(%dma_start3A_85 : memref<20096x128xf32, #tpu.memory_space<hbm>>) target(%arg9 : memref<128x128xf32, #tpu.memory_space<vmem>>) offsets(%dma_start3A_82 : memref<128xi32, #tpu.memory_space<vmem>>) semaphore(%arg12 : memref<!tpu.dma_semaphore, #tpu.memory_space<semaphore_mem>>)
      } else {
      }
      %add3A_68 = arith.constant 1 : i32
      %add3A_69 = arith.addi %mul3A_47, %add3A_68 : i32
      %dma_wait3A_70 = arith.constant 0 : i32
      %dma_wait3A_71 = tpu.memref_slice %arg7[%add3A_69, %dma_wait3A_70] : memref<40x128xi32, #tpu.memory_space<vmem>> -> memref<1x128xi32, #tpu.memory_space<vmem>>
      %dma_wait3A_72 = tpu.memref_squeeze %dma_wait3A_71 : memref<1x128xi32, #tpu.memory_space<vmem>> -> memref<128xi32, #tpu.memory_space<vmem>>
      %dma_wait3A_73 = arith.constant 0 : i32
      %dma_wait3A_74 = arith.constant 0 : i32
      %dma_wait3A_75 = tpu.memref_slice %arg2[%dma_wait3A_73, %dma_wait3A_74] : memref<20096x128xf32, #tpu.memory_space<hbm>> -> memref<20096x128xf32, #tpu.memory_space<hbm>>
      tpu.wait_indirect_dma semaphore(%arg13 : memref<!tpu.dma_semaphore, #tpu.memory_space<semaphore_mem>>) src(%dma_wait3A_75 : memref<20096x128xf32, #tpu.memory_space<hbm>>) dst(%arg10 : memref<128x128xf32, #tpu.memory_space<vmem>>)
      %add3A_76 = arith.constant 1 : i32
      %add3A_77 = arith.addi %mul3A_47, %add3A_76 : i32
      "tpu.region"() ({
        %run_scoped3A_78 = tpu.sem_alloc : memref<!tpu.dma_semaphore, #tpu.memory_space<semaphore_mem>>
        %dma_start3A_79 = arith.constant 0 : i32
        %dma_start3A_80 = tpu.memref_slice %arg8[%add3A_77, %dma_start3A_79] : memref<40x128xi32, #tpu.memory_space<vmem>> -> memref<1x128xi32, #tpu.memory_space<vmem>>
        %dma_start3A_81 = tpu.memref_squeeze %dma_start3A_80 : memref<1x128xi32, #tpu.memory_space<vmem>> -> memref<128xi32, #tpu.memory_space<vmem>>
        %dma_start3A_82 = arith.constant 0 : i32
        %dma_start3A_83 = arith.constant 0 : i32
        %dma_start3A_84 = tpu.memref_slice %arg11[%dma_start3A_82, %dma_start3A_83] : memref<10000x128xf32, #tpu.memory_space<vmem_shared>> -> memref<10000x128xf32, #tpu.memory_space<vmem_shared>>
        tpu.enqueue_indirect_dma source(%arg10 : memref<128x128xf32, #tpu.memory_space<vmem>>) target(%dma_start3A_84 : memref<10000x128xf32, #tpu.memory_space<vmem_shared>>) offsets(%dma_start3A_81 : memref<128xi32, #tpu.memory_space<vmem>>) semaphore(%run_scoped3A_78 : memref<!tpu.dma_semaphore, #tpu.memory_space<semaphore_mem>>) {add = true}
        %dma_wait3A_85 = arith.constant 0 : i32
        %dma_wait3A_86 = tpu.memref_slice %arg8[%add3A_77, %dma_wait3A_85] : memref<40x128xi32, #tpu.memory_space<vmem>> -> memref<1x128xi32, #tpu.memory_space<vmem>>
        %dma_wait3A_87 = tpu.memref_squeeze %dma_wait3A_86 : memref<1x128xi32, #tpu.memory_space<vmem>> -> memref<128xi32, #tpu.memory_space<vmem>>
        %dma_wait3A_88 = arith.constant 0 : i32
        %dma_wait3A_89 = arith.constant 0 : i32
        %dma_wait3A_90 = tpu.memref_slice %arg11[%dma_wait3A_88, %dma_wait3A_89] : memref<10000x128xf32, #tpu.memory_space<vmem_shared>> -> memref<10000x128xf32, #tpu.memory_space<vmem_shared>>
        tpu.wait_indirect_dma semaphore(%run_scoped3A_78 : memref<!tpu.dma_semaphore, #tpu.memory_space<semaphore_mem>>) src(%arg10 : memref<128x128xf32, #tpu.memory_space<vmem>>) dst(%dma_wait3A_90 : memref<10000x128xf32, #tpu.memory_space<vmem_shared>>)
        tpu.yield
      }) : () -> ()
    }
    %scan3A_33 = arith.constant 20 : i32
    %barrier3A_34 = arith.constant 0 : index
    tpu.barrier barrier_id(%barrier3A_34)
    %lt3A_35 = arith.constant 15 : i32
    %lt3A_36 = arith.cmpi slt, %arg1, %lt3A_35 : i32
    %convert_element_type3A_37 = arith.extui %lt3A_36 : i1 to i32
    %cond3A_38 = arith.constant 0 : i32
    %cond3A_39 = arith.cmpi ne, %convert_element_type3A_37, %cond3A_38 : i32
    scf.if %cond3A_39 {
      %mul3A_45 = arith.constant 632 : i32
      %mul3A_46 = arith.muli %arg1, %mul3A_45 : i32
      %mul3A_47 = arith.constant 10000 : i32
      %mul3A_48 = arith.muli %arg0, %mul3A_47 : i32
      %mul3A_49 = arith.constant 632 : i32
      %mul3A_50 = arith.muli %arg1, %mul3A_49 : i32
      %add3A_51 = arith.addi %mul3A_48, %mul3A_50 : i32
      "tpu.region"() ({
        %run_scoped3A_52 = tpu.sem_alloc : memref<!tpu.dma_semaphore, #tpu.memory_space<semaphore_mem>>
        %dma_start3A_53 = arith.constant 0 : i32
        %dma_start3A_54 = tpu.memref_slice %arg6[%add3A_51, %dma_start3A_53] : memref<20000x128xf32, #tpu.memory_space<hbm>> -> memref<632x128xf32, #tpu.memory_space<hbm>>
        %dma_start3A_55 = arith.constant 0 : i32
        %dma_start3A_56 = tpu.memref_slice %arg11[%mul3A_46, %dma_start3A_55] : memref<10000x128xf32, #tpu.memory_space<vmem_shared>> -> memref<632x128xf32, #tpu.memory_space<vmem_shared>>
        tpu.enqueue_dma source(%dma_start3A_56 : memref<632x128xf32, #tpu.memory_space<vmem_shared>>) target(%dma_start3A_54 : memref<632x128xf32, #tpu.memory_space<hbm>>) target_semaphore(%run_scoped3A_52 : memref<!tpu.dma_semaphore, #tpu.memory_space<semaphore_mem>>)
        %dma_wait3A = arith.constant 0 : i32
        %dma_wait3A_57 = tpu.memref_slice %arg6[%add3A_51, %dma_wait3A] : memref<20000x128xf32, #tpu.memory_space<hbm>> -> memref<632x128xf32, #tpu.memory_space<hbm>>
        %dma_wait3A_58 = arith.constant 0 : i32
        %dma_wait3A_59 = tpu.memref_slice %arg11[%mul3A_46, %dma_wait3A_58] : memref<10000x128xf32, #tpu.memory_space<vmem_shared>> -> memref<632x128xf32, #tpu.memory_space<vmem_shared>>
        tpu.wait_dma2 semaphore(%run_scoped3A_52 : memref<!tpu.dma_semaphore, #tpu.memory_space<semaphore_mem>>) src(%dma_wait3A_59 : memref<632x128xf32, #tpu.memory_space<vmem_shared>>) dst(%dma_wait3A_57 : memref<632x128xf32, #tpu.memory_space<hbm>>)
        tpu.yield
      }) : () -> ()
    } else {
    }
    %eq3A_40 = arith.constant 15 : i32
    %eq3A_41 = arith.cmpi eq, %arg1, %eq3A_40 : i32
    %convert_element_type3A_42 = arith.extui %eq3A_41 : i1 to i32
    %cond3A_43 = arith.constant 0 : i32
    %cond3A_44 = arith.cmpi ne, %convert_element_type3A_42, %cond3A_43 : i32
    scf.if %cond3A_44 {
      %mul3A_45 = arith.constant 10000 : i32
      %mul3A_46 = arith.muli %arg0, %mul3A_45 : i32
      %add3A_47 = arith.constant 9480 : i32
      %add3A_48 = arith.addi %mul3A_46, %add3A_47 : i32
      "tpu.region"() ({
        %run_scoped3A_49 = tpu.sem_alloc : memref<!tpu.dma_semaphore, #tpu.memory_space<semaphore_mem>>
        %dma_start3A_50 = arith.constant 0 : i32
        %dma_start3A_51 = tpu.memref_slice %arg6[%add3A_48, %dma_start3A_50] : memref<20000x128xf32, #tpu.memory_space<hbm>> -> memref<520x128xf32, #tpu.memory_space<hbm>>
        %dma_start3A_52 = arith.constant 9480 : i32
        %dma_start3A_53 = arith.constant 0 : i32
        %dma_start3A_54 = tpu.memref_slice %arg11[%dma_start3A_52, %dma_start3A_53] : memref<10000x128xf32, #tpu.memory_space<vmem_shared>> -> memref<520x128xf32, #tpu.memory_space<vmem_shared>>
        tpu.enqueue_dma source(%dma_start3A_54 : memref<520x128xf32, #tpu.memory_space<vmem_shared>>) target(%dma_start3A_51 : memref<520x128xf32, #tpu.memory_space<hbm>>) target_semaphore(%run_scoped3A_49 : memref<!tpu.dma_semaphore, #tpu.memory_space<semaphore_mem>>)
        %dma_wait3A = arith.constant 0 : i32
        %dma_wait3A_55 = tpu.memref_slice %arg6[%add3A_48, %dma_wait3A] : memref<20000x128xf32, #tpu.memory_space<hbm>> -> memref<520x128xf32, #tpu.memory_space<hbm>>
        %dma_wait3A_56 = arith.constant 9480 : i32
        %dma_wait3A_57 = arith.constant 0 : i32
        %dma_wait3A_58 = tpu.memref_slice %arg11[%dma_wait3A_56, %dma_wait3A_57] : memref<10000x128xf32, #tpu.memory_space<vmem_shared>> -> memref<520x128xf32, #tpu.memory_space<vmem_shared>>
        tpu.wait_dma2 semaphore(%run_scoped3A_49 : memref<!tpu.dma_semaphore, #tpu.memory_space<semaphore_mem>>) src(%dma_wait3A_58 : memref<520x128xf32, #tpu.memory_space<vmem_shared>>) dst(%dma_wait3A_55 : memref<520x128xf32, #tpu.memory_space<hbm>>)
        tpu.yield
      }) : () -> ()
    } else {
    }
    return
  }
}

#map = affine_map<(d0, d1) -> (0, 0)>
#map1 = affine_map<(d0, d1) -> (0, 0, 0, 0)>
module attributes {stable_mosaic.version = 14 : i64} {
  func.func @sc_seg_sum(%arg0: i32, %arg1: i32, %arg2: memref<20096x128xf32, #tpu.memory_space<hbm>>, %arg3: memref<32x2x40x128xi32, #tpu.memory_space<hbm>>, %arg4: memref<32x2x40x128xi32, #tpu.memory_space<hbm>>, %arg5: memref<632x128xf32, #tpu.memory_space<hbm>>, %arg6: memref<20000x128xf32, #tpu.memory_space<hbm>>, %arg7: memref<40x128xi32, #tpu.memory_space<vmem>>, %arg8: memref<40x128xi32, #tpu.memory_space<vmem>>, %arg9: memref<128x128xf32, #tpu.memory_space<vmem>>, %arg10: memref<128x128xf32, #tpu.memory_space<vmem>>, %arg11: memref<10000x128xf32, #tpu.memory_space<vmem_shared>>, %arg12: memref<!tpu.dma_semaphore, #tpu.memory_space<semaphore_mem>>, %arg13: memref<!tpu.dma_semaphore, #tpu.memory_space<semaphore_mem>>) attributes {dimension_semantics = [#tpu.dimension_semantics<core_parallel>, #tpu.dimension_semantics<subcore_parallel>], iteration_bounds = array<i64: 2, 16>, scalar_prefetch = 0 : i64, scratch_operands = 7 : i64, tpu.core_type = #tpu.core_type<sc_vector_subcore>, window_params = [{transform_indices = #map}, {transform_indices = #map1}, {transform_indices = #map1}, {transform_indices = #map}, {transform_indices = #map}]} {
    %mul3A = arith.constant 16 : i32
    %mul3A_0 = arith.muli %arg0, %mul3A : i32
    %add3A = arith.addi %mul3A_0, %arg1 : i32
    %lt3A = arith.constant 15 : i32
    %lt3A_1 = arith.cmpi slt, %arg1, %lt3A : i32
    %convert_element_type3A = arith.extui %lt3A_1 : i1 to i32
    %cond3A = arith.constant 0 : i32
    %cond3A_2 = arith.cmpi ne, %convert_element_type3A, %cond3A : i32
    scf.if %cond3A_2 {
      %mul3A_45 = arith.constant 632 : i32
      %mul3A_46 = arith.muli %arg1, %mul3A_45 : i32
      "tpu.region"() ({
        %run_scoped3A_47 = tpu.sem_alloc : memref<!tpu.dma_semaphore, #tpu.memory_space<semaphore_mem>>
        %dma_start3A_48 = arith.constant 0 : i32
        %dma_start3A_49 = tpu.memref_slice %arg11[%mul3A_46, %dma_start3A_48] : memref<10000x128xf32, #tpu.memory_space<vmem_shared>> -> memref<632x128xf32, #tpu.memory_space<vmem_shared>>
        tpu.enqueue_dma source(%arg5 : memref<632x128xf32, #tpu.memory_space<hbm>>) target(%dma_start3A_49 : memref<632x128xf32, #tpu.memory_space<vmem_shared>>) target_semaphore(%run_scoped3A_47 : memref<!tpu.dma_semaphore, #tpu.memory_space<semaphore_mem>>)
        %dma_wait3A = arith.constant 0 : i32
        %dma_wait3A_50 = tpu.memref_slice %arg11[%mul3A_46, %dma_wait3A] : memref<10000x128xf32, #tpu.memory_space<vmem_shared>> -> memref<632x128xf32, #tpu.memory_space<vmem_shared>>
        tpu.wait_dma2 semaphore(%run_scoped3A_47 : memref<!tpu.dma_semaphore, #tpu.memory_space<semaphore_mem>>) src(%arg5 : memref<632x128xf32, #tpu.memory_space<hbm>>) dst(%dma_wait3A_50 : memref<632x128xf32, #tpu.memory_space<vmem_shared>>)
        tpu.yield
      }) : () -> ()
    } else {
    }
    %eq3A = arith.constant 15 : i32
    %eq3A_3 = arith.cmpi eq, %arg1, %eq3A : i32
    %convert_element_type3A_4 = arith.extui %eq3A_3 : i1 to i32
    %cond3A_5 = arith.constant 0 : i32
    %cond3A_6 = arith.cmpi ne, %convert_element_type3A_4, %cond3A_5 : i32
    scf.if %cond3A_6 {
      "tpu.region"() ({
        %run_scoped3A_45 = tpu.sem_alloc : memref<!tpu.dma_semaphore, #tpu.memory_space<semaphore_mem>>
        %dma_start3A_46 = arith.constant 9480 : i32
        %dma_start3A_47 = arith.constant 0 : i32
        %dma_start3A_48 = tpu.memref_slice %arg11[%dma_start3A_46, %dma_start3A_47] : memref<10000x128xf32, #tpu.memory_space<vmem_shared>> -> memref<520x128xf32, #tpu.memory_space<vmem_shared>>
        %dma_start3A_49 = arith.constant 0 : i32
        %dma_start3A_50 = arith.constant 0 : i32
        %dma_start3A_51 = tpu.memref_slice %arg5[%dma_start3A_49, %dma_start3A_50] : memref<632x128xf32, #tpu.memory_space<hbm>> -> memref<520x128xf32, #tpu.memory_space<hbm>>
        tpu.enqueue_dma source(%dma_start3A_51 : memref<520x128xf32, #tpu.memory_space<hbm>>) target(%dma_start3A_48 : memref<520x128xf32, #tpu.memory_space<vmem_shared>>) target_semaphore(%run_scoped3A_45 : memref<!tpu.dma_semaphore, #tpu.memory_space<semaphore_mem>>)
        %dma_wait3A = arith.constant 9480 : i32
        %dma_wait3A_52 = arith.constant 0 : i32
        %dma_wait3A_53 = tpu.memref_slice %arg11[%dma_wait3A, %dma_wait3A_52] : memref<10000x128xf32, #tpu.memory_space<vmem_shared>> -> memref<520x128xf32, #tpu.memory_space<vmem_shared>>
        %dma_wait3A_54 = arith.constant 0 : i32
        %dma_wait3A_55 = arith.constant 0 : i32
        %dma_wait3A_56 = tpu.memref_slice %arg5[%dma_wait3A_54, %dma_wait3A_55] : memref<632x128xf32, #tpu.memory_space<hbm>> -> memref<520x128xf32, #tpu.memory_space<hbm>>
        tpu.wait_dma2 semaphore(%run_scoped3A_45 : memref<!tpu.dma_semaphore, #tpu.memory_space<semaphore_mem>>) src(%dma_wait3A_56 : memref<520x128xf32, #tpu.memory_space<hbm>>) dst(%dma_wait3A_53 : memref<520x128xf32, #tpu.memory_space<vmem_shared>>)
        tpu.yield
      }) : () -> ()
    } else {
    }
    %barrier3A = arith.constant 0 : index
    tpu.barrier barrier_id(%barrier3A)
    %run_scoped3A = arith.constant 0 : i32
    "tpu.region"() ({
      %run_scoped3A_45 = tpu.sem_alloc : memref<!tpu.dma_semaphore, #tpu.memory_space<semaphore_mem>>
      %dma_start3A_46 = arith.constant 0 : i32
      %dma_start3A_47 = arith.constant 0 : i32
      %dma_start3A_48 = tpu.memref_slice %arg3[%add3A, %run_scoped3A, %dma_start3A_46, %dma_start3A_47] : memref<32x2x40x128xi32, #tpu.memory_space<hbm>> -> memref<1x1x40x128xi32, #tpu.memory_space<hbm>>
      %dma_start3A_49 = tpu.memref_squeeze %dma_start3A_48 : memref<1x1x40x128xi32, #tpu.memory_space<hbm>> -> memref<40x128xi32, #tpu.memory_space<hbm>>
      %dma_start3A_50 = arith.constant 0 : i32
      %dma_start3A_51 = arith.constant 0 : i32
      %dma_start3A_52 = tpu.memref_slice %arg3[%add3A, %run_scoped3A, %dma_start3A_50, %dma_start3A_51] : memref<32x2x40x128xi32, #tpu.memory_space<hbm>> -> memref<1x1x40x128xi32, #tpu.memory_space<hbm>>
      %dma_start3A_53 = tpu.memref_squeeze %dma_start3A_52 : memref<1x1x40x128xi32, #tpu.memory_space<hbm>> -> memref<40x128xi32, #tpu.memory_space<hbm>>
      tpu.enqueue_dma source(%dma_start3A_53 : memref<40x128xi32, #tpu.memory_space<hbm>>) target(%arg7 : memref<40x128xi32, #tpu.memory_space<vmem>>) target_semaphore(%run_scoped3A_45 : memref<!tpu.dma_semaphore, #tpu.memory_space<semaphore_mem>>)
      %dma_wait3A = arith.constant 0 : i32
      %dma_wait3A_54 = arith.constant 0 : i32
      %dma_wait3A_55 = tpu.memref_slice %arg3[%add3A, %run_scoped3A, %dma_wait3A, %dma_wait3A_54] : memref<32x2x40x128xi32, #tpu.memory_space<hbm>> -> memref<1x1x40x128xi32, #tpu.memory_space<hbm>>
      %dma_wait3A_56 = tpu.memref_squeeze %dma_wait3A_55 : memref<1x1x40x128xi32, #tpu.memory_space<hbm>> -> memref<40x128xi32, #tpu.memory_space<hbm>>
      %dma_wait3A_57 = arith.constant 0 : i32
      %dma_wait3A_58 = arith.constant 0 : i32
      %dma_wait3A_59 = tpu.memref_slice %arg3[%add3A, %run_scoped3A, %dma_wait3A_57, %dma_wait3A_58] : memref<32x2x40x128xi32, #tpu.memory_space<hbm>> -> memref<1x1x40x128xi32, #tpu.memory_space<hbm>>
      %dma_wait3A_60 = tpu.memref_squeeze %dma_wait3A_59 : memref<1x1x40x128xi32, #tpu.memory_space<hbm>> -> memref<40x128xi32, #tpu.memory_space<hbm>>
      tpu.wait_dma2 semaphore(%run_scoped3A_45 : memref<!tpu.dma_semaphore, #tpu.memory_space<semaphore_mem>>) src(%dma_wait3A_60 : memref<40x128xi32, #tpu.memory_space<hbm>>) dst(%arg7 : memref<40x128xi32, #tpu.memory_space<vmem>>)
      tpu.yield
    }) : () -> ()
    %run_scoped3A_7 = arith.constant 0 : i32
    "tpu.region"() ({
      %run_scoped3A_45 = tpu.sem_alloc : memref<!tpu.dma_semaphore, #tpu.memory_space<semaphore_mem>>
      %dma_start3A_46 = arith.constant 0 : i32
      %dma_start3A_47 = arith.constant 0 : i32
      %dma_start3A_48 = tpu.memref_slice %arg4[%add3A, %run_scoped3A_7, %dma_start3A_46, %dma_start3A_47] : memref<32x2x40x128xi32, #tpu.memory_space<hbm>> -> memref<1x1x40x128xi32, #tpu.memory_space<hbm>>
      %dma_start3A_49 = tpu.memref_squeeze %dma_start3A_48 : memref<1x1x40x128xi32, #tpu.memory_space<hbm>> -> memref<40x128xi32, #tpu.memory_space<hbm>>
      %dma_start3A_50 = arith.constant 0 : i32
      %dma_start3A_51 = arith.constant 0 : i32
      %dma_start3A_52 = tpu.memref_slice %arg4[%add3A, %run_scoped3A_7, %dma_start3A_50, %dma_start3A_51] : memref<32x2x40x128xi32, #tpu.memory_space<hbm>> -> memref<1x1x40x128xi32, #tpu.memory_space<hbm>>
      %dma_start3A_53 = tpu.memref_squeeze %dma_start3A_52 : memref<1x1x40x128xi32, #tpu.memory_space<hbm>> -> memref<40x128xi32, #tpu.memory_space<hbm>>
      tpu.enqueue_dma source(%dma_start3A_53 : memref<40x128xi32, #tpu.memory_space<hbm>>) target(%arg8 : memref<40x128xi32, #tpu.memory_space<vmem>>) target_semaphore(%run_scoped3A_45 : memref<!tpu.dma_semaphore, #tpu.memory_space<semaphore_mem>>)
      %dma_wait3A = arith.constant 0 : i32
      %dma_wait3A_54 = arith.constant 0 : i32
      %dma_wait3A_55 = tpu.memref_slice %arg4[%add3A, %run_scoped3A_7, %dma_wait3A, %dma_wait3A_54] : memref<32x2x40x128xi32, #tpu.memory_space<hbm>> -> memref<1x1x40x128xi32, #tpu.memory_space<hbm>>
      %dma_wait3A_56 = tpu.memref_squeeze %dma_wait3A_55 : memref<1x1x40x128xi32, #tpu.memory_space<hbm>> -> memref<40x128xi32, #tpu.memory_space<hbm>>
      %dma_wait3A_57 = arith.constant 0 : i32
      %dma_wait3A_58 = arith.constant 0 : i32
      %dma_wait3A_59 = tpu.memref_slice %arg4[%add3A, %run_scoped3A_7, %dma_wait3A_57, %dma_wait3A_58] : memref<32x2x40x128xi32, #tpu.memory_space<hbm>> -> memref<1x1x40x128xi32, #tpu.memory_space<hbm>>
      %dma_wait3A_60 = tpu.memref_squeeze %dma_wait3A_59 : memref<1x1x40x128xi32, #tpu.memory_space<hbm>> -> memref<40x128xi32, #tpu.memory_space<hbm>>
      tpu.wait_dma2 semaphore(%run_scoped3A_45 : memref<!tpu.dma_semaphore, #tpu.memory_space<semaphore_mem>>) src(%dma_wait3A_60 : memref<40x128xi32, #tpu.memory_space<hbm>>) dst(%arg8 : memref<40x128xi32, #tpu.memory_space<vmem>>)
      tpu.yield
    }) : () -> ()
    %dma_start3A = arith.constant 0 : i32
    %dma_start3A_8 = arith.constant 0 : i32
    %dma_start3A_9 = tpu.memref_slice %arg7[%dma_start3A, %dma_start3A_8] : memref<40x128xi32, #tpu.memory_space<vmem>> -> memref<1x128xi32, #tpu.memory_space<vmem>>
    %dma_start3A_10 = tpu.memref_squeeze %dma_start3A_9 : memref<1x128xi32, #tpu.memory_space<vmem>> -> memref<128xi32, #tpu.memory_space<vmem>>
    %dma_start3A_11 = arith.constant 0 : i32
    %dma_start3A_12 = arith.constant 0 : i32
    %dma_start3A_13 = tpu.memref_slice %arg2[%dma_start3A_11, %dma_start3A_12] : memref<20096x128xf32, #tpu.memory_space<hbm>> -> memref<20096x128xf32, #tpu.memory_space<hbm>>
    tpu.enqueue_indirect_dma source(%dma_start3A_13 : memref<20096x128xf32, #tpu.memory_space<hbm>>) target(%arg9 : memref<128x128xf32, #tpu.memory_space<vmem>>) offsets(%dma_start3A_10 : memref<128xi32, #tpu.memory_space<vmem>>) semaphore(%arg12 : memref<!tpu.dma_semaphore, #tpu.memory_space<semaphore_mem>>)
    %scan3A = arith.constant 0 : i32
    %scan3A_14 = arith.constant 0 : i32
    %scan3A_15 = arith.constant 20 : i32
    %scan3A_16 = arith.addi %scan3A_14, %scan3A_15 : i32
    %scan3A_17 = arith.constant 1 : i32
    scf.for %scan3A_45 = %scan3A_14 to %scan3A_16 step %scan3A_17  : i32 {
      %mul3A_46 = arith.constant 2 : i32
      %mul3A_47 = arith.muli %mul3A_46, %scan3A_45 : i32
      %add3A_48 = arith.constant 1 : i32
      %add3A_49 = arith.addi %mul3A_47, %add3A_48 : i32
      %dma_start3A_50 = arith.constant 0 : i32
      %dma_start3A_51 = tpu.memref_slice %arg7[%add3A_49, %dma_start3A_50] : memref<40x128xi32, #tpu.memory_space<vmem>> -> memref<1x128xi32, #tpu.memory_space<vmem>>
      %dma_start3A_52 = tpu.memref_squeeze %dma_start3A_51 : memref<1x128xi32, #tpu.memory_space<vmem>> -> memref<128xi32, #tpu.memory_space<vmem>>
      %dma_start3A_53 = arith.constant 0 : i32
      %dma_start3A_54 = arith.constant 0 : i32
      %dma_start3A_55 = tpu.memref_slice %arg2[%dma_start3A_53, %dma_start3A_54] : memref<20096x128xf32, #tpu.memory_space<hbm>> -> memref<20096x128xf32, #tpu.memory_space<hbm>>
      tpu.enqueue_indirect_dma source(%dma_start3A_55 : memref<20096x128xf32, #tpu.memory_space<hbm>>) target(%arg10 : memref<128x128xf32, #tpu.memory_space<vmem>>) offsets(%dma_start3A_52 : memref<128xi32, #tpu.memory_space<vmem>>) semaphore(%arg13 : memref<!tpu.dma_semaphore, #tpu.memory_space<semaphore_mem>>)
      %dma_wait3A = arith.constant 0 : i32
      %dma_wait3A_56 = tpu.memref_slice %arg7[%mul3A_47, %dma_wait3A] : memref<40x128xi32, #tpu.memory_space<vmem>> -> memref<1x128xi32, #tpu.memory_space<vmem>>
      %dma_wait3A_57 = tpu.memref_squeeze %dma_wait3A_56 : memref<1x128xi32, #tpu.memory_space<vmem>> -> memref<128xi32, #tpu.memory_space<vmem>>
      %dma_wait3A_58 = arith.constant 0 : i32
      %dma_wait3A_59 = arith.constant 0 : i32
      %dma_wait3A_60 = tpu.memref_slice %arg2[%dma_wait3A_58, %dma_wait3A_59] : memref<20096x128xf32, #tpu.memory_space<hbm>> -> memref<20096x128xf32, #tpu.memory_space<hbm>>
      tpu.wait_indirect_dma semaphore(%arg12 : memref<!tpu.dma_semaphore, #tpu.memory_space<semaphore_mem>>) src(%dma_wait3A_60 : memref<20096x128xf32, #tpu.memory_space<hbm>>) dst(%arg9 : memref<128x128xf32, #tpu.memory_space<vmem>>)
      "tpu.region"() ({
        %run_scoped3A_78 = tpu.sem_alloc : memref<!tpu.dma_semaphore, #tpu.memory_space<semaphore_mem>>
        %dma_start3A_79 = arith.constant 0 : i32
        %dma_start3A_80 = tpu.memref_slice %arg8[%mul3A_47, %dma_start3A_79] : memref<40x128xi32, #tpu.memory_space<vmem>> -> memref<1x128xi32, #tpu.memory_space<vmem>>
        %dma_start3A_81 = tpu.memref_squeeze %dma_start3A_80 : memref<1x128xi32, #tpu.memory_space<vmem>> -> memref<128xi32, #tpu.memory_space<vmem>>
        %dma_start3A_82 = arith.constant 0 : i32
        %dma_start3A_83 = arith.constant 0 : i32
        %dma_start3A_84 = tpu.memref_slice %arg11[%dma_start3A_82, %dma_start3A_83] : memref<10000x128xf32, #tpu.memory_space<vmem_shared>> -> memref<10000x128xf32, #tpu.memory_space<vmem_shared>>
        tpu.enqueue_indirect_dma source(%arg9 : memref<128x128xf32, #tpu.memory_space<vmem>>) target(%dma_start3A_84 : memref<10000x128xf32, #tpu.memory_space<vmem_shared>>) offsets(%dma_start3A_81 : memref<128xi32, #tpu.memory_space<vmem>>) semaphore(%run_scoped3A_78 : memref<!tpu.dma_semaphore, #tpu.memory_space<semaphore_mem>>) {add = true}
        %dma_wait3A_85 = arith.constant 0 : i32
        %dma_wait3A_86 = tpu.memref_slice %arg8[%mul3A_47, %dma_wait3A_85] : memref<40x128xi32, #tpu.memory_space<vmem>> -> memref<1x128xi32, #tpu.memory_space<vmem>>
        %dma_wait3A_87 = tpu.memref_squeeze %dma_wait3A_86 : memref<1x128xi32, #tpu.memory_space<vmem>> -> memref<128xi32, #tpu.memory_space<vmem>>
        %dma_wait3A_88 = arith.constant 0 : i32
        %dma_wait3A_89 = arith.constant 0 : i32
        %dma_wait3A_90 = tpu.memref_slice %arg11[%dma_wait3A_88, %dma_wait3A_89] : memref<10000x128xf32, #tpu.memory_space<vmem_shared>> -> memref<10000x128xf32, #tpu.memory_space<vmem_shared>>
        tpu.wait_indirect_dma semaphore(%run_scoped3A_78 : memref<!tpu.dma_semaphore, #tpu.memory_space<semaphore_mem>>) src(%arg9 : memref<128x128xf32, #tpu.memory_space<vmem>>) dst(%dma_wait3A_90 : memref<10000x128xf32, #tpu.memory_space<vmem_shared>>)
        tpu.yield
      }) : () -> ()
      %add3A_61 = arith.constant 2 : i32
      %add3A_62 = arith.addi %mul3A_47, %add3A_61 : i32
      %lt3A_63 = arith.constant 40 : i32
      %lt3A_64 = arith.cmpi slt, %add3A_62, %lt3A_63 : i32
      %convert_element_type3A_65 = arith.extui %lt3A_64 : i1 to i32
      %cond3A_66 = arith.constant 0 : i32
      %cond3A_67 = arith.cmpi ne, %convert_element_type3A_65, %cond3A_66 : i32
      scf.if %cond3A_67 {
        %add3A_78 = arith.constant 2 : i32
        %add3A_79 = arith.addi %mul3A_47, %add3A_78 : i32
        %dma_start3A_80 = arith.constant 0 : i32
        %dma_start3A_81 = tpu.memref_slice %arg7[%add3A_79, %dma_start3A_80] : memref<40x128xi32, #tpu.memory_space<vmem>> -> memref<1x128xi32, #tpu.memory_space<vmem>>
        %dma_start3A_82 = tpu.memref_squeeze %dma_start3A_81 : memref<1x128xi32, #tpu.memory_space<vmem>> -> memref<128xi32, #tpu.memory_space<vmem>>
        %dma_start3A_83 = arith.constant 0 : i32
        %dma_start3A_84 = arith.constant 0 : i32
        %dma_start3A_85 = tpu.memref_slice %arg2[%dma_start3A_83, %dma_start3A_84] : memref<20096x128xf32, #tpu.memory_space<hbm>> -> memref<20096x128xf32, #tpu.memory_space<hbm>>
        tpu.enqueue_indirect_dma source(%dma_start3A_85 : memref<20096x128xf32, #tpu.memory_space<hbm>>) target(%arg9 : memref<128x128xf32, #tpu.memory_space<vmem>>) offsets(%dma_start3A_82 : memref<128xi32, #tpu.memory_space<vmem>>) semaphore(%arg12 : memref<!tpu.dma_semaphore, #tpu.memory_space<semaphore_mem>>)
      } else {
      }
      %add3A_68 = arith.constant 1 : i32
      %add3A_69 = arith.addi %mul3A_47, %add3A_68 : i32
      %dma_wait3A_70 = arith.constant 0 : i32
      %dma_wait3A_71 = tpu.memref_slice %arg7[%add3A_69, %dma_wait3A_70] : memref<40x128xi32, #tpu.memory_space<vmem>> -> memref<1x128xi32, #tpu.memory_space<vmem>>
      %dma_wait3A_72 = tpu.memref_squeeze %dma_wait3A_71 : memref<1x128xi32, #tpu.memory_space<vmem>> -> memref<128xi32, #tpu.memory_space<vmem>>
      %dma_wait3A_73 = arith.constant 0 : i32
      %dma_wait3A_74 = arith.constant 0 : i32
      %dma_wait3A_75 = tpu.memref_slice %arg2[%dma_wait3A_73, %dma_wait3A_74] : memref<20096x128xf32, #tpu.memory_space<hbm>> -> memref<20096x128xf32, #tpu.memory_space<hbm>>
      tpu.wait_indirect_dma semaphore(%arg13 : memref<!tpu.dma_semaphore, #tpu.memory_space<semaphore_mem>>) src(%dma_wait3A_75 : memref<20096x128xf32, #tpu.memory_space<hbm>>) dst(%arg10 : memref<128x128xf32, #tpu.memory_space<vmem>>)
      %add3A_76 = arith.constant 1 : i32
      %add3A_77 = arith.addi %mul3A_47, %add3A_76 : i32
      "tpu.region"() ({
        %run_scoped3A_78 = tpu.sem_alloc : memref<!tpu.dma_semaphore, #tpu.memory_space<semaphore_mem>>
        %dma_start3A_79 = arith.constant 0 : i32
        %dma_start3A_80 = tpu.memref_slice %arg8[%add3A_77, %dma_start3A_79] : memref<40x128xi32, #tpu.memory_space<vmem>> -> memref<1x128xi32, #tpu.memory_space<vmem>>
        %dma_start3A_81 = tpu.memref_squeeze %dma_start3A_80 : memref<1x128xi32, #tpu.memory_space<vmem>> -> memref<128xi32, #tpu.memory_space<vmem>>
        %dma_start3A_82 = arith.constant 0 : i32
        %dma_start3A_83 = arith.constant 0 : i32
        %dma_start3A_84 = tpu.memref_slice %arg11[%dma_start3A_82, %dma_start3A_83] : memref<10000x128xf32, #tpu.memory_space<vmem_shared>> -> memref<10000x128xf32, #tpu.memory_space<vmem_shared>>
        tpu.enqueue_indirect_dma source(%arg10 : memref<128x128xf32, #tpu.memory_space<vmem>>) target(%dma_start3A_84 : memref<10000x128xf32, #tpu.memory_space<vmem_shared>>) offsets(%dma_start3A_81 : memref<128xi32, #tpu.memory_space<vmem>>) semaphore(%run_scoped3A_78 : memref<!tpu.dma_semaphore, #tpu.memory_space<semaphore_mem>>) {add = true}
        %dma_wait3A_85 = arith.constant 0 : i32
        %dma_wait3A_86 = tpu.memref_slice %arg8[%add3A_77, %dma_wait3A_85] : memref<40x128xi32, #tpu.memory_space<vmem>> -> memref<1x128xi32, #tpu.memory_space<vmem>>
        %dma_wait3A_87 = tpu.memref_squeeze %dma_wait3A_86 : memref<1x128xi32, #tpu.memory_space<vmem>> -> memref<128xi32, #tpu.memory_space<vmem>>
        %dma_wait3A_88 = arith.constant 0 : i32
        %dma_wait3A_89 = arith.constant 0 : i32
        %dma_wait3A_90 = tpu.memref_slice %arg11[%dma_wait3A_88, %dma_wait3A_89] : memref<10000x128xf32, #tpu.memory_space<vmem_shared>> -> memref<10000x128xf32, #tpu.memory_space<vmem_shared>>
        tpu.wait_indirect_dma semaphore(%run_scoped3A_78 : memref<!tpu.dma_semaphore, #tpu.memory_space<semaphore_mem>>) src(%arg10 : memref<128x128xf32, #tpu.memory_space<vmem>>) dst(%dma_wait3A_90 : memref<10000x128xf32, #tpu.memory_space<vmem_shared>>)
        tpu.yield
      }) : () -> ()
    }
    %scan3A_18 = arith.constant 20 : i32
    %run_scoped3A_19 = arith.constant 1 : i32
    "tpu.region"() ({
      %run_scoped3A_45 = tpu.sem_alloc : memref<!tpu.dma_semaphore, #tpu.memory_space<semaphore_mem>>
      %dma_start3A_46 = arith.constant 0 : i32
      %dma_start3A_47 = arith.constant 0 : i32
      %dma_start3A_48 = tpu.memref_slice %arg3[%add3A, %run_scoped3A_19, %dma_start3A_46, %dma_start3A_47] : memref<32x2x40x128xi32, #tpu.memory_space<hbm>> -> memref<1x1x40x128xi32, #tpu.memory_space<hbm>>
      %dma_start3A_49 = tpu.memref_squeeze %dma_start3A_48 : memref<1x1x40x128xi32, #tpu.memory_space<hbm>> -> memref<40x128xi32, #tpu.memory_space<hbm>>
      %dma_start3A_50 = arith.constant 0 : i32
      %dma_start3A_51 = arith.constant 0 : i32
      %dma_start3A_52 = tpu.memref_slice %arg3[%add3A, %run_scoped3A_19, %dma_start3A_50, %dma_start3A_51] : memref<32x2x40x128xi32, #tpu.memory_space<hbm>> -> memref<1x1x40x128xi32, #tpu.memory_space<hbm>>
      %dma_start3A_53 = tpu.memref_squeeze %dma_start3A_52 : memref<1x1x40x128xi32, #tpu.memory_space<hbm>> -> memref<40x128xi32, #tpu.memory_space<hbm>>
      tpu.enqueue_dma source(%dma_start3A_53 : memref<40x128xi32, #tpu.memory_space<hbm>>) target(%arg7 : memref<40x128xi32, #tpu.memory_space<vmem>>) target_semaphore(%run_scoped3A_45 : memref<!tpu.dma_semaphore, #tpu.memory_space<semaphore_mem>>)
      %dma_wait3A = arith.constant 0 : i32
      %dma_wait3A_54 = arith.constant 0 : i32
      %dma_wait3A_55 = tpu.memref_slice %arg3[%add3A, %run_scoped3A_19, %dma_wait3A, %dma_wait3A_54] : memref<32x2x40x128xi32, #tpu.memory_space<hbm>> -> memref<1x1x40x128xi32, #tpu.memory_space<hbm>>
      %dma_wait3A_56 = tpu.memref_squeeze %dma_wait3A_55 : memref<1x1x40x128xi32, #tpu.memory_space<hbm>> -> memref<40x128xi32, #tpu.memory_space<hbm>>
      %dma_wait3A_57 = arith.constant 0 : i32
      %dma_wait3A_58 = arith.constant 0 : i32
      %dma_wait3A_59 = tpu.memref_slice %arg3[%add3A, %run_scoped3A_19, %dma_wait3A_57, %dma_wait3A_58] : memref<32x2x40x128xi32, #tpu.memory_space<hbm>> -> memref<1x1x40x128xi32, #tpu.memory_space<hbm>>
      %dma_wait3A_60 = tpu.memref_squeeze %dma_wait3A_59 : memref<1x1x40x128xi32, #tpu.memory_space<hbm>> -> memref<40x128xi32, #tpu.memory_space<hbm>>
      tpu.wait_dma2 semaphore(%run_scoped3A_45 : memref<!tpu.dma_semaphore, #tpu.memory_space<semaphore_mem>>) src(%dma_wait3A_60 : memref<40x128xi32, #tpu.memory_space<hbm>>) dst(%arg7 : memref<40x128xi32, #tpu.memory_space<vmem>>)
      tpu.yield
    }) : () -> ()
    %run_scoped3A_20 = arith.constant 1 : i32
    "tpu.region"() ({
      %run_scoped3A_45 = tpu.sem_alloc : memref<!tpu.dma_semaphore, #tpu.memory_space<semaphore_mem>>
      %dma_start3A_46 = arith.constant 0 : i32
      %dma_start3A_47 = arith.constant 0 : i32
      %dma_start3A_48 = tpu.memref_slice %arg4[%add3A, %run_scoped3A_20, %dma_start3A_46, %dma_start3A_47] : memref<32x2x40x128xi32, #tpu.memory_space<hbm>> -> memref<1x1x40x128xi32, #tpu.memory_space<hbm>>
      %dma_start3A_49 = tpu.memref_squeeze %dma_start3A_48 : memref<1x1x40x128xi32, #tpu.memory_space<hbm>> -> memref<40x128xi32, #tpu.memory_space<hbm>>
      %dma_start3A_50 = arith.constant 0 : i32
      %dma_start3A_51 = arith.constant 0 : i32
      %dma_start3A_52 = tpu.memref_slice %arg4[%add3A, %run_scoped3A_20, %dma_start3A_50, %dma_start3A_51] : memref<32x2x40x128xi32, #tpu.memory_space<hbm>> -> memref<1x1x40x128xi32, #tpu.memory_space<hbm>>
      %dma_start3A_53 = tpu.memref_squeeze %dma_start3A_52 : memref<1x1x40x128xi32, #tpu.memory_space<hbm>> -> memref<40x128xi32, #tpu.memory_space<hbm>>
      tpu.enqueue_dma source(%dma_start3A_53 : memref<40x128xi32, #tpu.memory_space<hbm>>) target(%arg8 : memref<40x128xi32, #tpu.memory_space<vmem>>) target_semaphore(%run_scoped3A_45 : memref<!tpu.dma_semaphore, #tpu.memory_space<semaphore_mem>>)
      %dma_wait3A = arith.constant 0 : i32
      %dma_wait3A_54 = arith.constant 0 : i32
      %dma_wait3A_55 = tpu.memref_slice %arg4[%add3A, %run_scoped3A_20, %dma_wait3A, %dma_wait3A_54] : memref<32x2x40x128xi32, #tpu.memory_space<hbm>> -> memref<1x1x40x128xi32, #tpu.memory_space<hbm>>
      %dma_wait3A_56 = tpu.memref_squeeze %dma_wait3A_55 : memref<1x1x40x128xi32, #tpu.memory_space<hbm>> -> memref<40x128xi32, #tpu.memory_space<hbm>>
      %dma_wait3A_57 = arith.constant 0 : i32
      %dma_wait3A_58 = arith.constant 0 : i32
      %dma_wait3A_59 = tpu.memref_slice %arg4[%add3A, %run_scoped3A_20, %dma_wait3A_57, %dma_wait3A_58] : memref<32x2x40x128xi32, #tpu.memory_space<hbm>> -> memref<1x1x40x128xi32, #tpu.memory_space<hbm>>
      %dma_wait3A_60 = tpu.memref_squeeze %dma_wait3A_59 : memref<1x1x40x128xi32, #tpu.memory_space<hbm>> -> memref<40x128xi32, #tpu.memory_space<hbm>>
      tpu.wait_dma2 semaphore(%run_scoped3A_45 : memref<!tpu.dma_semaphore, #tpu.memory_space<semaphore_mem>>) src(%dma_wait3A_60 : memref<40x128xi32, #tpu.memory_space<hbm>>) dst(%arg8 : memref<40x128xi32, #tpu.memory_space<vmem>>)
      tpu.yield
    }) : () -> ()
    %dma_start3A_21 = arith.constant 0 : i32
    %dma_start3A_22 = arith.constant 0 : i32
    %dma_start3A_23 = tpu.memref_slice %arg7[%dma_start3A_21, %dma_start3A_22] : memref<40x128xi32, #tpu.memory_space<vmem>> -> memref<1x128xi32, #tpu.memory_space<vmem>>
    %dma_start3A_24 = tpu.memref_squeeze %dma_start3A_23 : memref<1x128xi32, #tpu.memory_space<vmem>> -> memref<128xi32, #tpu.memory_space<vmem>>
    %dma_start3A_25 = arith.constant 0 : i32
    %dma_start3A_26 = arith.constant 0 : i32
    %dma_start3A_27 = tpu.memref_slice %arg2[%dma_start3A_25, %dma_start3A_26] : memref<20096x128xf32, #tpu.memory_space<hbm>> -> memref<20096x128xf32, #tpu.memory_space<hbm>>
    tpu.enqueue_indirect_dma source(%dma_start3A_27 : memref<20096x128xf32, #tpu.memory_space<hbm>>) target(%arg9 : memref<128x128xf32, #tpu.memory_space<vmem>>) offsets(%dma_start3A_24 : memref<128xi32, #tpu.memory_space<vmem>>) semaphore(%arg12 : memref<!tpu.dma_semaphore, #tpu.memory_space<semaphore_mem>>)
    %scan3A_28 = arith.constant 0 : i32
    %scan3A_29 = arith.constant 0 : i32
    %scan3A_30 = arith.constant 20 : i32
    %scan3A_31 = arith.addi %scan3A_29, %scan3A_30 : i32
    %scan3A_32 = arith.constant 1 : i32
    scf.for %scan3A_45 = %scan3A_29 to %scan3A_31 step %scan3A_32  : i32 {
      %mul3A_46 = arith.constant 2 : i32
      %mul3A_47 = arith.muli %mul3A_46, %scan3A_45 : i32
      %add3A_48 = arith.constant 1 : i32
      %add3A_49 = arith.addi %mul3A_47, %add3A_48 : i32
      %dma_start3A_50 = arith.constant 0 : i32
      %dma_start3A_51 = tpu.memref_slice %arg7[%add3A_49, %dma_start3A_50] : memref<40x128xi32, #tpu.memory_space<vmem>> -> memref<1x128xi32, #tpu.memory_space<vmem>>
      %dma_start3A_52 = tpu.memref_squeeze %dma_start3A_51 : memref<1x128xi32, #tpu.memory_space<vmem>> -> memref<128xi32, #tpu.memory_space<vmem>>
      %dma_start3A_53 = arith.constant 0 : i32
      %dma_start3A_54 = arith.constant 0 : i32
      %dma_start3A_55 = tpu.memref_slice %arg2[%dma_start3A_53, %dma_start3A_54] : memref<20096x128xf32, #tpu.memory_space<hbm>> -> memref<20096x128xf32, #tpu.memory_space<hbm>>
      tpu.enqueue_indirect_dma source(%dma_start3A_55 : memref<20096x128xf32, #tpu.memory_space<hbm>>) target(%arg10 : memref<128x128xf32, #tpu.memory_space<vmem>>) offsets(%dma_start3A_52 : memref<128xi32, #tpu.memory_space<vmem>>) semaphore(%arg13 : memref<!tpu.dma_semaphore, #tpu.memory_space<semaphore_mem>>)
      %dma_wait3A = arith.constant 0 : i32
      %dma_wait3A_56 = tpu.memref_slice %arg7[%mul3A_47, %dma_wait3A] : memref<40x128xi32, #tpu.memory_space<vmem>> -> memref<1x128xi32, #tpu.memory_space<vmem>>
      %dma_wait3A_57 = tpu.memref_squeeze %dma_wait3A_56 : memref<1x128xi32, #tpu.memory_space<vmem>> -> memref<128xi32, #tpu.memory_space<vmem>>
      %dma_wait3A_58 = arith.constant 0 : i32
      %dma_wait3A_59 = arith.constant 0 : i32
      %dma_wait3A_60 = tpu.memref_slice %arg2[%dma_wait3A_58, %dma_wait3A_59] : memref<20096x128xf32, #tpu.memory_space<hbm>> -> memref<20096x128xf32, #tpu.memory_space<hbm>>
      tpu.wait_indirect_dma semaphore(%arg12 : memref<!tpu.dma_semaphore, #tpu.memory_space<semaphore_mem>>) src(%dma_wait3A_60 : memref<20096x128xf32, #tpu.memory_space<hbm>>) dst(%arg9 : memref<128x128xf32, #tpu.memory_space<vmem>>)
      "tpu.region"() ({
        %run_scoped3A_78 = tpu.sem_alloc : memref<!tpu.dma_semaphore, #tpu.memory_space<semaphore_mem>>
        %dma_start3A_79 = arith.constant 0 : i32
        %dma_start3A_80 = tpu.memref_slice %arg8[%mul3A_47, %dma_start3A_79] : memref<40x128xi32, #tpu.memory_space<vmem>> -> memref<1x128xi32, #tpu.memory_space<vmem>>
        %dma_start3A_81 = tpu.memref_squeeze %dma_start3A_80 : memref<1x128xi32, #tpu.memory_space<vmem>> -> memref<128xi32, #tpu.memory_space<vmem>>
        %dma_start3A_82 = arith.constant 0 : i32
        %dma_start3A_83 = arith.constant 0 : i32
        %dma_start3A_84 = tpu.memref_slice %arg11[%dma_start3A_82, %dma_start3A_83] : memref<10000x128xf32, #tpu.memory_space<vmem_shared>> -> memref<10000x128xf32, #tpu.memory_space<vmem_shared>>
        tpu.enqueue_indirect_dma source(%arg9 : memref<128x128xf32, #tpu.memory_space<vmem>>) target(%dma_start3A_84 : memref<10000x128xf32, #tpu.memory_space<vmem_shared>>) offsets(%dma_start3A_81 : memref<128xi32, #tpu.memory_space<vmem>>) semaphore(%run_scoped3A_78 : memref<!tpu.dma_semaphore, #tpu.memory_space<semaphore_mem>>) {add = true}
        %dma_wait3A_85 = arith.constant 0 : i32
        %dma_wait3A_86 = tpu.memref_slice %arg8[%mul3A_47, %dma_wait3A_85] : memref<40x128xi32, #tpu.memory_space<vmem>> -> memref<1x128xi32, #tpu.memory_space<vmem>>
        %dma_wait3A_87 = tpu.memref_squeeze %dma_wait3A_86 : memref<1x128xi32, #tpu.memory_space<vmem>> -> memref<128xi32, #tpu.memory_space<vmem>>
        %dma_wait3A_88 = arith.constant 0 : i32
        %dma_wait3A_89 = arith.constant 0 : i32
        %dma_wait3A_90 = tpu.memref_slice %arg11[%dma_wait3A_88, %dma_wait3A_89] : memref<10000x128xf32, #tpu.memory_space<vmem_shared>> -> memref<10000x128xf32, #tpu.memory_space<vmem_shared>>
        tpu.wait_indirect_dma semaphore(%run_scoped3A_78 : memref<!tpu.dma_semaphore, #tpu.memory_space<semaphore_mem>>) src(%arg9 : memref<128x128xf32, #tpu.memory_space<vmem>>) dst(%dma_wait3A_90 : memref<10000x128xf32, #tpu.memory_space<vmem_shared>>)
        tpu.yield
      }) : () -> ()
      %add3A_61 = arith.constant 2 : i32
      %add3A_62 = arith.addi %mul3A_47, %add3A_61 : i32
      %lt3A_63 = arith.constant 40 : i32
      %lt3A_64 = arith.cmpi slt, %add3A_62, %lt3A_63 : i32
      %convert_element_type3A_65 = arith.extui %lt3A_64 : i1 to i32
      %cond3A_66 = arith.constant 0 : i32
      %cond3A_67 = arith.cmpi ne, %convert_element_type3A_65, %cond3A_66 : i32
      scf.if %cond3A_67 {
        %add3A_78 = arith.constant 2 : i32
        %add3A_79 = arith.addi %mul3A_47, %add3A_78 : i32
        %dma_start3A_80 = arith.constant 0 : i32
        %dma_start3A_81 = tpu.memref_slice %arg7[%add3A_79, %dma_start3A_80] : memref<40x128xi32, #tpu.memory_space<vmem>> -> memref<1x128xi32, #tpu.memory_space<vmem>>
        %dma_start3A_82 = tpu.memref_squeeze %dma_start3A_81 : memref<1x128xi32, #tpu.memory_space<vmem>> -> memref<128xi32, #tpu.memory_space<vmem>>
        %dma_start3A_83 = arith.constant 0 : i32
        %dma_start3A_84 = arith.constant 0 : i32
        %dma_start3A_85 = tpu.memref_slice %arg2[%dma_start3A_83, %dma_start3A_84] : memref<20096x128xf32, #tpu.memory_space<hbm>> -> memref<20096x128xf32, #tpu.memory_space<hbm>>
        tpu.enqueue_indirect_dma source(%dma_start3A_85 : memref<20096x128xf32, #tpu.memory_space<hbm>>) target(%arg9 : memref<128x128xf32, #tpu.memory_space<vmem>>) offsets(%dma_start3A_82 : memref<128xi32, #tpu.memory_space<vmem>>) semaphore(%arg12 : memref<!tpu.dma_semaphore, #tpu.memory_space<semaphore_mem>>)
      } else {
      }
      %add3A_68 = arith.constant 1 : i32
      %add3A_69 = arith.addi %mul3A_47, %add3A_68 : i32
      %dma_wait3A_70 = arith.constant 0 : i32
      %dma_wait3A_71 = tpu.memref_slice %arg7[%add3A_69, %dma_wait3A_70] : memref<40x128xi32, #tpu.memory_space<vmem>> -> memref<1x128xi32, #tpu.memory_space<vmem>>
      %dma_wait3A_72 = tpu.memref_squeeze %dma_wait3A_71 : memref<1x128xi32, #tpu.memory_space<vmem>> -> memref<128xi32, #tpu.memory_space<vmem>>
      %dma_wait3A_73 = arith.constant 0 : i32
      %dma_wait3A_74 = arith.constant 0 : i32
      %dma_wait3A_75 = tpu.memref_slice %arg2[%dma_wait3A_73, %dma_wait3A_74] : memref<20096x128xf32, #tpu.memory_space<hbm>> -> memref<20096x128xf32, #tpu.memory_space<hbm>>
      tpu.wait_indirect_dma semaphore(%arg13 : memref<!tpu.dma_semaphore, #tpu.memory_space<semaphore_mem>>) src(%dma_wait3A_75 : memref<20096x128xf32, #tpu.memory_space<hbm>>) dst(%arg10 : memref<128x128xf32, #tpu.memory_space<vmem>>)
      %add3A_76 = arith.constant 1 : i32
      %add3A_77 = arith.addi %mul3A_47, %add3A_76 : i32
      "tpu.region"() ({
        %run_scoped3A_78 = tpu.sem_alloc : memref<!tpu.dma_semaphore, #tpu.memory_space<semaphore_mem>>
        %dma_start3A_79 = arith.constant 0 : i32
        %dma_start3A_80 = tpu.memref_slice %arg8[%add3A_77, %dma_start3A_79] : memref<40x128xi32, #tpu.memory_space<vmem>> -> memref<1x128xi32, #tpu.memory_space<vmem>>
        %dma_start3A_81 = tpu.memref_squeeze %dma_start3A_80 : memref<1x128xi32, #tpu.memory_space<vmem>> -> memref<128xi32, #tpu.memory_space<vmem>>
        %dma_start3A_82 = arith.constant 0 : i32
        %dma_start3A_83 = arith.constant 0 : i32
        %dma_start3A_84 = tpu.memref_slice %arg11[%dma_start3A_82, %dma_start3A_83] : memref<10000x128xf32, #tpu.memory_space<vmem_shared>> -> memref<10000x128xf32, #tpu.memory_space<vmem_shared>>
        tpu.enqueue_indirect_dma source(%arg10 : memref<128x128xf32, #tpu.memory_space<vmem>>) target(%dma_start3A_84 : memref<10000x128xf32, #tpu.memory_space<vmem_shared>>) offsets(%dma_start3A_81 : memref<128xi32, #tpu.memory_space<vmem>>) semaphore(%run_scoped3A_78 : memref<!tpu.dma_semaphore, #tpu.memory_space<semaphore_mem>>) {add = true}
        %dma_wait3A_85 = arith.constant 0 : i32
        %dma_wait3A_86 = tpu.memref_slice %arg8[%add3A_77, %dma_wait3A_85] : memref<40x128xi32, #tpu.memory_space<vmem>> -> memref<1x128xi32, #tpu.memory_space<vmem>>
        %dma_wait3A_87 = tpu.memref_squeeze %dma_wait3A_86 : memref<1x128xi32, #tpu.memory_space<vmem>> -> memref<128xi32, #tpu.memory_space<vmem>>
        %dma_wait3A_88 = arith.constant 0 : i32
        %dma_wait3A_89 = arith.constant 0 : i32
        %dma_wait3A_90 = tpu.memref_slice %arg11[%dma_wait3A_88, %dma_wait3A_89] : memref<10000x128xf32, #tpu.memory_space<vmem_shared>> -> memref<10000x128xf32, #tpu.memory_space<vmem_shared>>
        tpu.wait_indirect_dma semaphore(%run_scoped3A_78 : memref<!tpu.dma_semaphore, #tpu.memory_space<semaphore_mem>>) src(%arg10 : memref<128x128xf32, #tpu.memory_space<vmem>>) dst(%dma_wait3A_90 : memref<10000x128xf32, #tpu.memory_space<vmem_shared>>)
        tpu.yield
      }) : () -> ()
    }
    %scan3A_33 = arith.constant 20 : i32
    %barrier3A_34 = arith.constant 0 : index
    tpu.barrier barrier_id(%barrier3A_34)
    %lt3A_35 = arith.constant 15 : i32
    %lt3A_36 = arith.cmpi slt, %arg1, %lt3A_35 : i32
    %convert_element_type3A_37 = arith.extui %lt3A_36 : i1 to i32
    %cond3A_38 = arith.constant 0 : i32
    %cond3A_39 = arith.cmpi ne, %convert_element_type3A_37, %cond3A_38 : i32
    scf.if %cond3A_39 {
      %mul3A_45 = arith.constant 632 : i32
      %mul3A_46 = arith.muli %arg1, %mul3A_45 : i32
      %mul3A_47 = arith.constant 10000 : i32
      %mul3A_48 = arith.muli %arg0, %mul3A_47 : i32
      %mul3A_49 = arith.constant 632 : i32
      %mul3A_50 = arith.muli %arg1, %mul3A_49 : i32
      %add3A_51 = arith.addi %mul3A_48, %mul3A_50 : i32
      "tpu.region"() ({
        %run_scoped3A_52 = tpu.sem_alloc : memref<!tpu.dma_semaphore, #tpu.memory_space<semaphore_mem>>
        %dma_start3A_53 = arith.constant 0 : i32
        %dma_start3A_54 = tpu.memref_slice %arg6[%add3A_51, %dma_start3A_53] : memref<20000x128xf32, #tpu.memory_space<hbm>> -> memref<632x128xf32, #tpu.memory_space<hbm>>
        %dma_start3A_55 = arith.constant 0 : i32
        %dma_start3A_56 = tpu.memref_slice %arg11[%mul3A_46, %dma_start3A_55] : memref<10000x128xf32, #tpu.memory_space<vmem_shared>> -> memref<632x128xf32, #tpu.memory_space<vmem_shared>>
        tpu.enqueue_dma source(%dma_start3A_56 : memref<632x128xf32, #tpu.memory_space<vmem_shared>>) target(%dma_start3A_54 : memref<632x128xf32, #tpu.memory_space<hbm>>) target_semaphore(%run_scoped3A_52 : memref<!tpu.dma_semaphore, #tpu.memory_space<semaphore_mem>>)
        %dma_wait3A = arith.constant 0 : i32
        %dma_wait3A_57 = tpu.memref_slice %arg6[%add3A_51, %dma_wait3A] : memref<20000x128xf32, #tpu.memory_space<hbm>> -> memref<632x128xf32, #tpu.memory_space<hbm>>
        %dma_wait3A_58 = arith.constant 0 : i32
        %dma_wait3A_59 = tpu.memref_slice %arg11[%mul3A_46, %dma_wait3A_58] : memref<10000x128xf32, #tpu.memory_space<vmem_shared>> -> memref<632x128xf32, #tpu.memory_space<vmem_shared>>
        tpu.wait_dma2 semaphore(%run_scoped3A_52 : memref<!tpu.dma_semaphore, #tpu.memory_space<semaphore_mem>>) src(%dma_wait3A_59 : memref<632x128xf32, #tpu.memory_space<vmem_shared>>) dst(%dma_wait3A_57 : memref<632x128xf32, #tpu.memory_space<hbm>>)
        tpu.yield
      }) : () -> ()
    } else {
    }
    %eq3A_40 = arith.constant 15 : i32
    %eq3A_41 = arith.cmpi eq, %arg1, %eq3A_40 : i32
    %convert_element_type3A_42 = arith.extui %eq3A_41 : i1 to i32
    %cond3A_43 = arith.constant 0 : i32
    %cond3A_44 = arith.cmpi ne, %convert_element_type3A_42, %cond3A_43 : i32
    scf.if %cond3A_44 {
      %mul3A_45 = arith.constant 10000 : i32
      %mul3A_46 = arith.muli %arg0, %mul3A_45 : i32
      %add3A_47 = arith.constant 9480 : i32
      %add3A_48 = arith.addi %mul3A_46, %add3A_47 : i32
      "tpu.region"() ({
        %run_scoped3A_49 = tpu.sem_alloc : memref<!tpu.dma_semaphore, #tpu.memory_space<semaphore_mem>>
        %dma_start3A_50 = arith.constant 0 : i32
        %dma_start3A_51 = tpu.memref_slice %arg6[%add3A_48, %dma_start3A_50] : memref<20000x128xf32, #tpu.memory_space<hbm>> -> memref<520x128xf32, #tpu.memory_space<hbm>>
        %dma_start3A_52 = arith.constant 9480 : i32
        %dma_start3A_53 = arith.constant 0 : i32
        %dma_start3A_54 = tpu.memref_slice %arg11[%dma_start3A_52, %dma_start3A_53] : memref<10000x128xf32, #tpu.memory_space<vmem_shared>> -> memref<520x128xf32, #tpu.memory_space<vmem_shared>>
        tpu.enqueue_dma source(%dma_start3A_54 : memref<520x128xf32, #tpu.memory_space<vmem_shared>>) target(%dma_start3A_51 : memref<520x128xf32, #tpu.memory_space<hbm>>) target_semaphore(%run_scoped3A_49 : memref<!tpu.dma_semaphore, #tpu.memory_space<semaphore_mem>>)
        %dma_wait3A = arith.constant 0 : i32
        %dma_wait3A_55 = tpu.memref_slice %arg6[%add3A_48, %dma_wait3A] : memref<20000x128xf32, #tpu.memory_space<hbm>> -> memref<520x128xf32, #tpu.memory_space<hbm>>
        %dma_wait3A_56 = arith.constant 9480 : i32
        %dma_wait3A_57 = arith.constant 0 : i32
        %dma_wait3A_58 = tpu.memref_slice %arg11[%dma_wait3A_56, %dma_wait3A_57] : memref<10000x128xf32, #tpu.memory_space<vmem_shared>> -> memref<520x128xf32, #tpu.memory_space<vmem_shared>>
        tpu.wait_dma2 semaphore(%run_scoped3A_49 : memref<!tpu.dma_semaphore, #tpu.memory_space<semaphore_mem>>) src(%dma_wait3A_58 : memref<520x128xf32, #tpu.memory_space<vmem_shared>>) dst(%dma_wait3A_55 : memref<520x128xf32, #tpu.memory_space<hbm>>)
        tpu.yield
      }) : () -> ()
    } else {
    }
    return
  }
}

#map = affine_map<(d0, d1) -> (0, 0)>
#map1 = affine_map<(d0, d1) -> (0, 0, 0, 0)>
module attributes {stable_mosaic.version = 14 : i64} {
  func.func @sc_seg_sum(%arg0: i32, %arg1: i32, %arg2: memref<20096x128xf32, #tpu.memory_space<hbm>>, %arg3: memref<32x2x40x128xi32, #tpu.memory_space<hbm>>, %arg4: memref<32x2x40x128xi32, #tpu.memory_space<hbm>>, %arg5: memref<632x128xf32, #tpu.memory_space<hbm>>, %arg6: memref<20000x128xf32, #tpu.memory_space<hbm>>, %arg7: memref<40x128xi32, #tpu.memory_space<vmem>>, %arg8: memref<40x128xi32, #tpu.memory_space<vmem>>, %arg9: memref<128x128xf32, #tpu.memory_space<vmem>>, %arg10: memref<128x128xf32, #tpu.memory_space<vmem>>, %arg11: memref<10000x128xf32, #tpu.memory_space<vmem_shared>>, %arg12: memref<!tpu.dma_semaphore, #tpu.memory_space<semaphore_mem>>, %arg13: memref<!tpu.dma_semaphore, #tpu.memory_space<semaphore_mem>>) attributes {dimension_semantics = [#tpu.dimension_semantics<core_parallel>, #tpu.dimension_semantics<subcore_parallel>], iteration_bounds = array<i64: 2, 16>, scalar_prefetch = 0 : i64, scratch_operands = 7 : i64, tpu.core_type = #tpu.core_type<sc_vector_subcore>, window_params = [{transform_indices = #map}, {transform_indices = #map1}, {transform_indices = #map1}, {transform_indices = #map}, {transform_indices = #map}]} {
    %mul3A = arith.constant 16 : i32
    %mul3A_0 = arith.muli %arg0, %mul3A : i32
    %add3A = arith.addi %mul3A_0, %arg1 : i32
    %lt3A = arith.constant 15 : i32
    %lt3A_1 = arith.cmpi slt, %arg1, %lt3A : i32
    %convert_element_type3A = arith.extui %lt3A_1 : i1 to i32
    %cond3A = arith.constant 0 : i32
    %cond3A_2 = arith.cmpi ne, %convert_element_type3A, %cond3A : i32
    scf.if %cond3A_2 {
      %mul3A_45 = arith.constant 632 : i32
      %mul3A_46 = arith.muli %arg1, %mul3A_45 : i32
      "tpu.region"() ({
        %run_scoped3A_47 = tpu.sem_alloc : memref<!tpu.dma_semaphore, #tpu.memory_space<semaphore_mem>>
        %dma_start3A_48 = arith.constant 0 : i32
        %dma_start3A_49 = tpu.memref_slice %arg11[%mul3A_46, %dma_start3A_48] : memref<10000x128xf32, #tpu.memory_space<vmem_shared>> -> memref<632x128xf32, #tpu.memory_space<vmem_shared>>
        tpu.enqueue_dma source(%arg5 : memref<632x128xf32, #tpu.memory_space<hbm>>) target(%dma_start3A_49 : memref<632x128xf32, #tpu.memory_space<vmem_shared>>) target_semaphore(%run_scoped3A_47 : memref<!tpu.dma_semaphore, #tpu.memory_space<semaphore_mem>>)
        %dma_wait3A = arith.constant 0 : i32
        %dma_wait3A_50 = tpu.memref_slice %arg11[%mul3A_46, %dma_wait3A] : memref<10000x128xf32, #tpu.memory_space<vmem_shared>> -> memref<632x128xf32, #tpu.memory_space<vmem_shared>>
        tpu.wait_dma2 semaphore(%run_scoped3A_47 : memref<!tpu.dma_semaphore, #tpu.memory_space<semaphore_mem>>) src(%arg5 : memref<632x128xf32, #tpu.memory_space<hbm>>) dst(%dma_wait3A_50 : memref<632x128xf32, #tpu.memory_space<vmem_shared>>)
        tpu.yield
      }) : () -> ()
    } else {
    }
    %eq3A = arith.constant 15 : i32
    %eq3A_3 = arith.cmpi eq, %arg1, %eq3A : i32
    %convert_element_type3A_4 = arith.extui %eq3A_3 : i1 to i32
    %cond3A_5 = arith.constant 0 : i32
    %cond3A_6 = arith.cmpi ne, %convert_element_type3A_4, %cond3A_5 : i32
    scf.if %cond3A_6 {
      "tpu.region"() ({
        %run_scoped3A_45 = tpu.sem_alloc : memref<!tpu.dma_semaphore, #tpu.memory_space<semaphore_mem>>
        %dma_start3A_46 = arith.constant 9480 : i32
        %dma_start3A_47 = arith.constant 0 : i32
        %dma_start3A_48 = tpu.memref_slice %arg11[%dma_start3A_46, %dma_start3A_47] : memref<10000x128xf32, #tpu.memory_space<vmem_shared>> -> memref<520x128xf32, #tpu.memory_space<vmem_shared>>
        %dma_start3A_49 = arith.constant 0 : i32
        %dma_start3A_50 = arith.constant 0 : i32
        %dma_start3A_51 = tpu.memref_slice %arg5[%dma_start3A_49, %dma_start3A_50] : memref<632x128xf32, #tpu.memory_space<hbm>> -> memref<520x128xf32, #tpu.memory_space<hbm>>
        tpu.enqueue_dma source(%dma_start3A_51 : memref<520x128xf32, #tpu.memory_space<hbm>>) target(%dma_start3A_48 : memref<520x128xf32, #tpu.memory_space<vmem_shared>>) target_semaphore(%run_scoped3A_45 : memref<!tpu.dma_semaphore, #tpu.memory_space<semaphore_mem>>)
        %dma_wait3A = arith.constant 9480 : i32
        %dma_wait3A_52 = arith.constant 0 : i32
        %dma_wait3A_53 = tpu.memref_slice %arg11[%dma_wait3A, %dma_wait3A_52] : memref<10000x128xf32, #tpu.memory_space<vmem_shared>> -> memref<520x128xf32, #tpu.memory_space<vmem_shared>>
        %dma_wait3A_54 = arith.constant 0 : i32
        %dma_wait3A_55 = arith.constant 0 : i32
        %dma_wait3A_56 = tpu.memref_slice %arg5[%dma_wait3A_54, %dma_wait3A_55] : memref<632x128xf32, #tpu.memory_space<hbm>> -> memref<520x128xf32, #tpu.memory_space<hbm>>
        tpu.wait_dma2 semaphore(%run_scoped3A_45 : memref<!tpu.dma_semaphore, #tpu.memory_space<semaphore_mem>>) src(%dma_wait3A_56 : memref<520x128xf32, #tpu.memory_space<hbm>>) dst(%dma_wait3A_53 : memref<520x128xf32, #tpu.memory_space<vmem_shared>>)
        tpu.yield
      }) : () -> ()
    } else {
    }
    %barrier3A = arith.constant 0 : index
    tpu.barrier barrier_id(%barrier3A)
    %run_scoped3A = arith.constant 0 : i32
    "tpu.region"() ({
      %run_scoped3A_45 = tpu.sem_alloc : memref<!tpu.dma_semaphore, #tpu.memory_space<semaphore_mem>>
      %dma_start3A_46 = arith.constant 0 : i32
      %dma_start3A_47 = arith.constant 0 : i32
      %dma_start3A_48 = tpu.memref_slice %arg3[%add3A, %run_scoped3A, %dma_start3A_46, %dma_start3A_47] : memref<32x2x40x128xi32, #tpu.memory_space<hbm>> -> memref<1x1x40x128xi32, #tpu.memory_space<hbm>>
      %dma_start3A_49 = tpu.memref_squeeze %dma_start3A_48 : memref<1x1x40x128xi32, #tpu.memory_space<hbm>> -> memref<40x128xi32, #tpu.memory_space<hbm>>
      %dma_start3A_50 = arith.constant 0 : i32
      %dma_start3A_51 = arith.constant 0 : i32
      %dma_start3A_52 = tpu.memref_slice %arg3[%add3A, %run_scoped3A, %dma_start3A_50, %dma_start3A_51] : memref<32x2x40x128xi32, #tpu.memory_space<hbm>> -> memref<1x1x40x128xi32, #tpu.memory_space<hbm>>
      %dma_start3A_53 = tpu.memref_squeeze %dma_start3A_52 : memref<1x1x40x128xi32, #tpu.memory_space<hbm>> -> memref<40x128xi32, #tpu.memory_space<hbm>>
      tpu.enqueue_dma source(%dma_start3A_53 : memref<40x128xi32, #tpu.memory_space<hbm>>) target(%arg7 : memref<40x128xi32, #tpu.memory_space<vmem>>) target_semaphore(%run_scoped3A_45 : memref<!tpu.dma_semaphore, #tpu.memory_space<semaphore_mem>>)
      %dma_wait3A = arith.constant 0 : i32
      %dma_wait3A_54 = arith.constant 0 : i32
      %dma_wait3A_55 = tpu.memref_slice %arg3[%add3A, %run_scoped3A, %dma_wait3A, %dma_wait3A_54] : memref<32x2x40x128xi32, #tpu.memory_space<hbm>> -> memref<1x1x40x128xi32, #tpu.memory_space<hbm>>
      %dma_wait3A_56 = tpu.memref_squeeze %dma_wait3A_55 : memref<1x1x40x128xi32, #tpu.memory_space<hbm>> -> memref<40x128xi32, #tpu.memory_space<hbm>>
      %dma_wait3A_57 = arith.constant 0 : i32
      %dma_wait3A_58 = arith.constant 0 : i32
      %dma_wait3A_59 = tpu.memref_slice %arg3[%add3A, %run_scoped3A, %dma_wait3A_57, %dma_wait3A_58] : memref<32x2x40x128xi32, #tpu.memory_space<hbm>> -> memref<1x1x40x128xi32, #tpu.memory_space<hbm>>
      %dma_wait3A_60 = tpu.memref_squeeze %dma_wait3A_59 : memref<1x1x40x128xi32, #tpu.memory_space<hbm>> -> memref<40x128xi32, #tpu.memory_space<hbm>>
      tpu.wait_dma2 semaphore(%run_scoped3A_45 : memref<!tpu.dma_semaphore, #tpu.memory_space<semaphore_mem>>) src(%dma_wait3A_60 : memref<40x128xi32, #tpu.memory_space<hbm>>) dst(%arg7 : memref<40x128xi32, #tpu.memory_space<vmem>>)
      tpu.yield
    }) : () -> ()
    %run_scoped3A_7 = arith.constant 0 : i32
    "tpu.region"() ({
      %run_scoped3A_45 = tpu.sem_alloc : memref<!tpu.dma_semaphore, #tpu.memory_space<semaphore_mem>>
      %dma_start3A_46 = arith.constant 0 : i32
      %dma_start3A_47 = arith.constant 0 : i32
      %dma_start3A_48 = tpu.memref_slice %arg4[%add3A, %run_scoped3A_7, %dma_start3A_46, %dma_start3A_47] : memref<32x2x40x128xi32, #tpu.memory_space<hbm>> -> memref<1x1x40x128xi32, #tpu.memory_space<hbm>>
      %dma_start3A_49 = tpu.memref_squeeze %dma_start3A_48 : memref<1x1x40x128xi32, #tpu.memory_space<hbm>> -> memref<40x128xi32, #tpu.memory_space<hbm>>
      %dma_start3A_50 = arith.constant 0 : i32
      %dma_start3A_51 = arith.constant 0 : i32
      %dma_start3A_52 = tpu.memref_slice %arg4[%add3A, %run_scoped3A_7, %dma_start3A_50, %dma_start3A_51] : memref<32x2x40x128xi32, #tpu.memory_space<hbm>> -> memref<1x1x40x128xi32, #tpu.memory_space<hbm>>
      %dma_start3A_53 = tpu.memref_squeeze %dma_start3A_52 : memref<1x1x40x128xi32, #tpu.memory_space<hbm>> -> memref<40x128xi32, #tpu.memory_space<hbm>>
      tpu.enqueue_dma source(%dma_start3A_53 : memref<40x128xi32, #tpu.memory_space<hbm>>) target(%arg8 : memref<40x128xi32, #tpu.memory_space<vmem>>) target_semaphore(%run_scoped3A_45 : memref<!tpu.dma_semaphore, #tpu.memory_space<semaphore_mem>>)
      %dma_wait3A = arith.constant 0 : i32
      %dma_wait3A_54 = arith.constant 0 : i32
      %dma_wait3A_55 = tpu.memref_slice %arg4[%add3A, %run_scoped3A_7, %dma_wait3A, %dma_wait3A_54] : memref<32x2x40x128xi32, #tpu.memory_space<hbm>> -> memref<1x1x40x128xi32, #tpu.memory_space<hbm>>
      %dma_wait3A_56 = tpu.memref_squeeze %dma_wait3A_55 : memref<1x1x40x128xi32, #tpu.memory_space<hbm>> -> memref<40x128xi32, #tpu.memory_space<hbm>>
      %dma_wait3A_57 = arith.constant 0 : i32
      %dma_wait3A_58 = arith.constant 0 : i32
      %dma_wait3A_59 = tpu.memref_slice %arg4[%add3A, %run_scoped3A_7, %dma_wait3A_57, %dma_wait3A_58] : memref<32x2x40x128xi32, #tpu.memory_space<hbm>> -> memref<1x1x40x128xi32, #tpu.memory_space<hbm>>
      %dma_wait3A_60 = tpu.memref_squeeze %dma_wait3A_59 : memref<1x1x40x128xi32, #tpu.memory_space<hbm>> -> memref<40x128xi32, #tpu.memory_space<hbm>>
      tpu.wait_dma2 semaphore(%run_scoped3A_45 : memref<!tpu.dma_semaphore, #tpu.memory_space<semaphore_mem>>) src(%dma_wait3A_60 : memref<40x128xi32, #tpu.memory_space<hbm>>) dst(%arg8 : memref<40x128xi32, #tpu.memory_space<vmem>>)
      tpu.yield
    }) : () -> ()
    %dma_start3A = arith.constant 0 : i32
    %dma_start3A_8 = arith.constant 0 : i32
    %dma_start3A_9 = tpu.memref_slice %arg7[%dma_start3A, %dma_start3A_8] : memref<40x128xi32, #tpu.memory_space<vmem>> -> memref<1x128xi32, #tpu.memory_space<vmem>>
    %dma_start3A_10 = tpu.memref_squeeze %dma_start3A_9 : memref<1x128xi32, #tpu.memory_space<vmem>> -> memref<128xi32, #tpu.memory_space<vmem>>
    %dma_start3A_11 = arith.constant 0 : i32
    %dma_start3A_12 = arith.constant 0 : i32
    %dma_start3A_13 = tpu.memref_slice %arg2[%dma_start3A_11, %dma_start3A_12] : memref<20096x128xf32, #tpu.memory_space<hbm>> -> memref<20096x128xf32, #tpu.memory_space<hbm>>
    tpu.enqueue_indirect_dma source(%dma_start3A_13 : memref<20096x128xf32, #tpu.memory_space<hbm>>) target(%arg9 : memref<128x128xf32, #tpu.memory_space<vmem>>) offsets(%dma_start3A_10 : memref<128xi32, #tpu.memory_space<vmem>>) semaphore(%arg12 : memref<!tpu.dma_semaphore, #tpu.memory_space<semaphore_mem>>)
    %scan3A = arith.constant 0 : i32
    %scan3A_14 = arith.constant 0 : i32
    %scan3A_15 = arith.constant 20 : i32
    %scan3A_16 = arith.addi %scan3A_14, %scan3A_15 : i32
    %scan3A_17 = arith.constant 1 : i32
    scf.for %scan3A_45 = %scan3A_14 to %scan3A_16 step %scan3A_17  : i32 {
      %mul3A_46 = arith.constant 2 : i32
      %mul3A_47 = arith.muli %mul3A_46, %scan3A_45 : i32
      %add3A_48 = arith.constant 1 : i32
      %add3A_49 = arith.addi %mul3A_47, %add3A_48 : i32
      %dma_start3A_50 = arith.constant 0 : i32
      %dma_start3A_51 = tpu.memref_slice %arg7[%add3A_49, %dma_start3A_50] : memref<40x128xi32, #tpu.memory_space<vmem>> -> memref<1x128xi32, #tpu.memory_space<vmem>>
      %dma_start3A_52 = tpu.memref_squeeze %dma_start3A_51 : memref<1x128xi32, #tpu.memory_space<vmem>> -> memref<128xi32, #tpu.memory_space<vmem>>
      %dma_start3A_53 = arith.constant 0 : i32
      %dma_start3A_54 = arith.constant 0 : i32
      %dma_start3A_55 = tpu.memref_slice %arg2[%dma_start3A_53, %dma_start3A_54] : memref<20096x128xf32, #tpu.memory_space<hbm>> -> memref<20096x128xf32, #tpu.memory_space<hbm>>
      tpu.enqueue_indirect_dma source(%dma_start3A_55 : memref<20096x128xf32, #tpu.memory_space<hbm>>) target(%arg10 : memref<128x128xf32, #tpu.memory_space<vmem>>) offsets(%dma_start3A_52 : memref<128xi32, #tpu.memory_space<vmem>>) semaphore(%arg13 : memref<!tpu.dma_semaphore, #tpu.memory_space<semaphore_mem>>)
      %dma_wait3A = arith.constant 0 : i32
      %dma_wait3A_56 = tpu.memref_slice %arg7[%mul3A_47, %dma_wait3A] : memref<40x128xi32, #tpu.memory_space<vmem>> -> memref<1x128xi32, #tpu.memory_space<vmem>>
      %dma_wait3A_57 = tpu.memref_squeeze %dma_wait3A_56 : memref<1x128xi32, #tpu.memory_space<vmem>> -> memref<128xi32, #tpu.memory_space<vmem>>
      %dma_wait3A_58 = arith.constant 0 : i32
      %dma_wait3A_59 = arith.constant 0 : i32
      %dma_wait3A_60 = tpu.memref_slice %arg2[%dma_wait3A_58, %dma_wait3A_59] : memref<20096x128xf32, #tpu.memory_space<hbm>> -> memref<20096x128xf32, #tpu.memory_space<hbm>>
      tpu.wait_indirect_dma semaphore(%arg12 : memref<!tpu.dma_semaphore, #tpu.memory_space<semaphore_mem>>) src(%dma_wait3A_60 : memref<20096x128xf32, #tpu.memory_space<hbm>>) dst(%arg9 : memref<128x128xf32, #tpu.memory_space<vmem>>)
      "tpu.region"() ({
        %run_scoped3A_78 = tpu.sem_alloc : memref<!tpu.dma_semaphore, #tpu.memory_space<semaphore_mem>>
        %dma_start3A_79 = arith.constant 0 : i32
        %dma_start3A_80 = tpu.memref_slice %arg8[%mul3A_47, %dma_start3A_79] : memref<40x128xi32, #tpu.memory_space<vmem>> -> memref<1x128xi32, #tpu.memory_space<vmem>>
        %dma_start3A_81 = tpu.memref_squeeze %dma_start3A_80 : memref<1x128xi32, #tpu.memory_space<vmem>> -> memref<128xi32, #tpu.memory_space<vmem>>
        %dma_start3A_82 = arith.constant 0 : i32
        %dma_start3A_83 = arith.constant 0 : i32
        %dma_start3A_84 = tpu.memref_slice %arg11[%dma_start3A_82, %dma_start3A_83] : memref<10000x128xf32, #tpu.memory_space<vmem_shared>> -> memref<10000x128xf32, #tpu.memory_space<vmem_shared>>
        tpu.enqueue_indirect_dma source(%arg9 : memref<128x128xf32, #tpu.memory_space<vmem>>) target(%dma_start3A_84 : memref<10000x128xf32, #tpu.memory_space<vmem_shared>>) offsets(%dma_start3A_81 : memref<128xi32, #tpu.memory_space<vmem>>) semaphore(%run_scoped3A_78 : memref<!tpu.dma_semaphore, #tpu.memory_space<semaphore_mem>>) {add = true}
        %dma_wait3A_85 = arith.constant 0 : i32
        %dma_wait3A_86 = tpu.memref_slice %arg8[%mul3A_47, %dma_wait3A_85] : memref<40x128xi32, #tpu.memory_space<vmem>> -> memref<1x128xi32, #tpu.memory_space<vmem>>
        %dma_wait3A_87 = tpu.memref_squeeze %dma_wait3A_86 : memref<1x128xi32, #tpu.memory_space<vmem>> -> memref<128xi32, #tpu.memory_space<vmem>>
        %dma_wait3A_88 = arith.constant 0 : i32
        %dma_wait3A_89 = arith.constant 0 : i32
        %dma_wait3A_90 = tpu.memref_slice %arg11[%dma_wait3A_88, %dma_wait3A_89] : memref<10000x128xf32, #tpu.memory_space<vmem_shared>> -> memref<10000x128xf32, #tpu.memory_space<vmem_shared>>
        tpu.wait_indirect_dma semaphore(%run_scoped3A_78 : memref<!tpu.dma_semaphore, #tpu.memory_space<semaphore_mem>>) src(%arg9 : memref<128x128xf32, #tpu.memory_space<vmem>>) dst(%dma_wait3A_90 : memref<10000x128xf32, #tpu.memory_space<vmem_shared>>)
        tpu.yield
      }) : () -> ()
      %add3A_61 = arith.constant 2 : i32
      %add3A_62 = arith.addi %mul3A_47, %add3A_61 : i32
      %lt3A_63 = arith.constant 40 : i32
      %lt3A_64 = arith.cmpi slt, %add3A_62, %lt3A_63 : i32
      %convert_element_type3A_65 = arith.extui %lt3A_64 : i1 to i32
      %cond3A_66 = arith.constant 0 : i32
      %cond3A_67 = arith.cmpi ne, %convert_element_type3A_65, %cond3A_66 : i32
      scf.if %cond3A_67 {
        %add3A_78 = arith.constant 2 : i32
        %add3A_79 = arith.addi %mul3A_47, %add3A_78 : i32
        %dma_start3A_80 = arith.constant 0 : i32
        %dma_start3A_81 = tpu.memref_slice %arg7[%add3A_79, %dma_start3A_80] : memref<40x128xi32, #tpu.memory_space<vmem>> -> memref<1x128xi32, #tpu.memory_space<vmem>>
        %dma_start3A_82 = tpu.memref_squeeze %dma_start3A_81 : memref<1x128xi32, #tpu.memory_space<vmem>> -> memref<128xi32, #tpu.memory_space<vmem>>
        %dma_start3A_83 = arith.constant 0 : i32
        %dma_start3A_84 = arith.constant 0 : i32
        %dma_start3A_85 = tpu.memref_slice %arg2[%dma_start3A_83, %dma_start3A_84] : memref<20096x128xf32, #tpu.memory_space<hbm>> -> memref<20096x128xf32, #tpu.memory_space<hbm>>
        tpu.enqueue_indirect_dma source(%dma_start3A_85 : memref<20096x128xf32, #tpu.memory_space<hbm>>) target(%arg9 : memref<128x128xf32, #tpu.memory_space<vmem>>) offsets(%dma_start3A_82 : memref<128xi32, #tpu.memory_space<vmem>>) semaphore(%arg12 : memref<!tpu.dma_semaphore, #tpu.memory_space<semaphore_mem>>)
      } else {
      }
      %add3A_68 = arith.constant 1 : i32
      %add3A_69 = arith.addi %mul3A_47, %add3A_68 : i32
      %dma_wait3A_70 = arith.constant 0 : i32
      %dma_wait3A_71 = tpu.memref_slice %arg7[%add3A_69, %dma_wait3A_70] : memref<40x128xi32, #tpu.memory_space<vmem>> -> memref<1x128xi32, #tpu.memory_space<vmem>>
      %dma_wait3A_72 = tpu.memref_squeeze %dma_wait3A_71 : memref<1x128xi32, #tpu.memory_space<vmem>> -> memref<128xi32, #tpu.memory_space<vmem>>
      %dma_wait3A_73 = arith.constant 0 : i32
      %dma_wait3A_74 = arith.constant 0 : i32
      %dma_wait3A_75 = tpu.memref_slice %arg2[%dma_wait3A_73, %dma_wait3A_74] : memref<20096x128xf32, #tpu.memory_space<hbm>> -> memref<20096x128xf32, #tpu.memory_space<hbm>>
      tpu.wait_indirect_dma semaphore(%arg13 : memref<!tpu.dma_semaphore, #tpu.memory_space<semaphore_mem>>) src(%dma_wait3A_75 : memref<20096x128xf32, #tpu.memory_space<hbm>>) dst(%arg10 : memref<128x128xf32, #tpu.memory_space<vmem>>)
      %add3A_76 = arith.constant 1 : i32
      %add3A_77 = arith.addi %mul3A_47, %add3A_76 : i32
      "tpu.region"() ({
        %run_scoped3A_78 = tpu.sem_alloc : memref<!tpu.dma_semaphore, #tpu.memory_space<semaphore_mem>>
        %dma_start3A_79 = arith.constant 0 : i32
        %dma_start3A_80 = tpu.memref_slice %arg8[%add3A_77, %dma_start3A_79] : memref<40x128xi32, #tpu.memory_space<vmem>> -> memref<1x128xi32, #tpu.memory_space<vmem>>
        %dma_start3A_81 = tpu.memref_squeeze %dma_start3A_80 : memref<1x128xi32, #tpu.memory_space<vmem>> -> memref<128xi32, #tpu.memory_space<vmem>>
        %dma_start3A_82 = arith.constant 0 : i32
        %dma_start3A_83 = arith.constant 0 : i32
        %dma_start3A_84 = tpu.memref_slice %arg11[%dma_start3A_82, %dma_start3A_83] : memref<10000x128xf32, #tpu.memory_space<vmem_shared>> -> memref<10000x128xf32, #tpu.memory_space<vmem_shared>>
        tpu.enqueue_indirect_dma source(%arg10 : memref<128x128xf32, #tpu.memory_space<vmem>>) target(%dma_start3A_84 : memref<10000x128xf32, #tpu.memory_space<vmem_shared>>) offsets(%dma_start3A_81 : memref<128xi32, #tpu.memory_space<vmem>>) semaphore(%run_scoped3A_78 : memref<!tpu.dma_semaphore, #tpu.memory_space<semaphore_mem>>) {add = true}
        %dma_wait3A_85 = arith.constant 0 : i32
        %dma_wait3A_86 = tpu.memref_slice %arg8[%add3A_77, %dma_wait3A_85] : memref<40x128xi32, #tpu.memory_space<vmem>> -> memref<1x128xi32, #tpu.memory_space<vmem>>
        %dma_wait3A_87 = tpu.memref_squeeze %dma_wait3A_86 : memref<1x128xi32, #tpu.memory_space<vmem>> -> memref<128xi32, #tpu.memory_space<vmem>>
        %dma_wait3A_88 = arith.constant 0 : i32
        %dma_wait3A_89 = arith.constant 0 : i32
        %dma_wait3A_90 = tpu.memref_slice %arg11[%dma_wait3A_88, %dma_wait3A_89] : memref<10000x128xf32, #tpu.memory_space<vmem_shared>> -> memref<10000x128xf32, #tpu.memory_space<vmem_shared>>
        tpu.wait_indirect_dma semaphore(%run_scoped3A_78 : memref<!tpu.dma_semaphore, #tpu.memory_space<semaphore_mem>>) src(%arg10 : memref<128x128xf32, #tpu.memory_space<vmem>>) dst(%dma_wait3A_90 : memref<10000x128xf32, #tpu.memory_space<vmem_shared>>)
        tpu.yield
      }) : () -> ()
    }
    %scan3A_18 = arith.constant 20 : i32
    %run_scoped3A_19 = arith.constant 1 : i32
    "tpu.region"() ({
      %run_scoped3A_45 = tpu.sem_alloc : memref<!tpu.dma_semaphore, #tpu.memory_space<semaphore_mem>>
      %dma_start3A_46 = arith.constant 0 : i32
      %dma_start3A_47 = arith.constant 0 : i32
      %dma_start3A_48 = tpu.memref_slice %arg3[%add3A, %run_scoped3A_19, %dma_start3A_46, %dma_start3A_47] : memref<32x2x40x128xi32, #tpu.memory_space<hbm>> -> memref<1x1x40x128xi32, #tpu.memory_space<hbm>>
      %dma_start3A_49 = tpu.memref_squeeze %dma_start3A_48 : memref<1x1x40x128xi32, #tpu.memory_space<hbm>> -> memref<40x128xi32, #tpu.memory_space<hbm>>
      %dma_start3A_50 = arith.constant 0 : i32
      %dma_start3A_51 = arith.constant 0 : i32
      %dma_start3A_52 = tpu.memref_slice %arg3[%add3A, %run_scoped3A_19, %dma_start3A_50, %dma_start3A_51] : memref<32x2x40x128xi32, #tpu.memory_space<hbm>> -> memref<1x1x40x128xi32, #tpu.memory_space<hbm>>
      %dma_start3A_53 = tpu.memref_squeeze %dma_start3A_52 : memref<1x1x40x128xi32, #tpu.memory_space<hbm>> -> memref<40x128xi32, #tpu.memory_space<hbm>>
      tpu.enqueue_dma source(%dma_start3A_53 : memref<40x128xi32, #tpu.memory_space<hbm>>) target(%arg7 : memref<40x128xi32, #tpu.memory_space<vmem>>) target_semaphore(%run_scoped3A_45 : memref<!tpu.dma_semaphore, #tpu.memory_space<semaphore_mem>>)
      %dma_wait3A = arith.constant 0 : i32
      %dma_wait3A_54 = arith.constant 0 : i32
      %dma_wait3A_55 = tpu.memref_slice %arg3[%add3A, %run_scoped3A_19, %dma_wait3A, %dma_wait3A_54] : memref<32x2x40x128xi32, #tpu.memory_space<hbm>> -> memref<1x1x40x128xi32, #tpu.memory_space<hbm>>
      %dma_wait3A_56 = tpu.memref_squeeze %dma_wait3A_55 : memref<1x1x40x128xi32, #tpu.memory_space<hbm>> -> memref<40x128xi32, #tpu.memory_space<hbm>>
      %dma_wait3A_57 = arith.constant 0 : i32
      %dma_wait3A_58 = arith.constant 0 : i32
      %dma_wait3A_59 = tpu.memref_slice %arg3[%add3A, %run_scoped3A_19, %dma_wait3A_57, %dma_wait3A_58] : memref<32x2x40x128xi32, #tpu.memory_space<hbm>> -> memref<1x1x40x128xi32, #tpu.memory_space<hbm>>
      %dma_wait3A_60 = tpu.memref_squeeze %dma_wait3A_59 : memref<1x1x40x128xi32, #tpu.memory_space<hbm>> -> memref<40x128xi32, #tpu.memory_space<hbm>>
      tpu.wait_dma2 semaphore(%run_scoped3A_45 : memref<!tpu.dma_semaphore, #tpu.memory_space<semaphore_mem>>) src(%dma_wait3A_60 : memref<40x128xi32, #tpu.memory_space<hbm>>) dst(%arg7 : memref<40x128xi32, #tpu.memory_space<vmem>>)
      tpu.yield
    }) : () -> ()
    %run_scoped3A_20 = arith.constant 1 : i32
    "tpu.region"() ({
      %run_scoped3A_45 = tpu.sem_alloc : memref<!tpu.dma_semaphore, #tpu.memory_space<semaphore_mem>>
      %dma_start3A_46 = arith.constant 0 : i32
      %dma_start3A_47 = arith.constant 0 : i32
      %dma_start3A_48 = tpu.memref_slice %arg4[%add3A, %run_scoped3A_20, %dma_start3A_46, %dma_start3A_47] : memref<32x2x40x128xi32, #tpu.memory_space<hbm>> -> memref<1x1x40x128xi32, #tpu.memory_space<hbm>>
      %dma_start3A_49 = tpu.memref_squeeze %dma_start3A_48 : memref<1x1x40x128xi32, #tpu.memory_space<hbm>> -> memref<40x128xi32, #tpu.memory_space<hbm>>
      %dma_start3A_50 = arith.constant 0 : i32
      %dma_start3A_51 = arith.constant 0 : i32
      %dma_start3A_52 = tpu.memref_slice %arg4[%add3A, %run_scoped3A_20, %dma_start3A_50, %dma_start3A_51] : memref<32x2x40x128xi32, #tpu.memory_space<hbm>> -> memref<1x1x40x128xi32, #tpu.memory_space<hbm>>
      %dma_start3A_53 = tpu.memref_squeeze %dma_start3A_52 : memref<1x1x40x128xi32, #tpu.memory_space<hbm>> -> memref<40x128xi32, #tpu.memory_space<hbm>>
      tpu.enqueue_dma source(%dma_start3A_53 : memref<40x128xi32, #tpu.memory_space<hbm>>) target(%arg8 : memref<40x128xi32, #tpu.memory_space<vmem>>) target_semaphore(%run_scoped3A_45 : memref<!tpu.dma_semaphore, #tpu.memory_space<semaphore_mem>>)
      %dma_wait3A = arith.constant 0 : i32
      %dma_wait3A_54 = arith.constant 0 : i32
      %dma_wait3A_55 = tpu.memref_slice %arg4[%add3A, %run_scoped3A_20, %dma_wait3A, %dma_wait3A_54] : memref<32x2x40x128xi32, #tpu.memory_space<hbm>> -> memref<1x1x40x128xi32, #tpu.memory_space<hbm>>
      %dma_wait3A_56 = tpu.memref_squeeze %dma_wait3A_55 : memref<1x1x40x128xi32, #tpu.memory_space<hbm>> -> memref<40x128xi32, #tpu.memory_space<hbm>>
      %dma_wait3A_57 = arith.constant 0 : i32
      %dma_wait3A_58 = arith.constant 0 : i32
      %dma_wait3A_59 = tpu.memref_slice %arg4[%add3A, %run_scoped3A_20, %dma_wait3A_57, %dma_wait3A_58] : memref<32x2x40x128xi32, #tpu.memory_space<hbm>> -> memref<1x1x40x128xi32, #tpu.memory_space<hbm>>
      %dma_wait3A_60 = tpu.memref_squeeze %dma_wait3A_59 : memref<1x1x40x128xi32, #tpu.memory_space<hbm>> -> memref<40x128xi32, #tpu.memory_space<hbm>>
      tpu.wait_dma2 semaphore(%run_scoped3A_45 : memref<!tpu.dma_semaphore, #tpu.memory_space<semaphore_mem>>) src(%dma_wait3A_60 : memref<40x128xi32, #tpu.memory_space<hbm>>) dst(%arg8 : memref<40x128xi32, #tpu.memory_space<vmem>>)
      tpu.yield
    }) : () -> ()
    %dma_start3A_21 = arith.constant 0 : i32
    %dma_start3A_22 = arith.constant 0 : i32
    %dma_start3A_23 = tpu.memref_slice %arg7[%dma_start3A_21, %dma_start3A_22] : memref<40x128xi32, #tpu.memory_space<vmem>> -> memref<1x128xi32, #tpu.memory_space<vmem>>
    %dma_start3A_24 = tpu.memref_squeeze %dma_start3A_23 : memref<1x128xi32, #tpu.memory_space<vmem>> -> memref<128xi32, #tpu.memory_space<vmem>>
    %dma_start3A_25 = arith.constant 0 : i32
    %dma_start3A_26 = arith.constant 0 : i32
    %dma_start3A_27 = tpu.memref_slice %arg2[%dma_start3A_25, %dma_start3A_26] : memref<20096x128xf32, #tpu.memory_space<hbm>> -> memref<20096x128xf32, #tpu.memory_space<hbm>>
    tpu.enqueue_indirect_dma source(%dma_start3A_27 : memref<20096x128xf32, #tpu.memory_space<hbm>>) target(%arg9 : memref<128x128xf32, #tpu.memory_space<vmem>>) offsets(%dma_start3A_24 : memref<128xi32, #tpu.memory_space<vmem>>) semaphore(%arg12 : memref<!tpu.dma_semaphore, #tpu.memory_space<semaphore_mem>>)
    %scan3A_28 = arith.constant 0 : i32
    %scan3A_29 = arith.constant 0 : i32
    %scan3A_30 = arith.constant 20 : i32
    %scan3A_31 = arith.addi %scan3A_29, %scan3A_30 : i32
    %scan3A_32 = arith.constant 1 : i32
    scf.for %scan3A_45 = %scan3A_29 to %scan3A_31 step %scan3A_32  : i32 {
      %mul3A_46 = arith.constant 2 : i32
      %mul3A_47 = arith.muli %mul3A_46, %scan3A_45 : i32
      %add3A_48 = arith.constant 1 : i32
      %add3A_49 = arith.addi %mul3A_47, %add3A_48 : i32
      %dma_start3A_50 = arith.constant 0 : i32
      %dma_start3A_51 = tpu.memref_slice %arg7[%add3A_49, %dma_start3A_50] : memref<40x128xi32, #tpu.memory_space<vmem>> -> memref<1x128xi32, #tpu.memory_space<vmem>>
      %dma_start3A_52 = tpu.memref_squeeze %dma_start3A_51 : memref<1x128xi32, #tpu.memory_space<vmem>> -> memref<128xi32, #tpu.memory_space<vmem>>
      %dma_start3A_53 = arith.constant 0 : i32
      %dma_start3A_54 = arith.constant 0 : i32
      %dma_start3A_55 = tpu.memref_slice %arg2[%dma_start3A_53, %dma_start3A_54] : memref<20096x128xf32, #tpu.memory_space<hbm>> -> memref<20096x128xf32, #tpu.memory_space<hbm>>
      tpu.enqueue_indirect_dma source(%dma_start3A_55 : memref<20096x128xf32, #tpu.memory_space<hbm>>) target(%arg10 : memref<128x128xf32, #tpu.memory_space<vmem>>) offsets(%dma_start3A_52 : memref<128xi32, #tpu.memory_space<vmem>>) semaphore(%arg13 : memref<!tpu.dma_semaphore, #tpu.memory_space<semaphore_mem>>)
      %dma_wait3A = arith.constant 0 : i32
      %dma_wait3A_56 = tpu.memref_slice %arg7[%mul3A_47, %dma_wait3A] : memref<40x128xi32, #tpu.memory_space<vmem>> -> memref<1x128xi32, #tpu.memory_space<vmem>>
      %dma_wait3A_57 = tpu.memref_squeeze %dma_wait3A_56 : memref<1x128xi32, #tpu.memory_space<vmem>> -> memref<128xi32, #tpu.memory_space<vmem>>
      %dma_wait3A_58 = arith.constant 0 : i32
      %dma_wait3A_59 = arith.constant 0 : i32
      %dma_wait3A_60 = tpu.memref_slice %arg2[%dma_wait3A_58, %dma_wait3A_59] : memref<20096x128xf32, #tpu.memory_space<hbm>> -> memref<20096x128xf32, #tpu.memory_space<hbm>>
      tpu.wait_indirect_dma semaphore(%arg12 : memref<!tpu.dma_semaphore, #tpu.memory_space<semaphore_mem>>) src(%dma_wait3A_60 : memref<20096x128xf32, #tpu.memory_space<hbm>>) dst(%arg9 : memref<128x128xf32, #tpu.memory_space<vmem>>)
      "tpu.region"() ({
        %run_scoped3A_78 = tpu.sem_alloc : memref<!tpu.dma_semaphore, #tpu.memory_space<semaphore_mem>>
        %dma_start3A_79 = arith.constant 0 : i32
        %dma_start3A_80 = tpu.memref_slice %arg8[%mul3A_47, %dma_start3A_79] : memref<40x128xi32, #tpu.memory_space<vmem>> -> memref<1x128xi32, #tpu.memory_space<vmem>>
        %dma_start3A_81 = tpu.memref_squeeze %dma_start3A_80 : memref<1x128xi32, #tpu.memory_space<vmem>> -> memref<128xi32, #tpu.memory_space<vmem>>
        %dma_start3A_82 = arith.constant 0 : i32
        %dma_start3A_83 = arith.constant 0 : i32
        %dma_start3A_84 = tpu.memref_slice %arg11[%dma_start3A_82, %dma_start3A_83] : memref<10000x128xf32, #tpu.memory_space<vmem_shared>> -> memref<10000x128xf32, #tpu.memory_space<vmem_shared>>
        tpu.enqueue_indirect_dma source(%arg9 : memref<128x128xf32, #tpu.memory_space<vmem>>) target(%dma_start3A_84 : memref<10000x128xf32, #tpu.memory_space<vmem_shared>>) offsets(%dma_start3A_81 : memref<128xi32, #tpu.memory_space<vmem>>) semaphore(%run_scoped3A_78 : memref<!tpu.dma_semaphore, #tpu.memory_space<semaphore_mem>>) {add = true}
        %dma_wait3A_85 = arith.constant 0 : i32
        %dma_wait3A_86 = tpu.memref_slice %arg8[%mul3A_47, %dma_wait3A_85] : memref<40x128xi32, #tpu.memory_space<vmem>> -> memref<1x128xi32, #tpu.memory_space<vmem>>
        %dma_wait3A_87 = tpu.memref_squeeze %dma_wait3A_86 : memref<1x128xi32, #tpu.memory_space<vmem>> -> memref<128xi32, #tpu.memory_space<vmem>>
        %dma_wait3A_88 = arith.constant 0 : i32
        %dma_wait3A_89 = arith.constant 0 : i32
        %dma_wait3A_90 = tpu.memref_slice %arg11[%dma_wait3A_88, %dma_wait3A_89] : memref<10000x128xf32, #tpu.memory_space<vmem_shared>> -> memref<10000x128xf32, #tpu.memory_space<vmem_shared>>
        tpu.wait_indirect_dma semaphore(%run_scoped3A_78 : memref<!tpu.dma_semaphore, #tpu.memory_space<semaphore_mem>>) src(%arg9 : memref<128x128xf32, #tpu.memory_space<vmem>>) dst(%dma_wait3A_90 : memref<10000x128xf32, #tpu.memory_space<vmem_shared>>)
        tpu.yield
      }) : () -> ()
      %add3A_61 = arith.constant 2 : i32
      %add3A_62 = arith.addi %mul3A_47, %add3A_61 : i32
      %lt3A_63 = arith.constant 40 : i32
      %lt3A_64 = arith.cmpi slt, %add3A_62, %lt3A_63 : i32
      %convert_element_type3A_65 = arith.extui %lt3A_64 : i1 to i32
      %cond3A_66 = arith.constant 0 : i32
      %cond3A_67 = arith.cmpi ne, %convert_element_type3A_65, %cond3A_66 : i32
      scf.if %cond3A_67 {
        %add3A_78 = arith.constant 2 : i32
        %add3A_79 = arith.addi %mul3A_47, %add3A_78 : i32
        %dma_start3A_80 = arith.constant 0 : i32
        %dma_start3A_81 = tpu.memref_slice %arg7[%add3A_79, %dma_start3A_80] : memref<40x128xi32, #tpu.memory_space<vmem>> -> memref<1x128xi32, #tpu.memory_space<vmem>>
        %dma_start3A_82 = tpu.memref_squeeze %dma_start3A_81 : memref<1x128xi32, #tpu.memory_space<vmem>> -> memref<128xi32, #tpu.memory_space<vmem>>
        %dma_start3A_83 = arith.constant 0 : i32
        %dma_start3A_84 = arith.constant 0 : i32
        %dma_start3A_85 = tpu.memref_slice %arg2[%dma_start3A_83, %dma_start3A_84] : memref<20096x128xf32, #tpu.memory_space<hbm>> -> memref<20096x128xf32, #tpu.memory_space<hbm>>
        tpu.enqueue_indirect_dma source(%dma_start3A_85 : memref<20096x128xf32, #tpu.memory_space<hbm>>) target(%arg9 : memref<128x128xf32, #tpu.memory_space<vmem>>) offsets(%dma_start3A_82 : memref<128xi32, #tpu.memory_space<vmem>>) semaphore(%arg12 : memref<!tpu.dma_semaphore, #tpu.memory_space<semaphore_mem>>)
      } else {
      }
      %add3A_68 = arith.constant 1 : i32
      %add3A_69 = arith.addi %mul3A_47, %add3A_68 : i32
      %dma_wait3A_70 = arith.constant 0 : i32
      %dma_wait3A_71 = tpu.memref_slice %arg7[%add3A_69, %dma_wait3A_70] : memref<40x128xi32, #tpu.memory_space<vmem>> -> memref<1x128xi32, #tpu.memory_space<vmem>>
      %dma_wait3A_72 = tpu.memref_squeeze %dma_wait3A_71 : memref<1x128xi32, #tpu.memory_space<vmem>> -> memref<128xi32, #tpu.memory_space<vmem>>
      %dma_wait3A_73 = arith.constant 0 : i32
      %dma_wait3A_74 = arith.constant 0 : i32
      %dma_wait3A_75 = tpu.memref_slice %arg2[%dma_wait3A_73, %dma_wait3A_74] : memref<20096x128xf32, #tpu.memory_space<hbm>> -> memref<20096x128xf32, #tpu.memory_space<hbm>>
      tpu.wait_indirect_dma semaphore(%arg13 : memref<!tpu.dma_semaphore, #tpu.memory_space<semaphore_mem>>) src(%dma_wait3A_75 : memref<20096x128xf32, #tpu.memory_space<hbm>>) dst(%arg10 : memref<128x128xf32, #tpu.memory_space<vmem>>)
      %add3A_76 = arith.constant 1 : i32
      %add3A_77 = arith.addi %mul3A_47, %add3A_76 : i32
      "tpu.region"() ({
        %run_scoped3A_78 = tpu.sem_alloc : memref<!tpu.dma_semaphore, #tpu.memory_space<semaphore_mem>>
        %dma_start3A_79 = arith.constant 0 : i32
        %dma_start3A_80 = tpu.memref_slice %arg8[%add3A_77, %dma_start3A_79] : memref<40x128xi32, #tpu.memory_space<vmem>> -> memref<1x128xi32, #tpu.memory_space<vmem>>
        %dma_start3A_81 = tpu.memref_squeeze %dma_start3A_80 : memref<1x128xi32, #tpu.memory_space<vmem>> -> memref<128xi32, #tpu.memory_space<vmem>>
        %dma_start3A_82 = arith.constant 0 : i32
        %dma_start3A_83 = arith.constant 0 : i32
        %dma_start3A_84 = tpu.memref_slice %arg11[%dma_start3A_82, %dma_start3A_83] : memref<10000x128xf32, #tpu.memory_space<vmem_shared>> -> memref<10000x128xf32, #tpu.memory_space<vmem_shared>>
        tpu.enqueue_indirect_dma source(%arg10 : memref<128x128xf32, #tpu.memory_space<vmem>>) target(%dma_start3A_84 : memref<10000x128xf32, #tpu.memory_space<vmem_shared>>) offsets(%dma_start3A_81 : memref<128xi32, #tpu.memory_space<vmem>>) semaphore(%run_scoped3A_78 : memref<!tpu.dma_semaphore, #tpu.memory_space<semaphore_mem>>) {add = true}
        %dma_wait3A_85 = arith.constant 0 : i32
        %dma_wait3A_86 = tpu.memref_slice %arg8[%add3A_77, %dma_wait3A_85] : memref<40x128xi32, #tpu.memory_space<vmem>> -> memref<1x128xi32, #tpu.memory_space<vmem>>
        %dma_wait3A_87 = tpu.memref_squeeze %dma_wait3A_86 : memref<1x128xi32, #tpu.memory_space<vmem>> -> memref<128xi32, #tpu.memory_space<vmem>>
        %dma_wait3A_88 = arith.constant 0 : i32
        %dma_wait3A_89 = arith.constant 0 : i32
        %dma_wait3A_90 = tpu.memref_slice %arg11[%dma_wait3A_88, %dma_wait3A_89] : memref<10000x128xf32, #tpu.memory_space<vmem_shared>> -> memref<10000x128xf32, #tpu.memory_space<vmem_shared>>
        tpu.wait_indirect_dma semaphore(%run_scoped3A_78 : memref<!tpu.dma_semaphore, #tpu.memory_space<semaphore_mem>>) src(%arg10 : memref<128x128xf32, #tpu.memory_space<vmem>>) dst(%dma_wait3A_90 : memref<10000x128xf32, #tpu.memory_space<vmem_shared>>)
        tpu.yield
      }) : () -> ()
    }
    %scan3A_33 = arith.constant 20 : i32
    %barrier3A_34 = arith.constant 0 : index
    tpu.barrier barrier_id(%barrier3A_34)
    %lt3A_35 = arith.constant 15 : i32
    %lt3A_36 = arith.cmpi slt, %arg1, %lt3A_35 : i32
    %convert_element_type3A_37 = arith.extui %lt3A_36 : i1 to i32
    %cond3A_38 = arith.constant 0 : i32
    %cond3A_39 = arith.cmpi ne, %convert_element_type3A_37, %cond3A_38 : i32
    scf.if %cond3A_39 {
      %mul3A_45 = arith.constant 632 : i32
      %mul3A_46 = arith.muli %arg1, %mul3A_45 : i32
      %mul3A_47 = arith.constant 10000 : i32
      %mul3A_48 = arith.muli %arg0, %mul3A_47 : i32
      %mul3A_49 = arith.constant 632 : i32
      %mul3A_50 = arith.muli %arg1, %mul3A_49 : i32
      %add3A_51 = arith.addi %mul3A_48, %mul3A_50 : i32
      "tpu.region"() ({
        %run_scoped3A_52 = tpu.sem_alloc : memref<!tpu.dma_semaphore, #tpu.memory_space<semaphore_mem>>
        %dma_start3A_53 = arith.constant 0 : i32
        %dma_start3A_54 = tpu.memref_slice %arg6[%add3A_51, %dma_start3A_53] : memref<20000x128xf32, #tpu.memory_space<hbm>> -> memref<632x128xf32, #tpu.memory_space<hbm>>
        %dma_start3A_55 = arith.constant 0 : i32
        %dma_start3A_56 = tpu.memref_slice %arg11[%mul3A_46, %dma_start3A_55] : memref<10000x128xf32, #tpu.memory_space<vmem_shared>> -> memref<632x128xf32, #tpu.memory_space<vmem_shared>>
        tpu.enqueue_dma source(%dma_start3A_56 : memref<632x128xf32, #tpu.memory_space<vmem_shared>>) target(%dma_start3A_54 : memref<632x128xf32, #tpu.memory_space<hbm>>) target_semaphore(%run_scoped3A_52 : memref<!tpu.dma_semaphore, #tpu.memory_space<semaphore_mem>>)
        %dma_wait3A = arith.constant 0 : i32
        %dma_wait3A_57 = tpu.memref_slice %arg6[%add3A_51, %dma_wait3A] : memref<20000x128xf32, #tpu.memory_space<hbm>> -> memref<632x128xf32, #tpu.memory_space<hbm>>
        %dma_wait3A_58 = arith.constant 0 : i32
        %dma_wait3A_59 = tpu.memref_slice %arg11[%mul3A_46, %dma_wait3A_58] : memref<10000x128xf32, #tpu.memory_space<vmem_shared>> -> memref<632x128xf32, #tpu.memory_space<vmem_shared>>
        tpu.wait_dma2 semaphore(%run_scoped3A_52 : memref<!tpu.dma_semaphore, #tpu.memory_space<semaphore_mem>>) src(%dma_wait3A_59 : memref<632x128xf32, #tpu.memory_space<vmem_shared>>) dst(%dma_wait3A_57 : memref<632x128xf32, #tpu.memory_space<hbm>>)
        tpu.yield
      }) : () -> ()
    } else {
    }
    %eq3A_40 = arith.constant 15 : i32
    %eq3A_41 = arith.cmpi eq, %arg1, %eq3A_40 : i32
    %convert_element_type3A_42 = arith.extui %eq3A_41 : i1 to i32
    %cond3A_43 = arith.constant 0 : i32
    %cond3A_44 = arith.cmpi ne, %convert_element_type3A_42, %cond3A_43 : i32
    scf.if %cond3A_44 {
      %mul3A_45 = arith.constant 10000 : i32
      %mul3A_46 = arith.muli %arg0, %mul3A_45 : i32
      %add3A_47 = arith.constant 9480 : i32
      %add3A_48 = arith.addi %mul3A_46, %add3A_47 : i32
      "tpu.region"() ({
        %run_scoped3A_49 = tpu.sem_alloc : memref<!tpu.dma_semaphore, #tpu.memory_space<semaphore_mem>>
        %dma_start3A_50 = arith.constant 0 : i32
        %dma_start3A_51 = tpu.memref_slice %arg6[%add3A_48, %dma_start3A_50] : memref<20000x128xf32, #tpu.memory_space<hbm>> -> memref<520x128xf32, #tpu.memory_space<hbm>>
        %dma_start3A_52 = arith.constant 9480 : i32
        %dma_start3A_53 = arith.constant 0 : i32
        %dma_start3A_54 = tpu.memref_slice %arg11[%dma_start3A_52, %dma_start3A_53] : memref<10000x128xf32, #tpu.memory_space<vmem_shared>> -> memref<520x128xf32, #tpu.memory_space<vmem_shared>>
        tpu.enqueue_dma source(%dma_start3A_54 : memref<520x128xf32, #tpu.memory_space<vmem_shared>>) target(%dma_start3A_51 : memref<520x128xf32, #tpu.memory_space<hbm>>) target_semaphore(%run_scoped3A_49 : memref<!tpu.dma_semaphore, #tpu.memory_space<semaphore_mem>>)
        %dma_wait3A = arith.constant 0 : i32
        %dma_wait3A_55 = tpu.memref_slice %arg6[%add3A_48, %dma_wait3A] : memref<20000x128xf32, #tpu.memory_space<hbm>> -> memref<520x128xf32, #tpu.memory_space<hbm>>
        %dma_wait3A_56 = arith.constant 9480 : i32
        %dma_wait3A_57 = arith.constant 0 : i32
        %dma_wait3A_58 = tpu.memref_slice %arg11[%dma_wait3A_56, %dma_wait3A_57] : memref<10000x128xf32, #tpu.memory_space<vmem_shared>> -> memref<520x128xf32, #tpu.memory_space<vmem_shared>>
        tpu.wait_dma2 semaphore(%run_scoped3A_49 : memref<!tpu.dma_semaphore, #tpu.memory_space<semaphore_mem>>) src(%dma_wait3A_58 : memref<520x128xf32, #tpu.memory_space<vmem_shared>>) dst(%dma_wait3A_55 : memref<520x128xf32, #tpu.memory_space<hbm>>)
        tpu.yield
      }) : () -> ()
    } else {
    }
    return
  }
}

module attributes {stable_mosaic.version = 14 : i64} {
  func.func @_proj_body(%arg0: i32, %arg1: memref<1x10000x128xf32, #tpu.memory_space<vmem>>, %arg2: memref<128x128xf32, #tpu.memory_space<vmem>>, %arg3: memref<1x128xf32, #tpu.memory_space<vmem>>, %arg4: memref<1x10048x128xf32, #tpu.memory_space<vmem>>) attributes {dimension_semantics = [#tpu.dimension_semantics<arbitrary>], iteration_bounds = array<i64: 2>, scalar_prefetch = 0 : i64, scratch_operands = 0 : i64, tpu.core_type = #tpu.core_type<tc>, window_params = [{transform_indices = @transform_0, window_bounds = array<i64: 1, 10000, 128>}, {pipeline_mode = #tpu.pipeline_mode<synchronous>, transform_indices = @transform_1, window_bounds = array<i64: 128, 128>}, {pipeline_mode = #tpu.pipeline_mode<synchronous>, transform_indices = @transform_2, window_bounds = array<i64: 1, 128>}, {transform_indices = @transform_3, window_bounds = array<i64: 1, 10048, 128>}]} {
    %get3A = arith.constant 0 : index
    %get3A_0 = arith.constant 0 : index
    %get3A_1 = arith.constant 0 : index
    %get3A_2 = vector.load %arg1[%get3A, %get3A_0, %get3A_1] : memref<1x10000x128xf32, #tpu.memory_space<vmem>>, vector<1x10000x128xf32>
    %get3A_3 = vector.shape_cast %get3A_2 : vector<1x10000x128xf32> to vector<10000x128xf32>
    %get3A_4 = arith.constant 0 : index
    %get3A_5 = arith.constant 0 : index
    %get3A_6 = vector.load %arg2[%get3A_4, %get3A_5] : memref<128x128xf32, #tpu.memory_space<vmem>>, vector<128x128xf32>
    %dot_general3A = arith.constant dense<0.000000e+00> : vector<10000x128xf32>
    %dot_general3A_7 = tpu.matmul %get3A_3, %get3A_6, %dot_general3A {dimension_numbers = #tpu.dot_dimension_numbers<[1], [0], [0], [1], [0, 0, 1, 1], [], []>, transpose_lhs_hint = false} : vector<10000x128xf32>, vector<128x128xf32>, vector<10000x128xf32> -> vector<10000x128xf32>
    %get3A_8 = arith.constant 0 : index
    %get3A_9 = arith.constant 0 : index
    %get3A_10 = vector.load %arg3[%get3A_8, %get3A_9] : memref<1x128xf32, #tpu.memory_space<vmem>>, vector<1x128xf32>
    %add3A = vector.broadcast %get3A_10 : vector<1x128xf32> to vector<10000x128xf32>
    %add3A_11 = arith.addf %dot_general3A_7, %add3A : vector<10000x128xf32>
    %swap3A = arith.constant 0 : index
    %swap3A_12 = arith.constant 0 : index
    %swap3A_13 = arith.constant 0 : index
    %swap3A_14 = vector.load %arg4[%swap3A, %swap3A_12, %swap3A_13] : memref<1x10048x128xf32, #tpu.memory_space<vmem>>, vector<1x10000x128xf32>
    %swap3A_15 = vector.shape_cast %swap3A_14 : vector<1x10000x128xf32> to vector<10000x128xf32>
    %swap3A_16 = vector.shape_cast %add3A_11 : vector<10000x128xf32> to vector<1x10000x128xf32>
    tpu.vector_store %arg4[%swap3A, %swap3A_12, %swap3A_13], %swap3A_16 {strides = array<i32>} : memref<1x10048x128xf32, #tpu.memory_space<vmem>>, vector<1x10000x128xf32>,
    %broadcast_in_dim3A = arith.constant 0.000000e+00 : f32
    %broadcast_in_dim3A_17 = vector.broadcast %broadcast_in_dim3A : f32 to vector<48x128xf32>
    %swap3A_18 = arith.constant 0 : index
    %swap3A_19 = arith.constant 10000 : index
    %swap3A_20 = arith.constant 0 : index
    %swap3A_21 = vector.load %arg4[%swap3A_18, %swap3A_19, %swap3A_20] : memref<1x10048x128xf32, #tpu.memory_space<vmem>>, vector<1x48x128xf32>
    %swap3A_22 = vector.shape_cast %swap3A_21 : vector<1x48x128xf32> to vector<48x128xf32>
    %swap3A_23 = vector.shape_cast %broadcast_in_dim3A_17 : vector<48x128xf32> to vector<1x48x128xf32>
    tpu.vector_store %arg4[%swap3A_18, %swap3A_19, %swap3A_20], %swap3A_23 {strides = array<i32>} : memref<1x10048x128xf32, #tpu.memory_space<vmem>>, vector<1x48x128xf32>,
    return
  }
  func.func @transform_0(%arg0: i32) -> (i32, i32, i32) {
    %c0_i32 = arith.constant 0 : i32
    %c0_i32_0 = arith.constant 0 : i32
    %c0_i32_1 = arith.constant 0 : i32
    return %arg0, %c0_i32, %c0_i32_0 : i32, i32, i32
  }
  func.func @transform_1(%arg0: i32) -> (i32, i32) {
    %c0_i32 = arith.constant 0 : i32
    %c0_i32_0 = arith.constant 0 : i32
    %c0_i32_1 = arith.constant 0 : i32
    return %c0_i32, %c0_i32_0 : i32, i32
  }
  func.func @transform_2(%arg0: i32) -> (i32, i32) {
    %c0_i32 = arith.constant 0 : i32
    %c0_i32_0 = arith.constant 0 : i32
    %c0_i32_1 = arith.constant 0 : i32
    return %c0_i32, %c0_i32_0 : i32, i32
  }
  func.func @transform_3(%arg0: i32) -> (i32, i32, i32) {
    %c0_i32 = arith.constant 0 : i32
    %c0_i32_0 = arith.constant 0 : i32
    %c0_i32_1 = arith.constant 0 : i32
    return %arg0, %c0_i32, %c0_i32_0 : i32, i32, i32
  }
}

module attributes {stable_mosaic.version = 14 : i64} {
  func.func @_layer_body(%arg0: i32, %arg1: memref<1x10000x128xf32, #tpu.memory_space<vmem>>, %arg2: memref<1x10048x128xf32, #tpu.memory_space<vmem>>, %arg3: memref<128x128xf32, #tpu.memory_space<vmem>>, %arg4: memref<1x128xf32, #tpu.memory_space<vmem>>, %arg5: memref<1x128xf32, #tpu.memory_space<vmem>>, %arg6: memref<1x128xf32, #tpu.memory_space<vmem>>, %arg7: memref<1x10048x128xf32, #tpu.memory_space<vmem>>) attributes {dimension_semantics = [#tpu.dimension_semantics<arbitrary>], iteration_bounds = array<i64: 2>, scalar_prefetch = 0 : i64, scratch_operands = 0 : i64, tpu.core_type = #tpu.core_type<tc>, window_params = [{transform_indices = @transform_0, window_bounds = array<i64: 1, 10000, 128>}, {transform_indices = @transform_1, window_bounds = array<i64: 1, 10048, 128>}, {pipeline_mode = #tpu.pipeline_mode<synchronous>, transform_indices = @transform_2, window_bounds = array<i64: 128, 128>}, {pipeline_mode = #tpu.pipeline_mode<synchronous>, transform_indices = @transform_3, window_bounds = array<i64: 1, 128>}, {pipeline_mode = #tpu.pipeline_mode<synchronous>, transform_indices = @transform_4, window_bounds = array<i64: 1, 128>}, {pipeline_mode = #tpu.pipeline_mode<synchronous>, transform_indices = @transform_5, window_bounds = array<i64: 1, 128>}, {transform_indices = @transform_6, window_bounds = array<i64: 1, 10048, 128>}]} {
    %get3A = arith.constant 0 : index
    %get3A_0 = arith.constant 0 : index
    %get3A_1 = arith.constant 0 : index
    %get3A_2 = vector.load %arg1[%get3A, %get3A_0, %get3A_1] : memref<1x10000x128xf32, #tpu.memory_space<vmem>>, vector<1x10000x128xf32>
    %get3A_3 = vector.shape_cast %get3A_2 : vector<1x10000x128xf32> to vector<10000x128xf32>
    %get3A_4 = arith.constant 0 : index
    %get3A_5 = arith.constant 0 : index
    %get3A_6 = vector.load %arg3[%get3A_4, %get3A_5] : memref<128x128xf32, #tpu.memory_space<vmem>>, vector<128x128xf32>
    %dot_general3A = arith.constant dense<0.000000e+00> : vector<10000x128xf32>
    %dot_general3A_7 = tpu.matmul %get3A_3, %get3A_6, %dot_general3A {dimension_numbers = #tpu.dot_dimension_numbers<[1], [0], [0], [1], [0, 0, 1, 1], [], []>, transpose_lhs_hint = false} : vector<10000x128xf32>, vector<128x128xf32>, vector<10000x128xf32> -> vector<10000x128xf32>
    %get3A_8 = arith.constant 0 : index
    %get3A_9 = arith.constant 0 : index
    %get3A_10 = vector.load %arg4[%get3A_8, %get3A_9] : memref<1x128xf32, #tpu.memory_space<vmem>>, vector<1x128xf32>
    %add3A = vector.broadcast %get3A_10 : vector<1x128xf32> to vector<10000x128xf32>
    %add3A_11 = arith.addf %dot_general3A_7, %add3A : vector<10000x128xf32>
    %reduce_sum3A = arith.constant dense<0.000000e+00> : vector<128xf32>
    %reduce_sum3A_12 = vector.multi_reduction <add>, %add3A_11, %reduce_sum3A [0] : vector<10000x128xf32> to vector<128xf32>
    %broadcast_in_dim3A = vector.shape_cast %reduce_sum3A_12 : vector<128xf32> to vector<1x128xf32>
    %div3A = arith.constant 1.000000e+04 : f32
    %div3A_13 = vector.broadcast %div3A : f32 to vector<1x128xf32>
    %div3A_14 = arith.divf %broadcast_in_dim3A, %div3A_13 : vector<1x128xf32>
    %sub3A = vector.broadcast %div3A_14 : vector<1x128xf32> to vector<10000x128xf32>
    %sub3A_15 = arith.subf %add3A_11, %sub3A : vector<10000x128xf32>
    %integer_pow3A = arith.mulf %sub3A_15, %sub3A_15 : vector<10000x128xf32>
    %reduce_sum3A_16 = arith.constant dense<0.000000e+00> : vector<128xf32>
    %reduce_sum3A_17 = vector.multi_reduction <add>, %integer_pow3A, %reduce_sum3A_16 [0] : vector<10000x128xf32> to vector<128xf32>
    %broadcast_in_dim3A_18 = vector.shape_cast %reduce_sum3A_17 : vector<128xf32> to vector<1x128xf32>
    %div3A_19 = arith.constant 1.000000e+04 : f32
    %div3A_20 = vector.broadcast %div3A_19 : f32 to vector<1x128xf32>
    %div3A_21 = arith.divf %broadcast_in_dim3A_18, %div3A_20 : vector<1x128xf32>
    %get3A_22 = arith.constant 0 : index
    %get3A_23 = arith.constant 0 : index
    %get3A_24 = vector.load %arg5[%get3A_22, %get3A_23] : memref<1x128xf32, #tpu.memory_space<vmem>>, vector<1x128xf32>
    %sub3A_25 = vector.broadcast %div3A_14 : vector<1x128xf32> to vector<10000x128xf32>
    %sub3A_26 = arith.subf %add3A_11, %sub3A_25 : vector<10000x128xf32>
    %mul3A = vector.broadcast %get3A_24 : vector<1x128xf32> to vector<10000x128xf32>
    %mul3A_27 = arith.mulf %mul3A, %sub3A_26 : vector<10000x128xf32>
    %add3A_28 = arith.constant 9.99999974E-6 : f32
    %add3A_29 = vector.broadcast %add3A_28 : f32 to vector<1x128xf32>
    %add3A_30 = arith.addf %div3A_21, %add3A_29 : vector<1x128xf32>
    %sqrt3A = math.sqrt %add3A_30 : vector<1x128xf32>
    %div3A_31 = vector.broadcast %sqrt3A : vector<1x128xf32> to vector<10000x128xf32>
    %div3A_32 = arith.divf %mul3A_27, %div3A_31 : vector<10000x128xf32>
    %get3A_33 = arith.constant 0 : index
    %get3A_34 = arith.constant 0 : index
    %get3A_35 = vector.load %arg6[%get3A_33, %get3A_34] : memref<1x128xf32, #tpu.memory_space<vmem>>, vector<1x128xf32>
    %add3A_36 = vector.broadcast %get3A_35 : vector<1x128xf32> to vector<10000x128xf32>
    %add3A_37 = arith.addf %div3A_32, %add3A_36 : vector<10000x128xf32>
    %get3A_38 = arith.constant 0 : index
    %get3A_39 = arith.constant 0 : index
    %get3A_40 = arith.constant 0 : index
    %get3A_41 = vector.load %arg2[%get3A_38, %get3A_39, %get3A_40] : memref<1x10048x128xf32, #tpu.memory_space<vmem>>, vector<1x10000x128xf32>
    %get3A_42 = vector.shape_cast %get3A_41 : vector<1x10000x128xf32> to vector<10000x128xf32>
    %max3A = arith.constant 0.000000e+00 : f32
    %max3A_43 = vector.broadcast %max3A : f32 to vector<10000x128xf32>
    %max3A_44 = arith.maximumf %add3A_37, %max3A_43 : vector<10000x128xf32>
    %add3A_45 = arith.addf %get3A_42, %max3A_44 : vector<10000x128xf32>
    %swap3A = arith.constant 0 : index
    %swap3A_46 = arith.constant 0 : index
    %swap3A_47 = arith.constant 0 : index
    %swap3A_48 = vector.load %arg7[%swap3A, %swap3A_46, %swap3A_47] : memref<1x10048x128xf32, #tpu.memory_space<vmem>>, vector<1x10000x128xf32>
    %swap3A_49 = vector.shape_cast %swap3A_48 : vector<1x10000x128xf32> to vector<10000x128xf32>
    %swap3A_50 = vector.shape_cast %add3A_45 : vector<10000x128xf32> to vector<1x10000x128xf32>
    tpu.vector_store %arg7[%swap3A, %swap3A_46, %swap3A_47], %swap3A_50 {strides = array<i32>} : memref<1x10048x128xf32, #tpu.memory_space<vmem>>, vector<1x10000x128xf32>,
    %broadcast_in_dim3A_51 = arith.constant 0.000000e+00 : f32
    %broadcast_in_dim3A_52 = vector.broadcast %broadcast_in_dim3A_51 : f32 to vector<48x128xf32>
    %swap3A_53 = arith.constant 0 : index
    %swap3A_54 = arith.constant 10000 : index
    %swap3A_55 = arith.constant 0 : index
    %swap3A_56 = vector.load %arg7[%swap3A_53, %swap3A_54, %swap3A_55] : memref<1x10048x128xf32, #tpu.memory_space<vmem>>, vector<1x48x128xf32>
    %swap3A_57 = vector.shape_cast %swap3A_56 : vector<1x48x128xf32> to vector<48x128xf32>
    %swap3A_58 = vector.shape_cast %broadcast_in_dim3A_52 : vector<48x128xf32> to vector<1x48x128xf32>
    tpu.vector_store %arg7[%swap3A_53, %swap3A_54, %swap3A_55], %swap3A_58 {strides = array<i32>} : memref<1x10048x128xf32, #tpu.memory_space<vmem>>, vector<1x48x128xf32>,
    return
  }
  func.func @transform_0(%arg0: i32) -> (i32, i32, i32) {
    %c0_i32 = arith.constant 0 : i32
    %c0_i32_0 = arith.constant 0 : i32
    %c0_i32_1 = arith.constant 0 : i32
    return %arg0, %c0_i32, %c0_i32_0 : i32, i32, i32
  }
  func.func @transform_1(%arg0: i32) -> (i32, i32, i32) {
    %c0_i32 = arith.constant 0 : i32
    %c0_i32_0 = arith.constant 0 : i32
    %c0_i32_1 = arith.constant 0 : i32
    return %arg0, %c0_i32, %c0_i32_0 : i32, i32, i32
  }
  func.func @transform_2(%arg0: i32) -> (i32, i32) {
    %c0_i32 = arith.constant 0 : i32
    %c0_i32_0 = arith.constant 0 : i32
    %c0_i32_1 = arith.constant 0 : i32
    return %c0_i32, %c0_i32_0 : i32, i32
  }
  func.func @transform_3(%arg0: i32) -> (i32, i32) {
    %c0_i32 = arith.constant 0 : i32
    %c0_i32_0 = arith.constant 0 : i32
    %c0_i32_1 = arith.constant 0 : i32
    return %c0_i32, %c0_i32_0 : i32, i32
  }
  func.func @transform_4(%arg0: i32) -> (i32, i32) {
    %c0_i32 = arith.constant 0 : i32
    %c0_i32_0 = arith.constant 0 : i32
    %c0_i32_1 = arith.constant 0 : i32
    return %c0_i32, %c0_i32_0 : i32, i32
  }
  func.func @transform_5(%arg0: i32) -> (i32, i32) {
    %c0_i32 = arith.constant 0 : i32
    %c0_i32_0 = arith.constant 0 : i32
    %c0_i32_1 = arith.constant 0 : i32
    return %c0_i32, %c0_i32_0 : i32, i32
  }
  func.func @transform_6(%arg0: i32) -> (i32, i32, i32) {
    %c0_i32 = arith.constant 0 : i32
    %c0_i32_0 = arith.constant 0 : i32
    %c0_i32_1 = arith.constant 0 : i32
    return %arg0, %c0_i32, %c0_i32_0 : i32, i32, i32
  }
}

module attributes {stable_mosaic.version = 14 : i64} {
  func.func @_uv_body(%arg0: i32, %arg1: memref<1x10048x128xf32, #tpu.memory_space<vmem>>, %arg2: memref<1x128x128xf32, #tpu.memory_space<vmem>>, %arg3: memref<1x1x128xf32, #tpu.memory_space<vmem>>, %arg4: memref<1x10048x128xf32, #tpu.memory_space<vmem>>) attributes {dimension_semantics = [#tpu.dimension_semantics<arbitrary>], iteration_bounds = array<i64: 2>, scalar_prefetch = 0 : i64, scratch_operands = 0 : i64, tpu.core_type = #tpu.core_type<tc>, window_params = [{transform_indices = @transform_0, window_bounds = array<i64: 1, 10048, 128>}, {transform_indices = @transform_1, window_bounds = array<i64: 1, 128, 128>}, {transform_indices = @transform_2, window_bounds = array<i64: 1, 1, 128>}, {transform_indices = @transform_3, window_bounds = array<i64: 1, 10048, 128>}]} {
    %get3A = arith.constant 0 : index
    %get3A_0 = arith.constant 0 : index
    %get3A_1 = arith.constant 0 : index
    %get3A_2 = vector.load %arg1[%get3A, %get3A_0, %get3A_1] : memref<1x10048x128xf32, #tpu.memory_space<vmem>>, vector<1x10048x128xf32>
    %get3A_3 = vector.shape_cast %get3A_2 : vector<1x10048x128xf32> to vector<10048x128xf32>
    %get3A_4 = arith.constant 0 : index
    %get3A_5 = arith.constant 0 : index
    %get3A_6 = arith.constant 0 : index
    %get3A_7 = vector.load %arg2[%get3A_4, %get3A_5, %get3A_6] : memref<1x128x128xf32, #tpu.memory_space<vmem>>, vector<1x128x128xf32>
    %get3A_8 = vector.shape_cast %get3A_7 : vector<1x128x128xf32> to vector<128x128xf32>
    %dot_general3A = arith.constant dense<0.000000e+00> : vector<10048x128xf32>
    %dot_general3A_9 = tpu.matmul %get3A_3, %get3A_8, %dot_general3A {dimension_numbers = #tpu.dot_dimension_numbers<[1], [0], [0], [1], [0, 0, 1, 1], [], []>, transpose_lhs_hint = false} : vector<10048x128xf32>, vector<128x128xf32>, vector<10048x128xf32> -> vector<10048x128xf32>
    %get3A_10 = arith.constant 0 : index
    %get3A_11 = arith.constant 0 : index
    %get3A_12 = arith.constant 0 : index
    %get3A_13 = vector.load %arg3[%get3A_10, %get3A_11, %get3A_12] : memref<1x1x128xf32, #tpu.memory_space<vmem>>, vector<1x1x128xf32>
    %get3A_14 = vector.shape_cast %get3A_13 : vector<1x1x128xf32> to vector<1x128xf32>
    %add3A = vector.broadcast %get3A_14 : vector<1x128xf32> to vector<10048x128xf32>
    %add3A_15 = arith.addf %dot_general3A_9, %add3A : vector<10048x128xf32>
    %swap3A = arith.constant 0 : index
    %swap3A_16 = arith.constant 0 : index
    %swap3A_17 = arith.constant 0 : index
    %swap3A_18 = vector.load %arg4[%swap3A, %swap3A_16, %swap3A_17] : memref<1x10048x128xf32, #tpu.memory_space<vmem>>, vector<1x10048x128xf32>
    %swap3A_19 = vector.shape_cast %swap3A_18 : vector<1x10048x128xf32> to vector<10048x128xf32>
    %swap3A_20 = vector.shape_cast %add3A_15 : vector<10048x128xf32> to vector<1x10048x128xf32>
    tpu.vector_store %arg4[%swap3A, %swap3A_16, %swap3A_17], %swap3A_20 {strides = array<i32>} : memref<1x10048x128xf32, #tpu.memory_space<vmem>>, vector<1x10048x128xf32>,
    return
  }
  func.func @transform_0(%arg0: i32) -> (i32, i32, i32) {
    %c0_i32 = arith.constant 0 : i32
    %c0_i32_0 = arith.constant 0 : i32
    %c0_i32_1 = arith.constant 0 : i32
    return %arg0, %c0_i32, %c0_i32_0 : i32, i32, i32
  }
  func.func @transform_1(%arg0: i32) -> (i32, i32, i32) {
    %c0_i32 = arith.constant 0 : i32
    %c0_i32_0 = arith.constant 0 : i32
    %c0_i32_1 = arith.constant 0 : i32
    return %arg0, %c0_i32, %c0_i32_0 : i32, i32, i32
  }
  func.func @transform_2(%arg0: i32) -> (i32, i32, i32) {
    %c0_i32 = arith.constant 0 : i32
    %c0_i32_0 = arith.constant 0 : i32
    %c0_i32_1 = arith.constant 0 : i32
    return %arg0, %c0_i32, %c0_i32_0 : i32, i32, i32
  }
  func.func @transform_3(%arg0: i32) -> (i32, i32, i32) {
    %c0_i32 = arith.constant 0 : i32
    %c0_i32_0 = arith.constant 0 : i32
    %c0_i32_1 = arith.constant 0 : i32
    return %arg0, %c0_i32, %c0_i32_0 : i32, i32, i32
  }
}

module attributes {stable_mosaic.version = 14 : i64} {
  func.func @_attn_body(%arg0: i32, %arg1: memref<256xi32, #tpu.memory_space<smem>>, %arg2: memref<256xi32, #tpu.memory_space<smem>>, %arg3: memref<256xi32, #tpu.memory_space<smem>>, %arg4: memref<256xi32, #tpu.memory_space<smem>>, %arg5: memref<2x10048x128xf32, #tpu.memory_space<vmem>>, %arg6: memref<2x10048x128xf32, #tpu.memory_space<vmem>>, %arg7: memref<1x128xf32, #tpu.memory_space<vmem>>, %arg8: memref<1x1xf32, #tpu.memory_space<vmem>>, %arg9: memref<1x1x128xf32, #tpu.memory_space<vmem>>, %arg10: memref<1x1x128xf32, #tpu.memory_space<vmem>>, %arg11: memref<10048x1xf32, #tpu.memory_space<vmem>>, %arg12: memref<10048x1xf32, #tpu.memory_space<vmem>>) attributes {dimension_semantics = [#tpu.dimension_semantics<arbitrary>], iteration_bounds = array<i64: 256>, scalar_prefetch = 4 : i64, scratch_operands = 2 : i64, tpu.core_type = #tpu.core_type<tc>, window_params = [{pipeline_mode = #tpu.pipeline_mode<synchronous>, transform_indices = @transform_0, window_bounds = array<i64: 2, 10048, 128>}, {pipeline_mode = #tpu.pipeline_mode<synchronous>, transform_indices = @transform_1, window_bounds = array<i64: 2, 10048, 128>}, {pipeline_mode = #tpu.pipeline_mode<synchronous>, transform_indices = @transform_2, window_bounds = array<i64: 1, 128>}, {pipeline_mode = #tpu.pipeline_mode<synchronous>, transform_indices = @transform_3, window_bounds = array<i64: 1, 1>}, {transform_indices = @transform_4, window_bounds = array<i64: 1, 1, 128>}, {transform_indices = @transform_5, window_bounds = array<i64: 1, 1, 128>}]} {
    %get3A = arith.index_cast %arg0 : i32 to index
    %get3A_0 = memref.load %arg1[%get3A] : memref<256xi32, #tpu.memory_space<smem>>
    %get3A_1 = arith.index_cast %arg0 : i32 to index
    %get3A_2 = memref.load %arg2[%get3A_1] : memref<256xi32, #tpu.memory_space<smem>>
    %get3A_3 = arith.index_cast %arg0 : i32 to index
    %get3A_4 = memref.load %arg3[%get3A_3] : memref<256xi32, #tpu.memory_space<smem>>
    %get3A_5 = arith.index_cast %arg0 : i32 to index
    %get3A_6 = memref.load %arg4[%get3A_5] : memref<256xi32, #tpu.memory_space<smem>>
    %add3A = arith.constant 48 : i32
    %add3A_7 = arith.addi %get3A_2, %add3A : i32
    %sub3A = arith.constant 1 : i32
    %sub3A_8 = arith.subi %add3A_7, %sub3A : i32
    %jit3A = arith.constant 48 : i32
    %div3A = arith.divsi %sub3A_8, %jit3A : i32
    %sign3A = arith.constant 0 : i32
    %sign3A_9 = arith.cmpi sgt, %sub3A_8, %sign3A : i32
    %sign3A_10 = arith.extui %sign3A_9 : i1 to i32
    %sign3A_11 = arith.constant 0 : i32
    %sign3A_12 = arith.cmpi slt, %sub3A_8, %sign3A_11 : i32
    %sign3A_13 = arith.extui %sign3A_12 : i1 to i32
    %sign3A_14 = arith.subi %sign3A_10, %sign3A_13 : i32
    %sign3A_15 = arith.constant 0 : i32
    %sign3A_16 = arith.cmpi sgt, %jit3A, %sign3A_15 : i32
    %sign3A_17 = arith.extui %sign3A_16 : i1 to i32
    %sign3A_18 = arith.constant 0 : i32
    %sign3A_19 = arith.cmpi slt, %jit3A, %sign3A_18 : i32
    %sign3A_20 = arith.extui %sign3A_19 : i1 to i32
    %sign3A_21 = arith.subi %sign3A_17, %sign3A_20 : i32
    %ne3A = arith.cmpi ne, %sign3A_14, %sign3A_21 : i32
    %rem3A = arith.remsi %sub3A_8, %jit3A : i32
    %ne3A_22 = arith.constant 0 : i32
    %ne3A_23 = arith.cmpi ne, %rem3A, %ne3A_22 : i32
    %and3A = arith.andi %ne3A, %ne3A_23 : i1
    %sub3A_24 = arith.constant 1 : i32
    %sub3A_25 = arith.subi %div3A, %sub3A_24 : i32
    %select_n3A = arith.select %and3A, %sub3A_25, %div3A : i32
    %add3A_26 = arith.constant 48 : i32
    %add3A_27 = arith.addi %get3A_6, %add3A_26 : i32
    %sub3A_28 = arith.constant 1 : i32
    %sub3A_29 = arith.subi %add3A_27, %sub3A_28 : i32
    %jit3A_30 = arith.constant 48 : i32
    %div3A_31 = arith.divsi %sub3A_29, %jit3A_30 : i32
    %sign3A_32 = arith.constant 0 : i32
    %sign3A_33 = arith.cmpi sgt, %sub3A_29, %sign3A_32 : i32
    %sign3A_34 = arith.extui %sign3A_33 : i1 to i32
    %sign3A_35 = arith.constant 0 : i32
    %sign3A_36 = arith.cmpi slt, %sub3A_29, %sign3A_35 : i32
    %sign3A_37 = arith.extui %sign3A_36 : i1 to i32
    %sign3A_38 = arith.subi %sign3A_34, %sign3A_37 : i32
    %sign3A_39 = arith.constant 0 : i32
    %sign3A_40 = arith.cmpi sgt, %jit3A_30, %sign3A_39 : i32
    %sign3A_41 = arith.extui %sign3A_40 : i1 to i32
    %sign3A_42 = arith.constant 0 : i32
    %sign3A_43 = arith.cmpi slt, %jit3A_30, %sign3A_42 : i32
    %sign3A_44 = arith.extui %sign3A_43 : i1 to i32
    %sign3A_45 = arith.subi %sign3A_41, %sign3A_44 : i32
    %ne3A_46 = arith.cmpi ne, %sign3A_38, %sign3A_45 : i32
    %rem3A_47 = arith.remsi %sub3A_29, %jit3A_30 : i32
    %ne3A_48 = arith.constant 0 : i32
    %ne3A_49 = arith.cmpi ne, %rem3A_47, %ne3A_48 : i32
    %and3A_50 = arith.andi %ne3A_46, %ne3A_49 : i1
    %sub3A_51 = arith.constant 1 : i32
    %sub3A_52 = arith.subi %div3A_31, %sub3A_51 : i32
    %select_n3A_53 = arith.select %and3A_50, %sub3A_52, %div3A_31 : i32
    %get3A_54 = arith.constant 0 : index
    %get3A_55 = arith.constant 0 : index
    %get3A_56 = vector.load %arg7[%get3A_54, %get3A_55] : memref<1x128xf32, #tpu.memory_space<vmem>>, vector<1x128xf32>
    %get3A_57 = arith.constant 0 : index
    %get3A_58 = arith.constant 0 : index
    %get3A_59 = vector.load %arg8[%get3A_57, %get3A_58] : memref<1x1xf32, #tpu.memory_space<vmem>>, vector<1x1xf32>
    %get3A_60 = vector.extract %get3A_59[0, 0] : f32 from vector<1x1xf32>
    %abs3A = math.absf %get3A_56 : vector<1x128xf32>
    %reduce_sum3A = vector.shape_cast %abs3A : vector<1x128xf32> to vector<1x1x128xf32>
    %reduce_sum3A_61 = arith.constant dense<0.000000e+00> : vector<1xf32>
    %reduce_sum3A_62 = vector.multi_reduction <add>, %reduce_sum3A, %reduce_sum3A_61 [1, 2] : vector<1x1x128xf32> to vector<1xf32>
    %reduce_sum3A_63 = vector.shape_cast %reduce_sum3A_62 : vector<1xf32> to vector<1x1x1xf32>
    %reduce_sum3A_64 = vector.extract %reduce_sum3A_63[0, 0, 0] : f32 from vector<1x1x1xf32>
    %abs3A_65 = math.absf %get3A_60 : f32
    %add3A_66 = arith.addf %reduce_sum3A_64, %abs3A_65 : f32
    %while3A = arith.constant 0 : i32
    %while3A_67 = arith.constant 0 : i32
    %while3A_68 = arith.subi %select_n3A_53, %while3A_67 : i32
    %while3A_69 = arith.addi %while3A_67, %while3A_68 : i32
    %while3A_70 = arith.constant 1 : i32
    %while3A_71 = arith.divsi %while3A_68, %while3A_70 : i32
    %while3A_72 = arith.muli %while3A_71, %while3A_70 : i32
    %while3A_73 = arith.addi %while3A_67, %while3A_72 : i32
    %while3A_74 = arith.constant 1 : i32
    scf.for %while3A_127 = %while3A_67 to %while3A_73 step %while3A_74  : i32 {
      %broadcast_in_dim3A_128 = arith.constant 0.000000e+00 : f32
      %broadcast_in_dim3A_129 = vector.broadcast %broadcast_in_dim3A_128 : f32 to vector<48x1xf32>
      %mul3A = arith.constant 48 : i32
      %mul3A_130 = arith.muli %while3A_127, %mul3A : i32
      %swap3A_131 = arith.index_cast %mul3A_130 : i32 to index
      %swap3A_132 = arith.constant 0 : index
      %swap3A_133 = vector.load %arg12[%swap3A_131, %swap3A_132] : memref<10048x1xf32, #tpu.memory_space<vmem>>, vector<48x1xf32>
      tpu.vector_store %arg12[%swap3A_131, %swap3A_132], %broadcast_in_dim3A_129 {strides = array<i32>} : memref<10048x1xf32, #tpu.memory_space<vmem>>, vector<48x1xf32>,
    }
    %while3A_75 = arith.constant 1 : i32
    scf.for %while3A_127 = %while3A_73 to %while3A_69 step %while3A_75  : i32 {
      %broadcast_in_dim3A_128 = arith.constant 0.000000e+00 : f32
      %broadcast_in_dim3A_129 = vector.broadcast %broadcast_in_dim3A_128 : f32 to vector<48x1xf32>
      %mul3A = arith.constant 48 : i32
      %mul3A_130 = arith.muli %while3A_127, %mul3A : i32
      %swap3A_131 = arith.index_cast %mul3A_130 : i32 to index
      %swap3A_132 = arith.constant 0 : index
      %swap3A_133 = vector.load %arg12[%swap3A_131, %swap3A_132] : memref<10048x1xf32, #tpu.memory_space<vmem>>, vector<48x1xf32>
      tpu.vector_store %arg12[%swap3A_131, %swap3A_132], %broadcast_in_dim3A_129 {strides = array<i32>} : memref<10048x1xf32, #tpu.memory_space<vmem>>, vector<48x1xf32>,
    }
    %while3A_76 = arith.constant 0 : i32
    %while3A_77 = arith.constant 0.000000e+00 : f32
    %while3A_78 = arith.subi %select_n3A, %while3A_76 : i32
    %while3A_79 = arith.addi %while3A_76, %while3A_78 : i32
    %while3A_80 = arith.constant 1 : i32
    %while3A_81 = arith.divsi %while3A_78, %while3A_80 : i32
    %while3A_82 = arith.muli %while3A_81, %while3A_80 : i32
    %while3A_83 = arith.addi %while3A_76, %while3A_82 : i32
    %while3A_84 = arith.constant 1 : i32
    %while3A_85 = scf.for %while3A_127 = %while3A_76 to %while3A_83 step %while3A_84 iter_args(%while3A_128 = %while3A_77) -> (f32)  : i32 {
      %mul3A = arith.constant 48 : i32
      %mul3A_129 = arith.muli %while3A_127, %mul3A : i32
      %add3A_130 = arith.addi %get3A_0, %mul3A_129 : i32
      %get3A_131 = arith.constant 0 : index
      %get3A_132 = arith.index_cast %add3A_130 : i32 to index
      %get3A_133 = arith.constant 0 : index
      %get3A_134 = vector.load %arg5[%get3A_131, %get3A_132, %get3A_133] : memref<2x10048x128xf32, #tpu.memory_space<vmem>>, vector<1x48x128xf32>
      %get3A_135 = vector.shape_cast %get3A_134 : vector<1x48x128xf32> to vector<48x128xf32>
      %mul3A_136 = arith.constant 48 : i32
      %mul3A_137 = arith.muli %while3A_127, %mul3A_136 : i32
      %sub3A_138 = arith.subi %get3A_2, %mul3A_137 : i32
      %broadcast_in_dim3A_139 = arith.constant 0.000000e+00 : f32
      %broadcast_in_dim3A_140 = vector.broadcast %broadcast_in_dim3A_139 : f32 to vector<48x1xf32>
      %while3A_141 = arith.constant 0 : i32
      %while3A_142 = arith.subi %select_n3A_53, %while3A_141 : i32
      %while3A_143 = arith.addi %while3A_141, %while3A_142 : i32
      %while3A_144 = arith.constant 1 : i32
      %while3A_145 = arith.divsi %while3A_142, %while3A_144 : i32
      %while3A_146 = arith.muli %while3A_145, %while3A_144 : i32
      %while3A_147 = arith.addi %while3A_141, %while3A_146 : i32
      %while3A_148 = arith.constant 1 : i32
      %while3A_149:2 = scf.for %while3A_157 = %while3A_141 to %while3A_147 step %while3A_148 iter_args(%while3A_158 = %broadcast_in_dim3A_140, %while3A_159 = %while3A_128) -> (vector<48x1xf32>, f32)  : i32 {
        %mul3A_160 = arith.constant 48 : i32
        %mul3A_161 = arith.muli %while3A_157, %mul3A_160 : i32
        %add3A_162 = arith.addi %get3A_4, %mul3A_161 : i32
        %get3A_163 = arith.constant 1 : index
        %get3A_164 = arith.index_cast %add3A_162 : i32 to index
        %get3A_165 = arith.constant 0 : index
        %get3A_166 = vector.load %arg5[%get3A_163, %get3A_164, %get3A_165] : memref<2x10048x128xf32, #tpu.memory_space<vmem>>, vector<1x48x128xf32>
        %get3A_167 = vector.shape_cast %get3A_166 : vector<1x48x128xf32> to vector<48x128xf32>
        %mul3A_168 = arith.constant 48 : i32
        %mul3A_169 = arith.muli %while3A_157, %mul3A_168 : i32
        %sub3A_170 = arith.subi %get3A_6, %mul3A_169 : i32
        %broadcast_in_dim3A_171 = vector.shape_cast %get3A_135 : vector<48x128xf32> to vector<48x1x128xf32>
        %broadcast_in_dim3A_172 = vector.shape_cast %get3A_167 : vector<48x128xf32> to vector<1x48x128xf32>
        %add3A_173 = vector.broadcast %broadcast_in_dim3A_171 : vector<48x1x128xf32> to vector<48x48x128xf32>
        %add3A_174 = vector.broadcast %broadcast_in_dim3A_172 : vector<1x48x128xf32> to vector<48x48x128xf32>
        %add3A_175 = arith.addf %add3A_173, %add3A_174 : vector<48x48x128xf32>
        %tanh3A = math.tanh %add3A_175 : vector<48x48x128xf32>
        %broadcast_in_dim3A_176 = vector.shape_cast %get3A_56 : vector<1x128xf32> to vector<1x1x128xf32>
        %mul3A_177 = vector.broadcast %broadcast_in_dim3A_176 : vector<1x1x128xf32> to vector<48x48x128xf32>
        %mul3A_178 = arith.mulf %tanh3A, %mul3A_177 : vector<48x48x128xf32>
        %reduce_sum3A_179 = arith.constant dense<0.000000e+00> : vector<48x48xf32>
        %reduce_sum3A_180 = vector.multi_reduction <add>, %mul3A_178, %reduce_sum3A_179 [2] : vector<48x48x128xf32> to vector<48x48xf32>
        %add3A_181 = vector.broadcast %get3A_60 : f32 to vector<48x48xf32>
        %add3A_182 = arith.addf %reduce_sum3A_180, %add3A_181 : vector<48x48xf32>
        %iota3A = tpu.iota {dimensions = array<i32: 0>} : vector<48x48xi32>
        %lt3A = vector.broadcast %sub3A_138 : i32 to vector<48x48xi32>
        %lt3A_183 = arith.cmpi slt, %iota3A, %lt3A : vector<48x48xi32>
        %iota3A_184 = tpu.iota {dimensions = array<i32: 1>} : vector<48x48xi32>
        %lt3A_185 = vector.broadcast %sub3A_170 : i32 to vector<48x48xi32>
        %lt3A_186 = arith.cmpi slt, %iota3A_184, %lt3A_185 : vector<48x48xi32>
        %and3A_187 = arith.andi %lt3A_183, %lt3A_186 : vector<48x48xi1>
        %sub3A_188 = vector.broadcast %add3A_66 : f32 to vector<48x48xf32>
        %sub3A_189 = arith.subf %add3A_182, %sub3A_188 : vector<48x48xf32>
        %exp3A = math.exp %sub3A_189 : vector<48x48xf32>
        %jit3A_190 = arith.constant 0.000000e+00 : f32
        %broadcast_in_dim3A_191 = vector.broadcast %jit3A_190 : f32 to vector<48x48xf32>
        %select_n3A_192 = arith.select %and3A_187, %exp3A, %broadcast_in_dim3A_191 : vector<48x48xi1>, vector<48x48xf32>
        %reduce_sum3A_193 = arith.constant dense<0.000000e+00> : vector<48xf32>
        %reduce_sum3A_194 = vector.multi_reduction <add>, %select_n3A_192, %reduce_sum3A_193 [1] : vector<48x48xf32> to vector<48xf32>
        %broadcast_in_dim3A_195 = vector.shape_cast %reduce_sum3A_194 : vector<48xf32> to vector<48x1xf32>
        %add3A_196 = arith.addf %while3A_158, %broadcast_in_dim3A_195 : vector<48x1xf32>
        %transpose3A = tpu.transpose %select_n3A_192, [1, 0] : vector<48x48xf32> -> vector<48x48xf32>
        %reduce_sum3A_197 = arith.constant dense<0.000000e+00> : vector<48xf32>
        %reduce_sum3A_198 = vector.multi_reduction <add>, %transpose3A, %reduce_sum3A_197 [1] : vector<48x48xf32> to vector<48xf32>
        %broadcast_in_dim3A_199 = vector.shape_cast %reduce_sum3A_198 : vector<48xf32> to vector<48x1xf32>
        %mul3A_200 = arith.constant 48 : i32
        %mul3A_201 = arith.muli %while3A_157, %mul3A_200 : i32
        %get3A_202 = arith.index_cast %mul3A_201 : i32 to index
        %get3A_203 = arith.constant 0 : index
        %get3A_204 = vector.load %arg12[%get3A_202, %get3A_203] : memref<10048x1xf32, #tpu.memory_space<vmem>>, vector<48x1xf32>
        %add3A_205 = arith.addf %get3A_204, %broadcast_in_dim3A_199 : vector<48x1xf32>
        %mul3A_206 = arith.constant 48 : i32
        %mul3A_207 = arith.muli %while3A_157, %mul3A_206 : i32
        %swap3A_208 = arith.index_cast %mul3A_207 : i32 to index
        %swap3A_209 = arith.constant 0 : index
        %swap3A_210 = vector.load %arg12[%swap3A_208, %swap3A_209] : memref<10048x1xf32, #tpu.memory_space<vmem>>, vector<48x1xf32>
        tpu.vector_store %arg12[%swap3A_208, %swap3A_209], %add3A_205 {strides = array<i32>} : memref<10048x1xf32, #tpu.memory_space<vmem>>, vector<48x1xf32>,
        %reduce_sum3A_211 = vector.shape_cast %select_n3A_192 : vector<48x48xf32> to vector<1x48x48xf32>
        %reduce_sum3A_212 = arith.constant dense<0.000000e+00> : vector<1xf32>
        %reduce_sum3A_213 = vector.multi_reduction <add>, %reduce_sum3A_211, %reduce_sum3A_212 [1, 2] : vector<1x48x48xf32> to vector<1xf32>
        %reduce_sum3A_214 = vector.shape_cast %reduce_sum3A_213 : vector<1xf32> to vector<1x1x1xf32>
        %reduce_sum3A_215 = vector.extract %reduce_sum3A_214[0, 0, 0] : f32 from vector<1x1x1xf32>
        %add3A_216 = arith.addf %while3A_159, %reduce_sum3A_215 : f32
        scf.yield %add3A_196, %add3A_216 : vector<48x1xf32>, f32
      }
      %while3A_150 = arith.constant 1 : i32
      %while3A_151:2 = scf.for %while3A_157 = %while3A_147 to %while3A_143 step %while3A_150 iter_args(%while3A_158 = %while3A_149#0, %while3A_159 = %while3A_149#1) -> (vector<48x1xf32>, f32)  : i32 {
        %mul3A_160 = arith.constant 48 : i32
        %mul3A_161 = arith.muli %while3A_157, %mul3A_160 : i32
        %add3A_162 = arith.addi %get3A_4, %mul3A_161 : i32
        %get3A_163 = arith.constant 1 : index
        %get3A_164 = arith.index_cast %add3A_162 : i32 to index
        %get3A_165 = arith.constant 0 : index
        %get3A_166 = vector.load %arg5[%get3A_163, %get3A_164, %get3A_165] : memref<2x10048x128xf32, #tpu.memory_space<vmem>>, vector<1x48x128xf32>
        %get3A_167 = vector.shape_cast %get3A_166 : vector<1x48x128xf32> to vector<48x128xf32>
        %mul3A_168 = arith.constant 48 : i32
        %mul3A_169 = arith.muli %while3A_157, %mul3A_168 : i32
        %sub3A_170 = arith.subi %get3A_6, %mul3A_169 : i32
        %broadcast_in_dim3A_171 = vector.shape_cast %get3A_135 : vector<48x128xf32> to vector<48x1x128xf32>
        %broadcast_in_dim3A_172 = vector.shape_cast %get3A_167 : vector<48x128xf32> to vector<1x48x128xf32>
        %add3A_173 = vector.broadcast %broadcast_in_dim3A_171 : vector<48x1x128xf32> to vector<48x48x128xf32>
        %add3A_174 = vector.broadcast %broadcast_in_dim3A_172 : vector<1x48x128xf32> to vector<48x48x128xf32>
        %add3A_175 = arith.addf %add3A_173, %add3A_174 : vector<48x48x128xf32>
        %tanh3A = math.tanh %add3A_175 : vector<48x48x128xf32>
        %broadcast_in_dim3A_176 = vector.shape_cast %get3A_56 : vector<1x128xf32> to vector<1x1x128xf32>
        %mul3A_177 = vector.broadcast %broadcast_in_dim3A_176 : vector<1x1x128xf32> to vector<48x48x128xf32>
        %mul3A_178 = arith.mulf %tanh3A, %mul3A_177 : vector<48x48x128xf32>
        %reduce_sum3A_179 = arith.constant dense<0.000000e+00> : vector<48x48xf32>
        %reduce_sum3A_180 = vector.multi_reduction <add>, %mul3A_178, %reduce_sum3A_179 [2] : vector<48x48x128xf32> to vector<48x48xf32>
        %add3A_181 = vector.broadcast %get3A_60 : f32 to vector<48x48xf32>
        %add3A_182 = arith.addf %reduce_sum3A_180, %add3A_181 : vector<48x48xf32>
        %iota3A = tpu.iota {dimensions = array<i32: 0>} : vector<48x48xi32>
        %lt3A = vector.broadcast %sub3A_138 : i32 to vector<48x48xi32>
        %lt3A_183 = arith.cmpi slt, %iota3A, %lt3A : vector<48x48xi32>
        %iota3A_184 = tpu.iota {dimensions = array<i32: 1>} : vector<48x48xi32>
        %lt3A_185 = vector.broadcast %sub3A_170 : i32 to vector<48x48xi32>
        %lt3A_186 = arith.cmpi slt, %iota3A_184, %lt3A_185 : vector<48x48xi32>
        %and3A_187 = arith.andi %lt3A_183, %lt3A_186 : vector<48x48xi1>
        %sub3A_188 = vector.broadcast %add3A_66 : f32 to vector<48x48xf32>
        %sub3A_189 = arith.subf %add3A_182, %sub3A_188 : vector<48x48xf32>
        %exp3A = math.exp %sub3A_189 : vector<48x48xf32>
        %jit3A_190 = arith.constant 0.000000e+00 : f32
        %broadcast_in_dim3A_191 = vector.broadcast %jit3A_190 : f32 to vector<48x48xf32>
        %select_n3A_192 = arith.select %and3A_187, %exp3A, %broadcast_in_dim3A_191 : vector<48x48xi1>, vector<48x48xf32>
        %reduce_sum3A_193 = arith.constant dense<0.000000e+00> : vector<48xf32>
        %reduce_sum3A_194 = vector.multi_reduction <add>, %select_n3A_192, %reduce_sum3A_193 [1] : vector<48x48xf32> to vector<48xf32>
        %broadcast_in_dim3A_195 = vector.shape_cast %reduce_sum3A_194 : vector<48xf32> to vector<48x1xf32>
        %add3A_196 = arith.addf %while3A_158, %broadcast_in_dim3A_195 : vector<48x1xf32>
        %transpose3A = tpu.transpose %select_n3A_192, [1, 0] : vector<48x48xf32> -> vector<48x48xf32>
        %reduce_sum3A_197 = arith.constant dense<0.000000e+00> : vector<48xf32>
        %reduce_sum3A_198 = vector.multi_reduction <add>, %transpose3A, %reduce_sum3A_197 [1] : vector<48x48xf32> to vector<48xf32>
        %broadcast_in_dim3A_199 = vector.shape_cast %reduce_sum3A_198 : vector<48xf32> to vector<48x1xf32>
        %mul3A_200 = arith.constant 48 : i32
        %mul3A_201 = arith.muli %while3A_157, %mul3A_200 : i32
        %get3A_202 = arith.index_cast %mul3A_201 : i32 to index
        %get3A_203 = arith.constant 0 : index
        %get3A_204 = vector.load %arg12[%get3A_202, %get3A_203] : memref<10048x1xf32, #tpu.memory_space<vmem>>, vector<48x1xf32>
        %add3A_205 = arith.addf %get3A_204, %broadcast_in_dim3A_199 : vector<48x1xf32>
        %mul3A_206 = arith.constant 48 : i32
        %mul3A_207 = arith.muli %while3A_157, %mul3A_206 : i32
        %swap3A_208 = arith.index_cast %mul3A_207 : i32 to index
        %swap3A_209 = arith.constant 0 : index
        %swap3A_210 = vector.load %arg12[%swap3A_208, %swap3A_209] : memref<10048x1xf32, #tpu.memory_space<vmem>>, vector<48x1xf32>
        tpu.vector_store %arg12[%swap3A_208, %swap3A_209], %add3A_205 {strides = array<i32>} : memref<10048x1xf32, #tpu.memory_space<vmem>>, vector<48x1xf32>,
        %reduce_sum3A_211 = vector.shape_cast %select_n3A_192 : vector<48x48xf32> to vector<1x48x48xf32>
        %reduce_sum3A_212 = arith.constant dense<0.000000e+00> : vector<1xf32>
        %reduce_sum3A_213 = vector.multi_reduction <add>, %reduce_sum3A_211, %reduce_sum3A_212 [1, 2] : vector<1x48x48xf32> to vector<1xf32>
        %reduce_sum3A_214 = vector.shape_cast %reduce_sum3A_213 : vector<1xf32> to vector<1x1x1xf32>
        %reduce_sum3A_215 = vector.extract %reduce_sum3A_214[0, 0, 0] : f32 from vector<1x1x1xf32>
        %add3A_216 = arith.addf %while3A_159, %reduce_sum3A_215 : f32
        scf.yield %add3A_196, %add3A_216 : vector<48x1xf32>, f32
      }
      %mul3A_152 = arith.constant 48 : i32
      %mul3A_153 = arith.muli %while3A_127, %mul3A_152 : i32
      %swap3A_154 = arith.index_cast %mul3A_153 : i32 to index
      %swap3A_155 = arith.constant 0 : index
      %swap3A_156 = vector.load %arg11[%swap3A_154, %swap3A_155] : memref<10048x1xf32, #tpu.memory_space<vmem>>, vector<48x1xf32>
      tpu.vector_store %arg11[%swap3A_154, %swap3A_155], %while3A_151#0 {strides = array<i32>} : memref<10048x1xf32, #tpu.memory_space<vmem>>, vector<48x1xf32>,
      scf.yield %while3A_151#1 : f32
    }
    %while3A_86 = arith.constant 1 : i32
    %while3A_87 = scf.for %while3A_127 = %while3A_83 to %while3A_79 step %while3A_86 iter_args(%while3A_128 = %while3A_85) -> (f32)  : i32 {
      %mul3A = arith.constant 48 : i32
      %mul3A_129 = arith.muli %while3A_127, %mul3A : i32
      %add3A_130 = arith.addi %get3A_0, %mul3A_129 : i32
      %get3A_131 = arith.constant 0 : index
      %get3A_132 = arith.index_cast %add3A_130 : i32 to index
      %get3A_133 = arith.constant 0 : index
      %get3A_134 = vector.load %arg5[%get3A_131, %get3A_132, %get3A_133] : memref<2x10048x128xf32, #tpu.memory_space<vmem>>, vector<1x48x128xf32>
      %get3A_135 = vector.shape_cast %get3A_134 : vector<1x48x128xf32> to vector<48x128xf32>
      %mul3A_136 = arith.constant 48 : i32
      %mul3A_137 = arith.muli %while3A_127, %mul3A_136 : i32
      %sub3A_138 = arith.subi %get3A_2, %mul3A_137 : i32
      %broadcast_in_dim3A_139 = arith.constant 0.000000e+00 : f32
      %broadcast_in_dim3A_140 = vector.broadcast %broadcast_in_dim3A_139 : f32 to vector<48x1xf32>
      %while3A_141 = arith.constant 0 : i32
      %while3A_142 = arith.subi %select_n3A_53, %while3A_141 : i32
      %while3A_143 = arith.addi %while3A_141, %while3A_142 : i32
      %while3A_144 = arith.constant 1 : i32
      %while3A_145 = arith.divsi %while3A_142, %while3A_144 : i32
      %while3A_146 = arith.muli %while3A_145, %while3A_144 : i32
      %while3A_147 = arith.addi %while3A_141, %while3A_146 : i32
      %while3A_148 = arith.constant 1 : i32
      %while3A_149:2 = scf.for %while3A_157 = %while3A_141 to %while3A_147 step %while3A_148 iter_args(%while3A_158 = %broadcast_in_dim3A_140, %while3A_159 = %while3A_128) -> (vector<48x1xf32>, f32)  : i32 {
        %mul3A_160 = arith.constant 48 : i32
        %mul3A_161 = arith.muli %while3A_157, %mul3A_160 : i32
        %add3A_162 = arith.addi %get3A_4, %mul3A_161 : i32
        %get3A_163 = arith.constant 1 : index
        %get3A_164 = arith.index_cast %add3A_162 : i32 to index
        %get3A_165 = arith.constant 0 : index
        %get3A_166 = vector.load %arg5[%get3A_163, %get3A_164, %get3A_165] : memref<2x10048x128xf32, #tpu.memory_space<vmem>>, vector<1x48x128xf32>
        %get3A_167 = vector.shape_cast %get3A_166 : vector<1x48x128xf32> to vector<48x128xf32>
        %mul3A_168 = arith.constant 48 : i32
        %mul3A_169 = arith.muli %while3A_157, %mul3A_168 : i32
        %sub3A_170 = arith.subi %get3A_6, %mul3A_169 : i32
        %broadcast_in_dim3A_171 = vector.shape_cast %get3A_135 : vector<48x128xf32> to vector<48x1x128xf32>
        %broadcast_in_dim3A_172 = vector.shape_cast %get3A_167 : vector<48x128xf32> to vector<1x48x128xf32>
        %add3A_173 = vector.broadcast %broadcast_in_dim3A_171 : vector<48x1x128xf32> to vector<48x48x128xf32>
        %add3A_174 = vector.broadcast %broadcast_in_dim3A_172 : vector<1x48x128xf32> to vector<48x48x128xf32>
        %add3A_175 = arith.addf %add3A_173, %add3A_174 : vector<48x48x128xf32>
        %tanh3A = math.tanh %add3A_175 : vector<48x48x128xf32>
        %broadcast_in_dim3A_176 = vector.shape_cast %get3A_56 : vector<1x128xf32> to vector<1x1x128xf32>
        %mul3A_177 = vector.broadcast %broadcast_in_dim3A_176 : vector<1x1x128xf32> to vector<48x48x128xf32>
        %mul3A_178 = arith.mulf %tanh3A, %mul3A_177 : vector<48x48x128xf32>
        %reduce_sum3A_179 = arith.constant dense<0.000000e+00> : vector<48x48xf32>
        %reduce_sum3A_180 = vector.multi_reduction <add>, %mul3A_178, %reduce_sum3A_179 [2] : vector<48x48x128xf32> to vector<48x48xf32>
        %add3A_181 = vector.broadcast %get3A_60 : f32 to vector<48x48xf32>
        %add3A_182 = arith.addf %reduce_sum3A_180, %add3A_181 : vector<48x48xf32>
        %iota3A = tpu.iota {dimensions = array<i32: 0>} : vector<48x48xi32>
        %lt3A = vector.broadcast %sub3A_138 : i32 to vector<48x48xi32>
        %lt3A_183 = arith.cmpi slt, %iota3A, %lt3A : vector<48x48xi32>
        %iota3A_184 = tpu.iota {dimensions = array<i32: 1>} : vector<48x48xi32>
        %lt3A_185 = vector.broadcast %sub3A_170 : i32 to vector<48x48xi32>
        %lt3A_186 = arith.cmpi slt, %iota3A_184, %lt3A_185 : vector<48x48xi32>
        %and3A_187 = arith.andi %lt3A_183, %lt3A_186 : vector<48x48xi1>
        %sub3A_188 = vector.broadcast %add3A_66 : f32 to vector<48x48xf32>
        %sub3A_189 = arith.subf %add3A_182, %sub3A_188 : vector<48x48xf32>
        %exp3A = math.exp %sub3A_189 : vector<48x48xf32>
        %jit3A_190 = arith.constant 0.000000e+00 : f32
        %broadcast_in_dim3A_191 = vector.broadcast %jit3A_190 : f32 to vector<48x48xf32>
        %select_n3A_192 = arith.select %and3A_187, %exp3A, %broadcast_in_dim3A_191 : vector<48x48xi1>, vector<48x48xf32>
        %reduce_sum3A_193 = arith.constant dense<0.000000e+00> : vector<48xf32>
        %reduce_sum3A_194 = vector.multi_reduction <add>, %select_n3A_192, %reduce_sum3A_193 [1] : vector<48x48xf32> to vector<48xf32>
        %broadcast_in_dim3A_195 = vector.shape_cast %reduce_sum3A_194 : vector<48xf32> to vector<48x1xf32>
        %add3A_196 = arith.addf %while3A_158, %broadcast_in_dim3A_195 : vector<48x1xf32>
        %transpose3A = tpu.transpose %select_n3A_192, [1, 0] : vector<48x48xf32> -> vector<48x48xf32>
        %reduce_sum3A_197 = arith.constant dense<0.000000e+00> : vector<48xf32>
        %reduce_sum3A_198 = vector.multi_reduction <add>, %transpose3A, %reduce_sum3A_197 [1] : vector<48x48xf32> to vector<48xf32>
        %broadcast_in_dim3A_199 = vector.shape_cast %reduce_sum3A_198 : vector<48xf32> to vector<48x1xf32>
        %mul3A_200 = arith.constant 48 : i32
        %mul3A_201 = arith.muli %while3A_157, %mul3A_200 : i32
        %get3A_202 = arith.index_cast %mul3A_201 : i32 to index
        %get3A_203 = arith.constant 0 : index
        %get3A_204 = vector.load %arg12[%get3A_202, %get3A_203] : memref<10048x1xf32, #tpu.memory_space<vmem>>, vector<48x1xf32>
        %add3A_205 = arith.addf %get3A_204, %broadcast_in_dim3A_199 : vector<48x1xf32>
        %mul3A_206 = arith.constant 48 : i32
        %mul3A_207 = arith.muli %while3A_157, %mul3A_206 : i32
        %swap3A_208 = arith.index_cast %mul3A_207 : i32 to index
        %swap3A_209 = arith.constant 0 : index
        %swap3A_210 = vector.load %arg12[%swap3A_208, %swap3A_209] : memref<10048x1xf32, #tpu.memory_space<vmem>>, vector<48x1xf32>
        tpu.vector_store %arg12[%swap3A_208, %swap3A_209], %add3A_205 {strides = array<i32>} : memref<10048x1xf32, #tpu.memory_space<vmem>>, vector<48x1xf32>,
        %reduce_sum3A_211 = vector.shape_cast %select_n3A_192 : vector<48x48xf32> to vector<1x48x48xf32>
        %reduce_sum3A_212 = arith.constant dense<0.000000e+00> : vector<1xf32>
        %reduce_sum3A_213 = vector.multi_reduction <add>, %reduce_sum3A_211, %reduce_sum3A_212 [1, 2] : vector<1x48x48xf32> to vector<1xf32>
        %reduce_sum3A_214 = vector.shape_cast %reduce_sum3A_213 : vector<1xf32> to vector<1x1x1xf32>
        %reduce_sum3A_215 = vector.extract %reduce_sum3A_214[0, 0, 0] : f32 from vector<1x1x1xf32>
        %add3A_216 = arith.addf %while3A_159, %reduce_sum3A_215 : f32
        scf.yield %add3A_196, %add3A_216 : vector<48x1xf32>, f32
      }
      %while3A_150 = arith.constant 1 : i32
      %while3A_151:2 = scf.for %while3A_157 = %while3A_147 to %while3A_143 step %while3A_150 iter_args(%while3A_158 = %while3A_149#0, %while3A_159 = %while3A_149#1) -> (vector<48x1xf32>, f32)  : i32 {
        %mul3A_160 = arith.constant 48 : i32
        %mul3A_161 = arith.muli %while3A_157, %mul3A_160 : i32
        %add3A_162 = arith.addi %get3A_4, %mul3A_161 : i32
        %get3A_163 = arith.constant 1 : index
        %get3A_164 = arith.index_cast %add3A_162 : i32 to index
        %get3A_165 = arith.constant 0 : index
        %get3A_166 = vector.load %arg5[%get3A_163, %get3A_164, %get3A_165] : memref<2x10048x128xf32, #tpu.memory_space<vmem>>, vector<1x48x128xf32>
        %get3A_167 = vector.shape_cast %get3A_166 : vector<1x48x128xf32> to vector<48x128xf32>
        %mul3A_168 = arith.constant 48 : i32
        %mul3A_169 = arith.muli %while3A_157, %mul3A_168 : i32
        %sub3A_170 = arith.subi %get3A_6, %mul3A_169 : i32
        %broadcast_in_dim3A_171 = vector.shape_cast %get3A_135 : vector<48x128xf32> to vector<48x1x128xf32>
        %broadcast_in_dim3A_172 = vector.shape_cast %get3A_167 : vector<48x128xf32> to vector<1x48x128xf32>
        %add3A_173 = vector.broadcast %broadcast_in_dim3A_171 : vector<48x1x128xf32> to vector<48x48x128xf32>
        %add3A_174 = vector.broadcast %broadcast_in_dim3A_172 : vector<1x48x128xf32> to vector<48x48x128xf32>
        %add3A_175 = arith.addf %add3A_173, %add3A_174 : vector<48x48x128xf32>
        %tanh3A = math.tanh %add3A_175 : vector<48x48x128xf32>
        %broadcast_in_dim3A_176 = vector.shape_cast %get3A_56 : vector<1x128xf32> to vector<1x1x128xf32>
        %mul3A_177 = vector.broadcast %broadcast_in_dim3A_176 : vector<1x1x128xf32> to vector<48x48x128xf32>
        %mul3A_178 = arith.mulf %tanh3A, %mul3A_177 : vector<48x48x128xf32>
        %reduce_sum3A_179 = arith.constant dense<0.000000e+00> : vector<48x48xf32>
        %reduce_sum3A_180 = vector.multi_reduction <add>, %mul3A_178, %reduce_sum3A_179 [2] : vector<48x48x128xf32> to vector<48x48xf32>
        %add3A_181 = vector.broadcast %get3A_60 : f32 to vector<48x48xf32>
        %add3A_182 = arith.addf %reduce_sum3A_180, %add3A_181 : vector<48x48xf32>
        %iota3A = tpu.iota {dimensions = array<i32: 0>} : vector<48x48xi32>
        %lt3A = vector.broadcast %sub3A_138 : i32 to vector<48x48xi32>
        %lt3A_183 = arith.cmpi slt, %iota3A, %lt3A : vector<48x48xi32>
        %iota3A_184 = tpu.iota {dimensions = array<i32: 1>} : vector<48x48xi32>
        %lt3A_185 = vector.broadcast %sub3A_170 : i32 to vector<48x48xi32>
        %lt3A_186 = arith.cmpi slt, %iota3A_184, %lt3A_185 : vector<48x48xi32>
        %and3A_187 = arith.andi %lt3A_183, %lt3A_186 : vector<48x48xi1>
        %sub3A_188 = vector.broadcast %add3A_66 : f32 to vector<48x48xf32>
        %sub3A_189 = arith.subf %add3A_182, %sub3A_188 : vector<48x48xf32>
        %exp3A = math.exp %sub3A_189 : vector<48x48xf32>
        %jit3A_190 = arith.constant 0.000000e+00 : f32
        %broadcast_in_dim3A_191 = vector.broadcast %jit3A_190 : f32 to vector<48x48xf32>
        %select_n3A_192 = arith.select %and3A_187, %exp3A, %broadcast_in_dim3A_191 : vector<48x48xi1>, vector<48x48xf32>
        %reduce_sum3A_193 = arith.constant dense<0.000000e+00> : vector<48xf32>
        %reduce_sum3A_194 = vector.multi_reduction <add>, %select_n3A_192, %reduce_sum3A_193 [1] : vector<48x48xf32> to vector<48xf32>
        %broadcast_in_dim3A_195 = vector.shape_cast %reduce_sum3A_194 : vector<48xf32> to vector<48x1xf32>
        %add3A_196 = arith.addf %while3A_158, %broadcast_in_dim3A_195 : vector<48x1xf32>
        %transpose3A = tpu.transpose %select_n3A_192, [1, 0] : vector<48x48xf32> -> vector<48x48xf32>
        %reduce_sum3A_197 = arith.constant dense<0.000000e+00> : vector<48xf32>
        %reduce_sum3A_198 = vector.multi_reduction <add>, %transpose3A, %reduce_sum3A_197 [1] : vector<48x48xf32> to vector<48xf32>
        %broadcast_in_dim3A_199 = vector.shape_cast %reduce_sum3A_198 : vector<48xf32> to vector<48x1xf32>
        %mul3A_200 = arith.constant 48 : i32
        %mul3A_201 = arith.muli %while3A_157, %mul3A_200 : i32
        %get3A_202 = arith.index_cast %mul3A_201 : i32 to index
        %get3A_203 = arith.constant 0 : index
        %get3A_204 = vector.load %arg12[%get3A_202, %get3A_203] : memref<10048x1xf32, #tpu.memory_space<vmem>>, vector<48x1xf32>
        %add3A_205 = arith.addf %get3A_204, %broadcast_in_dim3A_199 : vector<48x1xf32>
        %mul3A_206 = arith.constant 48 : i32
        %mul3A_207 = arith.muli %while3A_157, %mul3A_206 : i32
        %swap3A_208 = arith.index_cast %mul3A_207 : i32 to index
        %swap3A_209 = arith.constant 0 : index
        %swap3A_210 = vector.load %arg12[%swap3A_208, %swap3A_209] : memref<10048x1xf32, #tpu.memory_space<vmem>>, vector<48x1xf32>
        tpu.vector_store %arg12[%swap3A_208, %swap3A_209], %add3A_205 {strides = array<i32>} : memref<10048x1xf32, #tpu.memory_space<vmem>>, vector<48x1xf32>,
        %reduce_sum3A_211 = vector.shape_cast %select_n3A_192 : vector<48x48xf32> to vector<1x48x48xf32>
        %reduce_sum3A_212 = arith.constant dense<0.000000e+00> : vector<1xf32>
        %reduce_sum3A_213 = vector.multi_reduction <add>, %reduce_sum3A_211, %reduce_sum3A_212 [1, 2] : vector<1x48x48xf32> to vector<1xf32>
        %reduce_sum3A_214 = vector.shape_cast %reduce_sum3A_213 : vector<1xf32> to vector<1x1x1xf32>
        %reduce_sum3A_215 = vector.extract %reduce_sum3A_214[0, 0, 0] : f32 from vector<1x1x1xf32>
        %add3A_216 = arith.addf %while3A_159, %reduce_sum3A_215 : f32
        scf.yield %add3A_196, %add3A_216 : vector<48x1xf32>, f32
      }
      %mul3A_152 = arith.constant 48 : i32
      %mul3A_153 = arith.muli %while3A_127, %mul3A_152 : i32
      %swap3A_154 = arith.index_cast %mul3A_153 : i32 to index
      %swap3A_155 = arith.constant 0 : index
      %swap3A_156 = vector.load %arg11[%swap3A_154, %swap3A_155] : memref<10048x1xf32, #tpu.memory_space<vmem>>, vector<48x1xf32>
      tpu.vector_store %arg11[%swap3A_154, %swap3A_155], %while3A_151#0 {strides = array<i32>} : memref<10048x1xf32, #tpu.memory_space<vmem>>, vector<48x1xf32>,
      scf.yield %while3A_151#1 : f32
    }
    %gt3A = arith.constant 0.000000e+00 : f32
    %gt3A_88 = arith.cmpf ogt, %while3A_87, %gt3A : f32
    %jit3A_89 = arith.constant 1.000000e+00 : f32
    %select_n3A_90 = arith.select %gt3A_88, %while3A_87, %jit3A_89 : f32
    %broadcast_in_dim3A = arith.constant 0.000000e+00 : f32
    %broadcast_in_dim3A_91 = vector.broadcast %broadcast_in_dim3A : f32 to vector<1x128xf32>
    %while3A_92 = arith.constant 0 : i32
    %while3A_93 = arith.subi %select_n3A, %while3A_92 : i32
    %while3A_94 = arith.addi %while3A_92, %while3A_93 : i32
    %while3A_95 = arith.constant 1 : i32
    %while3A_96 = arith.divsi %while3A_93, %while3A_95 : i32
    %while3A_97 = arith.muli %while3A_96, %while3A_95 : i32
    %while3A_98 = arith.addi %while3A_92, %while3A_97 : i32
    %while3A_99 = arith.constant 1 : i32
    %while3A_100 = scf.for %while3A_127 = %while3A_92 to %while3A_98 step %while3A_99 iter_args(%while3A_128 = %broadcast_in_dim3A_91) -> (vector<1x128xf32>)  : i32 {
      %mul3A = arith.constant 48 : i32
      %mul3A_129 = arith.muli %while3A_127, %mul3A : i32
      %get3A_130 = arith.index_cast %mul3A_129 : i32 to index
      %get3A_131 = arith.constant 0 : index
      %get3A_132 = vector.load %arg11[%get3A_130, %get3A_131] : memref<10048x1xf32, #tpu.memory_space<vmem>>, vector<48x1xf32>
      %div3A_133 = vector.broadcast %select_n3A_90 : f32 to vector<48x1xf32>
      %div3A_134 = arith.divf %get3A_132, %div3A_133 : vector<48x1xf32>
      %mul3A_135 = arith.constant 48 : i32
      %mul3A_136 = arith.muli %while3A_127, %mul3A_135 : i32
      %add3A_137 = arith.addi %get3A_0, %mul3A_136 : i32
      %get3A_138 = arith.constant 0 : index
      %get3A_139 = arith.index_cast %add3A_137 : i32 to index
      %get3A_140 = arith.constant 0 : index
      %get3A_141 = vector.load %arg6[%get3A_138, %get3A_139, %get3A_140] : memref<2x10048x128xf32, #tpu.memory_space<vmem>>, vector<1x48x128xf32>
      %get3A_142 = vector.shape_cast %get3A_141 : vector<1x48x128xf32> to vector<48x128xf32>
      %mul3A_143 = vector.broadcast %div3A_134 : vector<48x1xf32> to vector<48x128xf32>
      %mul3A_144 = arith.mulf %mul3A_143, %get3A_142 : vector<48x128xf32>
      %reduce_sum3A_145 = arith.constant dense<0.000000e+00> : vector<128xf32>
      %reduce_sum3A_146 = vector.multi_reduction <add>, %mul3A_144, %reduce_sum3A_145 [0] : vector<48x128xf32> to vector<128xf32>
      %broadcast_in_dim3A_147 = vector.shape_cast %reduce_sum3A_146 : vector<128xf32> to vector<1x128xf32>
      %add3A_148 = arith.addf %while3A_128, %broadcast_in_dim3A_147 : vector<1x128xf32>
      scf.yield %add3A_148 : vector<1x128xf32>
    }
    %while3A_101 = arith.constant 1 : i32
    %while3A_102 = scf.for %while3A_127 = %while3A_98 to %while3A_94 step %while3A_101 iter_args(%while3A_128 = %while3A_100) -> (vector<1x128xf32>)  : i32 {
      %mul3A = arith.constant 48 : i32
      %mul3A_129 = arith.muli %while3A_127, %mul3A : i32
      %get3A_130 = arith.index_cast %mul3A_129 : i32 to index
      %get3A_131 = arith.constant 0 : index
      %get3A_132 = vector.load %arg11[%get3A_130, %get3A_131] : memref<10048x1xf32, #tpu.memory_space<vmem>>, vector<48x1xf32>
      %div3A_133 = vector.broadcast %select_n3A_90 : f32 to vector<48x1xf32>
      %div3A_134 = arith.divf %get3A_132, %div3A_133 : vector<48x1xf32>
      %mul3A_135 = arith.constant 48 : i32
      %mul3A_136 = arith.muli %while3A_127, %mul3A_135 : i32
      %add3A_137 = arith.addi %get3A_0, %mul3A_136 : i32
      %get3A_138 = arith.constant 0 : index
      %get3A_139 = arith.index_cast %add3A_137 : i32 to index
      %get3A_140 = arith.constant 0 : index
      %get3A_141 = vector.load %arg6[%get3A_138, %get3A_139, %get3A_140] : memref<2x10048x128xf32, #tpu.memory_space<vmem>>, vector<1x48x128xf32>
      %get3A_142 = vector.shape_cast %get3A_141 : vector<1x48x128xf32> to vector<48x128xf32>
      %mul3A_143 = vector.broadcast %div3A_134 : vector<48x1xf32> to vector<48x128xf32>
      %mul3A_144 = arith.mulf %mul3A_143, %get3A_142 : vector<48x128xf32>
      %reduce_sum3A_145 = arith.constant dense<0.000000e+00> : vector<128xf32>
      %reduce_sum3A_146 = vector.multi_reduction <add>, %mul3A_144, %reduce_sum3A_145 [0] : vector<48x128xf32> to vector<128xf32>
      %broadcast_in_dim3A_147 = vector.shape_cast %reduce_sum3A_146 : vector<128xf32> to vector<1x128xf32>
      %add3A_148 = arith.addf %while3A_128, %broadcast_in_dim3A_147 : vector<1x128xf32>
      scf.yield %add3A_148 : vector<1x128xf32>
    }
    %swap3A = arith.constant 0 : index
    %swap3A_103 = arith.constant 0 : index
    %swap3A_104 = arith.constant 0 : index
    %swap3A_105 = vector.load %arg9[%swap3A, %swap3A_103, %swap3A_104] : memref<1x1x128xf32, #tpu.memory_space<vmem>>, vector<1x1x128xf32>
    %swap3A_106 = vector.shape_cast %swap3A_105 : vector<1x1x128xf32> to vector<1x128xf32>
    %swap3A_107 = vector.shape_cast %while3A_102 : vector<1x128xf32> to vector<1x1x128xf32>
    tpu.vector_store %arg9[%swap3A, %swap3A_103, %swap3A_104], %swap3A_107 {strides = array<i32>} : memref<1x1x128xf32, #tpu.memory_space<vmem>>, vector<1x1x128xf32>,
    %broadcast_in_dim3A_108 = arith.constant 0.000000e+00 : f32
    %broadcast_in_dim3A_109 = vector.broadcast %broadcast_in_dim3A_108 : f32 to vector<1x128xf32>
    %while3A_110 = arith.constant 0 : i32
    %while3A_111 = arith.subi %select_n3A_53, %while3A_110 : i32
    %while3A_112 = arith.addi %while3A_110, %while3A_111 : i32
    %while3A_113 = arith.constant 1 : i32
    %while3A_114 = arith.divsi %while3A_111, %while3A_113 : i32
    %while3A_115 = arith.muli %while3A_114, %while3A_113 : i32
    %while3A_116 = arith.addi %while3A_110, %while3A_115 : i32
    %while3A_117 = arith.constant 1 : i32
    %while3A_118 = scf.for %while3A_127 = %while3A_110 to %while3A_116 step %while3A_117 iter_args(%while3A_128 = %broadcast_in_dim3A_109) -> (vector<1x128xf32>)  : i32 {
      %mul3A = arith.constant 48 : i32
      %mul3A_129 = arith.muli %while3A_127, %mul3A : i32
      %get3A_130 = arith.index_cast %mul3A_129 : i32 to index
      %get3A_131 = arith.constant 0 : index
      %get3A_132 = vector.load %arg12[%get3A_130, %get3A_131] : memref<10048x1xf32, #tpu.memory_space<vmem>>, vector<48x1xf32>
      %div3A_133 = vector.broadcast %select_n3A_90 : f32 to vector<48x1xf32>
      %div3A_134 = arith.divf %get3A_132, %div3A_133 : vector<48x1xf32>
      %mul3A_135 = arith.constant 48 : i32
      %mul3A_136 = arith.muli %while3A_127, %mul3A_135 : i32
      %add3A_137 = arith.addi %get3A_4, %mul3A_136 : i32
      %get3A_138 = arith.constant 1 : index
      %get3A_139 = arith.index_cast %add3A_137 : i32 to index
      %get3A_140 = arith.constant 0 : index
      %get3A_141 = vector.load %arg6[%get3A_138, %get3A_139, %get3A_140] : memref<2x10048x128xf32, #tpu.memory_space<vmem>>, vector<1x48x128xf32>
      %get3A_142 = vector.shape_cast %get3A_141 : vector<1x48x128xf32> to vector<48x128xf32>
      %mul3A_143 = vector.broadcast %div3A_134 : vector<48x1xf32> to vector<48x128xf32>
      %mul3A_144 = arith.mulf %mul3A_143, %get3A_142 : vector<48x128xf32>
      %reduce_sum3A_145 = arith.constant dense<0.000000e+00> : vector<128xf32>
      %reduce_sum3A_146 = vector.multi_reduction <add>, %mul3A_144, %reduce_sum3A_145 [0] : vector<48x128xf32> to vector<128xf32>
      %broadcast_in_dim3A_147 = vector.shape_cast %reduce_sum3A_146 : vector<128xf32> to vector<1x128xf32>
      %add3A_148 = arith.addf %while3A_128, %broadcast_in_dim3A_147 : vector<1x128xf32>
      scf.yield %add3A_148 : vector<1x128xf32>
    }
    %while3A_119 = arith.constant 1 : i32
    %while3A_120 = scf.for %while3A_127 = %while3A_116 to %while3A_112 step %while3A_119 iter_args(%while3A_128 = %while3A_118) -> (vector<1x128xf32>)  : i32 {
      %mul3A = arith.constant 48 : i32
      %mul3A_129 = arith.muli %while3A_127, %mul3A : i32
      %get3A_130 = arith.index_cast %mul3A_129 : i32 to index
      %get3A_131 = arith.constant 0 : index
      %get3A_132 = vector.load %arg12[%get3A_130, %get3A_131] : memref<10048x1xf32, #tpu.memory_space<vmem>>, vector<48x1xf32>
      %div3A_133 = vector.broadcast %select_n3A_90 : f32 to vector<48x1xf32>
      %div3A_134 = arith.divf %get3A_132, %div3A_133 : vector<48x1xf32>
      %mul3A_135 = arith.constant 48 : i32
      %mul3A_136 = arith.muli %while3A_127, %mul3A_135 : i32
      %add3A_137 = arith.addi %get3A_4, %mul3A_136 : i32
      %get3A_138 = arith.constant 1 : index
      %get3A_139 = arith.index_cast %add3A_137 : i32 to index
      %get3A_140 = arith.constant 0 : index
      %get3A_141 = vector.load %arg6[%get3A_138, %get3A_139, %get3A_140] : memref<2x10048x128xf32, #tpu.memory_space<vmem>>, vector<1x48x128xf32>
      %get3A_142 = vector.shape_cast %get3A_141 : vector<1x48x128xf32> to vector<48x128xf32>
      %mul3A_143 = vector.broadcast %div3A_134 : vector<48x1xf32> to vector<48x128xf32>
      %mul3A_144 = arith.mulf %mul3A_143, %get3A_142 : vector<48x128xf32>
      %reduce_sum3A_145 = arith.constant dense<0.000000e+00> : vector<128xf32>
      %reduce_sum3A_146 = vector.multi_reduction <add>, %mul3A_144, %reduce_sum3A_145 [0] : vector<48x128xf32> to vector<128xf32>
      %broadcast_in_dim3A_147 = vector.shape_cast %reduce_sum3A_146 : vector<128xf32> to vector<1x128xf32>
      %add3A_148 = arith.addf %while3A_128, %broadcast_in_dim3A_147 : vector<1x128xf32>
      scf.yield %add3A_148 : vector<1x128xf32>
    }
    %swap3A_121 = arith.constant 0 : index
    %swap3A_122 = arith.constant 0 : index
    %swap3A_123 = arith.constant 0 : index
    %swap3A_124 = vector.load %arg10[%swap3A_121, %swap3A_122, %swap3A_123] : memref<1x1x128xf32, #tpu.memory_space<vmem>>, vector<1x1x128xf32>
    %swap3A_125 = vector.shape_cast %swap3A_124 : vector<1x1x128xf32> to vector<1x128xf32>
    %swap3A_126 = vector.shape_cast %while3A_120 : vector<1x128xf32> to vector<1x1x128xf32>
    tpu.vector_store %arg10[%swap3A_121, %swap3A_122, %swap3A_123], %swap3A_126 {strides = array<i32>} : memref<1x1x128xf32, #tpu.memory_space<vmem>>, vector<1x1x128xf32>,
    return
  }
  func.func @transform_0(%arg0: i32, %arg1: memref<256xi32, #tpu.memory_space<smem>>, %arg2: memref<256xi32, #tpu.memory_space<smem>>, %arg3: memref<256xi32, #tpu.memory_space<smem>>, %arg4: memref<256xi32, #tpu.memory_space<smem>>) -> (i32, i32, i32) {
    %c0_i32 = arith.constant 0 : i32
    %c0_i32_0 = arith.constant 0 : i32
    %c0_i32_1 = arith.constant 0 : i32
    %c0_i32_2 = arith.constant 0 : i32
    return %c0_i32, %c0_i32_0, %c0_i32_1 : i32, i32, i32
  }
  func.func @transform_1(%arg0: i32, %arg1: memref<256xi32, #tpu.memory_space<smem>>, %arg2: memref<256xi32, #tpu.memory_space<smem>>, %arg3: memref<256xi32, #tpu.memory_space<smem>>, %arg4: memref<256xi32, #tpu.memory_space<smem>>) -> (i32, i32, i32) {
    %c0_i32 = arith.constant 0 : i32
    %c0_i32_0 = arith.constant 0 : i32
    %c0_i32_1 = arith.constant 0 : i32
    %c0_i32_2 = arith.constant 0 : i32
    return %c0_i32, %c0_i32_0, %c0_i32_1 : i32, i32, i32
  }
  func.func @transform_2(%arg0: i32, %arg1: memref<256xi32, #tpu.memory_space<smem>>, %arg2: memref<256xi32, #tpu.memory_space<smem>>, %arg3: memref<256xi32, #tpu.memory_space<smem>>, %arg4: memref<256xi32, #tpu.memory_space<smem>>) -> (i32, i32) {
    %c0_i32 = arith.constant 0 : i32
    %c0_i32_0 = arith.constant 0 : i32
    %c0_i32_1 = arith.constant 0 : i32
    return %c0_i32, %c0_i32_0 : i32, i32
  }
  func.func @transform_3(%arg0: i32, %arg1: memref<256xi32, #tpu.memory_space<smem>>, %arg2: memref<256xi32, #tpu.memory_space<smem>>, %arg3: memref<256xi32, #tpu.memory_space<smem>>, %arg4: memref<256xi32, #tpu.memory_space<smem>>) -> (i32, i32) {
    %c0_i32 = arith.constant 0 : i32
    %c0_i32_0 = arith.constant 0 : i32
    %c0_i32_1 = arith.constant 0 : i32
    return %c0_i32, %c0_i32_0 : i32, i32
  }
  func.func @transform_4(%arg0: i32, %arg1: memref<256xi32, #tpu.memory_space<smem>>, %arg2: memref<256xi32, #tpu.memory_space<smem>>, %arg3: memref<256xi32, #tpu.memory_space<smem>>, %arg4: memref<256xi32, #tpu.memory_space<smem>>) -> (i32, i32, i32) {
    %c0_i32 = arith.constant 0 : i32
    %c0_i32_0 = arith.constant 0 : i32
    %c0_i32_1 = arith.constant 0 : i32
    return %arg0, %c0_i32, %c0_i32_0 : i32, i32, i32
  }
  func.func @transform_5(%arg0: i32, %arg1: memref<256xi32, #tpu.memory_space<smem>>, %arg2: memref<256xi32, #tpu.memory_space<smem>>, %arg3: memref<256xi32, #tpu.memory_space<smem>>, %arg4: memref<256xi32, #tpu.memory_space<smem>>) -> (i32, i32, i32) {
    %c0_i32 = arith.constant 0 : i32
    %c0_i32_0 = arith.constant 0 : i32
    %c0_i32_1 = arith.constant 0 : i32
    return %arg0, %c0_i32, %c0_i32_0 : i32, i32, i32
  }
}

module attributes {stable_mosaic.version = 14 : i64} {
  func.func @_mlp_body(%arg0: memref<256x128xf32, #tpu.memory_space<vmem>>, %arg1: memref<256x128xf32, #tpu.memory_space<vmem>>, %arg2: memref<128x128xf32, #tpu.memory_space<vmem>>, %arg3: memref<128x128xf32, #tpu.memory_space<vmem>>, %arg4: memref<1x128xf32, #tpu.memory_space<vmem>>, %arg5: memref<128x86xf32, #tpu.memory_space<vmem>>, %arg6: memref<1x86xf32, #tpu.memory_space<vmem>>, %arg7: memref<256x86xf32, #tpu.memory_space<vmem>>) attributes {dimension_semantics = [], scalar_prefetch = 0 : i64, scratch_operands = 0 : i64, tpu.core_type = #tpu.core_type<tc>} {
    %get3A = arith.constant 0 : index
    %get3A_0 = arith.constant 0 : index
    %get3A_1 = vector.load %arg0[%get3A, %get3A_0] : memref<256x128xf32, #tpu.memory_space<vmem>>, vector<256x128xf32>
    %get3A_2 = arith.constant 0 : index
    %get3A_3 = arith.constant 0 : index
    %get3A_4 = vector.load %arg2[%get3A_2, %get3A_3] : memref<128x128xf32, #tpu.memory_space<vmem>>, vector<128x128xf32>
    %dot_general3A = arith.constant dense<0.000000e+00> : vector<256x128xf32>
    %dot_general3A_5 = tpu.matmul %get3A_1, %get3A_4, %dot_general3A {dimension_numbers = #tpu.dot_dimension_numbers<[1], [0], [0], [1], [0, 0, 1, 1], [], []>, transpose_lhs_hint = false} : vector<256x128xf32>, vector<128x128xf32>, vector<256x128xf32> -> vector<256x128xf32>
    %get3A_6 = arith.constant 0 : index
    %get3A_7 = arith.constant 0 : index
    %get3A_8 = vector.load %arg1[%get3A_6, %get3A_7] : memref<256x128xf32, #tpu.memory_space<vmem>>, vector<256x128xf32>
    %get3A_9 = arith.constant 0 : index
    %get3A_10 = arith.constant 0 : index
    %get3A_11 = vector.load %arg3[%get3A_9, %get3A_10] : memref<128x128xf32, #tpu.memory_space<vmem>>, vector<128x128xf32>
    %dot_general3A_12 = arith.constant dense<0.000000e+00> : vector<256x128xf32>
    %dot_general3A_13 = tpu.matmul %get3A_8, %get3A_11, %dot_general3A_12 {dimension_numbers = #tpu.dot_dimension_numbers<[1], [0], [0], [1], [0, 0, 1, 1], [], []>, transpose_lhs_hint = false} : vector<256x128xf32>, vector<128x128xf32>, vector<256x128xf32> -> vector<256x128xf32>
    %add3A = arith.addf %dot_general3A_5, %dot_general3A_13 : vector<256x128xf32>
    %get3A_14 = arith.constant 0 : index
    %get3A_15 = arith.constant 0 : index
    %get3A_16 = vector.load %arg4[%get3A_14, %get3A_15] : memref<1x128xf32, #tpu.memory_space<vmem>>, vector<1x128xf32>
    %add3A_17 = vector.broadcast %get3A_16 : vector<1x128xf32> to vector<256x128xf32>
    %add3A_18 = arith.addf %add3A, %add3A_17 : vector<256x128xf32>
    %max3A = arith.constant 0.000000e+00 : f32
    %max3A_19 = vector.broadcast %max3A : f32 to vector<256x128xf32>
    %max3A_20 = arith.maximumf %add3A_18, %max3A_19 : vector<256x128xf32>
    %get3A_21 = arith.constant 0 : index
    %get3A_22 = arith.constant 0 : index
    %get3A_23 = vector.load %arg5[%get3A_21, %get3A_22] : memref<128x86xf32, #tpu.memory_space<vmem>>, vector<128x86xf32>
    %dot_general3A_24 = arith.constant dense<0.000000e+00> : vector<256x86xf32>
    %dot_general3A_25 = tpu.matmul %max3A_20, %get3A_23, %dot_general3A_24 {dimension_numbers = #tpu.dot_dimension_numbers<[1], [0], [0], [1], [0, 0, 1, 1], [], []>, transpose_lhs_hint = false} : vector<256x128xf32>, vector<128x86xf32>, vector<256x86xf32> -> vector<256x86xf32>
    %get3A_26 = arith.constant 0 : index
    %get3A_27 = arith.constant 0 : index
    %get3A_28 = vector.load %arg6[%get3A_26, %get3A_27] : memref<1x86xf32, #tpu.memory_space<vmem>>, vector<1x86xf32>
    %add3A_29 = vector.broadcast %get3A_28 : vector<1x86xf32> to vector<256x86xf32>
    %add3A_30 = arith.addf %dot_general3A_25, %add3A_29 : vector<256x86xf32>
    %swap3A = arith.constant 0 : index
    %swap3A_31 = arith.constant 0 : index
    %swap3A_32 = vector.load %arg7[%swap3A, %swap3A_31] : memref<256x86xf32, #tpu.memory_space<vmem>>, vector<256x86xf32>
    tpu.vector_store %arg7[%swap3A, %swap3A_31], %add3A_30 {strides = array<i32>} : memref<256x86xf32, #tpu.memory_space<vmem>>, vector<256x86xf32>,
    return
  }
}

</mosaic_0001>

<sc_bundles>
// kernel: kernel.12.cloned.1.call-start
scs
__scs_entry_jumppad:
0x0: {  	(pc) =	sbr.rel $0x88, $3  }
0x1: {  	(tag) =	ssettag $0x0;
	lr =	simm.s32 $0x1  }
0x2: {  	[smem:$0x3F8D] =	sst lr;
	_ =	strace $0xD0000000  }
0x3: {  	_ = 	snop  }
0x4: {  	_ = 	snop  }
0x5: {  	_ = 	snop  }
0x6: {  	_ = 	snop  }
0x7: {  	_ = 	snop  }
__scs_overlays_trampoline_lowered:
0x8: {  	[smem:$0x3F9C] =	sst s0  }
0x9: {  	[smem:$0x3F9D] =	sst s1  }
0xa: {  	[smem:$0x3F9E] =	sst s2  }
0xb: {  	[smem:$0x3F9F] =	sst s3  }
0xc: {  	[smem:$0x3FA0] =	sst s4  }
0xd: {  	[smem:$0x3FA1] =	sst s5  }
0xe: {  	[smem:$0x3FA2] =	sst s6  }
0xf: {  	[smem:$0x3FA3] =	sst s7  }
0x10: {  	[smem:$0x3FA4] =	sst s8  }
0x11: {  	[smem:$0x3FA5] =	sst s9;
	s0 =	simm.s32 @!p0 $0x0  }
0x12: {  	s1 =	sld [smem:$0x3F8B];
	s0 =	simm.s32 @p0 $0x1  }
0x13: {  	[smem:$0x3FA6] =	sst s0;
	s0 =	simm.s32 @!p1 $0x0  }
0x14: {  	s2 =	sld [smem:$0x3F8A];
	s0 =	simm.s32 @p1 $0x1  }
0x15: {  	[smem:$0x3FA7] =	sst s0;
	s0 =	simm.s32 @!p2 $0x0  }
0x16: {  	s3 =	sld [smem:$0x3FDB];
	s0 =	simm.s32 @p2 $0x1  }
0x17: {  	s4 =	simm.s32 $0x1BF5;
	[smem:$0x3FA9] =	sst s0  }
0x18: {  	s0 =	sld [smem:$0x3F8C];
	_ =	swait.ge [sflag:s4], $0x0  }
0x19: {  	s7 =	sld [smem:$0x3F8D]  }
0x1a: {  	s8 =	sadd.s32 $0xFFFFE003, lr  }
0x1b: {  	s9 =	sadd.s32 $0xFFFFFEF7, lr;
	s5 =	simm.s32 $0xFFFFFFFF;
	p2 =	slt.u32 s8, $0xFFFFF086  }
0x1c: {  	p1 =	slt.u32 s9, $0xF7A;
	s5 =	simm.s32 @!p2 $0x0  }
0x1d: {  	s5 =	simm.s32 @p1 $0x1;
	p0 =	seq.s32 s7, s2  }
0x1e: {  	s7 =	smul.u32 @!p0 $0xF7A, s2;
	p2 =	seq.s32 @!p0 s5, $0x0  }
0x1f: {  	s9 =	smul.u32 $0xF7A, s1;
	s8 =	simm.s32 @!p0 $0x1BF5;
	p2 =	por !p2, p0  }
0x20: {  	[sflag:s8] =	ssyncset.s32 @!p0 $0xFFFFF086;
	s6 =	sadd.s32 @!p0 s3, s7;
	s7 =	simm.s32 @!p0 $0x108  }
0x21: {  	s3 =	sadd.s32 s3, s9;
	s6 =	sadd.s32 @!p0 $0x88, s6;
	s7 =	simm.s32 @p2 $0x1082  }
0x22: {  	[simem:s7], [sflag:s8] =	dma.local @!p0 [hbm:s6], $0xF7A  }
0x23: {  	s9 =	sor.u32 $0xD0000000, s2;
	s6 =	simm.s32 $0x108;
	_ =	swait.ge @!p0 [sflag:s8], $0x0  }
0x24: {  	s3 =	sadd.s32 $0x88, s3;
	s6 =	simm.s32 @!p1 $0x1082;
	[sflag:s4] =	ssyncset.s32 $0xFFFFF086  }
0x25: {  	[simem:s6], [sflag:s4] =	dma.local [hbm:s3], $0xF7A  }
0x26: {  	[smem:$0x3F8D] =	sst s1;
	(tag) =	ssettag s2;
	_ =	strace s9  }
0x27: {  	s1 =	sld [smem:$0x3F9D]  }
0x28: {  	s2 =	sld [smem:$0x3F9E]  }
0x29: {  	s4 =	sld [smem:$0x3FA0]  }
0x2a: {  	p0 =	seq.s32 s5, $0x0;
	s5 =	sld [smem:$0x3FA1]  }
0x2b: {  	s6 =	sld [smem:$0x3FA2]  }
0x2c: {  	s7 =	sld [smem:$0x3FA3]  }
0x2d: {  	s3 =	simm.s32 $0x108;
	s8 =	sld [smem:$0x3FA4]  }
0x2e: {  	s3 =	simm.s32 @!p0 $0x1082;
	s9 =	sld [smem:$0x3FA5]  }
0x2f: {  	lr =	sadd.s32 s0, s3;
	s0 =	sld [smem:$0x3F9C]  }
0x30: {  	s3 =	sld [smem:$0x3F9F]  }
0x31: {  	[smem:$0x3FA8] =	sst s10  }
0x32: {  	s10 =	sld [smem:$0x3FA6];
	_ =	sdelay $0x3  }
0x33: {  	p0 =	seq.s32 s10, $0x1;
	s10 =	sld [smem:$0x3FA8];
	_ =	sdelay $0x3  }
0x34: {  	[smem:$0x3FA8] =	sst s10  }
0x35: {  	s10 =	sld [smem:$0x3FA7];
	_ =	sdelay $0x3  }
0x36: {  	p1 =	seq.s32 s10, $0x1;
	s10 =	sld [smem:$0x3FA8];
	_ =	sdelay $0x3  }
0x37: {  	[smem:$0x3FA8] =	sst s10  }
0x38: {  	s10 =	sld [smem:$0x3FA9]  }
0x39: {  	_ = 	snop;
	(pc) =	sbr.ind lr, $3  }
0x3a: {  	_ = 	snop  }
0x3b: {  	_ = 	snop  }
0x3c: {  	p2 =	seq.s32 s10, $0x1;
	s10 =	sld [smem:$0x3FA8]  }
0x3d: {  	_ =	shalt  }
0x3e: {  	_ =	shalt  }
0x3f: {  	_ =	shalt  }
0x40: {  	_ =	shalt  }
0x41: {  	_ =	shalt  }
0x42: {  	_ =	shalt  }
0x43: {  	_ =	shalt  }
0x44: {  	_ =	shalt  }
0x45: {  	_ =	shalt  }
0x46: {  	_ =	shalt  }
0x47: {  	_ =	shalt  }
0x48: {  	_ =	shalt  }
0x49: {  	_ =	shalt  }
0x4a: {  	_ =	shalt  }
0x4b: {  	_ =	shalt  }
0x4c: {  	_ =	shalt  }
0x4d: {  	_ =	shalt  }
0x4e: {  	_ =	shalt  }
0x4f: {  	_ =	shalt  }
0x50: {  	_ =	shalt  }
0x51: {  	_ =	shalt  }
0x52: {  	_ =	shalt  }
0x53: {  	_ =	shalt  }
0x54: {  	_ =	shalt  }
0x55: {  	_ =	shalt  }
0x56: {  	_ =	shalt  }
0x57: {  	_ =	shalt  }
0x58: {  	_ =	shalt  }
0x59: {  	_ =	shalt  }
0x5a: {  	_ =	shalt  }
0x5b: {  	_ =	shalt  }
0x5c: {  	_ =	shalt  }
0x5d: {  	_ =	shalt  }
0x5e: {  	_ =	shalt  }
0x5f: {  	_ =	shalt  }
0x60: {  	_ =	shalt  }
0x61: {  	_ =	shalt  }
0x62: {  	_ =	shalt  }
0x63: {  	_ =	shalt  }
0x64: {  	_ =	shalt  }
0x65: {  	_ =	shalt  }
0x66: {  	_ =	shalt  }
0x67: {  	_ =	shalt  }
0x68: {  	_ =	shalt  }
0x69: {  	_ =	shalt  }
0x6a: {  	_ =	shalt  }
0x6b: {  	_ =	shalt  }
0x6c: {  	_ =	shalt  }
0x6d: {  	_ =	shalt  }
0x6e: {  	_ =	shalt  }
0x6f: {  	_ =	shalt  }
0x70: {  	_ =	shalt  }
0x71: {  	_ =	shalt  }
0x72: {  	_ =	shalt  }
0x73: {  	_ =	shalt  }
0x74: {  	_ =	shalt  }
0x75: {  	_ =	shalt  }
0x76: {  	_ =	shalt  }
0x77: {  	_ =	shalt  }
0x78: {  	_ =	shalt  }
0x79: {  	_ =	shalt  }
0x7a: {  	_ =	shalt  }
0x7b: {  	_ =	shalt  }
0x7c: {  	_ =	shalt  }
0x7d: {  	_ =	shalt  }
0x7e: {  	_ =	shalt  }
0x7f: {  	_ =	shalt  }
0x80: {  	_ =	shalt  }
0x81: {  	_ =	shalt  }
0x82: {  	_ =	shalt  }
0x83: {  	_ =	shalt  }
0x84: {  	_ =	shalt  }
0x85: {  	_ =	shalt  }
0x86: {  	_ =	shalt  }
0x87: {  	_ =	shalt  }
.Lfunc_end0:
.L_simem_size_0:
called_computation_lowered:
.L_overlay_start_0:
0x88: {  	s2 =	sld [smem:$0x3FD9]  }
0x89: {  	s3 =	sld [smem:$0x3FFE];
	_ =	sdelay $0x1  }
0x8a: {  	s1 =	srdreg.scid  }
0x8b: {  	s0 =	sand.u32 $0x1, s1  }
0x8c: {  	s16 =	sshll.u32 s0, $0xA;
	s2 =	sadd.s32 s3, s2  }
0x8d: {  	s2 =	sadd.s32 s2, s16  }
0x8e: {  	[smem:$0x3FB4] =	sst s2  }
0x8f: {  	_ = 	snop  }
0x90: {  	(tm) =	ssettm $0x1  }
0x91: {  	s17 =	sld [smem:$0x3FFB];
	_ =	sdelay $0x3  }
0x92: {  	_ =	strace s17  }
0x93: {  	s2 =	sld [smem:$0x3FFC];
	_ =	sdelay $0x3  }
0x94: {  	_ =	strace s2  }
0x95: {  	s2 =	sld [smem:$0x3FFD];
	_ =	sdelay $0x3  }
0x96: {  	_ =	strace s2  }
0x97: {  	_ =	strace $0x8FFFFFFF  }
0x98: {  	s18 =	sld [smem:$0x3FDB];
	_ =	sdelay $0x1  }
0x99: {  	s19 =	simm.s32 $_scs_section_size  }
0x9a: {  	s4 =	simm.s32 $_size__tile_overlayer_lowered;
	s5 =	simm.s32 $_tile_overlayer_lowered  }
0x9b: {  	s22 =	simm.s32 $0x1BFF;
	s21 =	sshll.u32 s5, $0x1;
	s2 =	sadd.s32 s19, s18  }
0x9c: {  	s6 =	simm.s32 $0x0;
	s20 =	sshll.u32 s4, $0x1;
	s4 =	sadd.s32 s21, s2  }
0x9d: {  	[timem:s6], [sflag:s22] =	dma.local [hbm:s4], s20  }
0x9e: {  	_ =	swait.ge [sflag:s22], s20  }
0x9f: {  	s3 =	ssub.s32 $0x0, s20;
	[sflag:s22] =	ssyncset.done $0x0  }
0xa0: {  	[sflag:s22] =	ssyncadd.s32 s3;
	_ =	sdelay $0x1  }
0xa1: {  	s23 =	simm.s32 $0x1B8B  }
0xa2: {  	_ =	swait.ge [sflag:s23], $0x1  }
0xa3: {  	[sflag:s23] =	ssyncset.done $0x0  }
0xa4: {  	s25 =	simm.s32 $0x1B8E;
	s24 =	sld [smem:$0x3FFE];
	[sflag:s23] =	ssyncadd.s32 $0xFFFFFFFF  }
0xa5: {  	s26 =	simm.s32 $execute0_lowered;
	[smem:$0x3FD2] =	sst s25  }
0xa6: {  	s4 =	sshll.u32 s26, $0x1;
	_ =	strace $0x80000046;
	[dreg:$0x1] =	wrdreg $0xFFFFFFFF  }
0xa7: {  	s28 =	simm.s32 $_size_execute0_lowered;
	s2 =	sadd.s32 s2, s4;
	[dreg:$0x0] =	wrdreg $0x0  }
0xa8: {  	s4 =	sshll.u32 s28, $0x1;
	[dreg:$0x2] =	wrdreg s2  }
0xa9: {  	[dreg:$0x3] =	wrdreg s4  }
0xaa: {  	[dreg:$0x4] =	wrdreg $0xC0  }
0xab: {  	_ =	task [dreg:s6], $0x5FFFF  }
0xac: {  	[dreg:$0x1] =	wrdreg $0xFFFFFFFF  }
0xad: {  	[dreg:$0x0] =	wrdreg $0x60  }
0xae: {  	[dreg:$0x2] =	wrdreg s24  }
0xaf: {  	[dreg:$0x3] =	wrdreg $0xA8000  }
0xb0: {  	[dreg:$0x4] =	wrdreg $0x9  }
0xb1: {  	_ =	task.clear_ibuf [dreg:s6], $0x5FFFF;
	_ =	strace $0x90000046  }
0xb2: {  	s29 =	simm.s32 $0x9;
	_ =	strace $0x80000048  }
0xb3: {  	_ =	swait.ge [sflag:s29], $0x1  }
0xb4: {  	[sflag:s29] =	ssyncadd.s32 $0xFFFFFFFF  }
0xb5: {  	_ =	strace $0x90000048  }
0xb6: {  	_ =	sfence  }
0xb7: {  	s30 =	sld [smem:$0x0];
	_ =	sdelay $0x2  }
0xb8: {  	s31 =	sshll.u32 s1, $0xD;
	s1 =	sshrl.u32 s1, $0x2  }
0xb9: {  	s3 =	sand.u32 $0x4000, s31;
	s1 =	sadd.s32 s1, s30  }
0xba: {  	s0 =	sor.u32 s3, s0;
	s1 =	sshll.u32 s1, $0x11  }
0xbb: {  	s0 =	sor.u32 s1, s0  }
0xbc: {  	s0 =	sadd.s32 $0x8F2B, s0  }
0xbd: {  	[sflag:s0] =	ssyncadd.remote.s32 $0x1  }
0xbe: {  	_ =	sfence.sel $0xFFFF  }
0xbf: {  	[dreg:$0x0] =	wrdreg $0xFFFFFFFF;
	(pc) =	sbr.abs _section_cstart, $3  }
0xc0: {  	[dreg:$0x1] =	wrdreg $0xFFFFFFFF  }
0xc1: {  	_ =	task.clear_ibuf [dreg:s6], $0x2FFFF;
	_ =	strace $0x9FFFFFFF  }
0xc2: {  	(tm) =	ssettm $0x7FFFFFFF  }
0xc3: {  	_ =	shalt  }
tec
execute0_lowered:
.L_overlay_start_1:
0x0: {  	(tag) =	ssettag $0x1  }
0x1: {  	s6 =	rddreg [dreg:$0x0]  }
0x2: {  	s1 =	rddreg [dreg:$0x1];
	s2 =	simm.s32 $0x0  }
0x3: {  	s3 =	srdreg.scid;
	s18 =	simm.s32 $0x80;
	s19 =	simm.s32 $0x2800  }
0x4: {  	s20 =	simm.s32 $0x6800;
	s21 =	simm.s32 $0x1;
	s23 =	simm.s32 $0x1380  }
0x5: {  	s24 =	simm.s32 $0x2700;
	s25 =	simm.s32 $0x2780;
	[smem:$0x7FF] =	sst s2  }
0x6: {  	s4 =	sadd.s32 $0x19200, s6;
	s7 =	sand.u32 $0x1, s3;
	s3 =	stileid.u32  }
0x7: {  	s8 =	sadd.s32 $0x5200, s6;
	s9 =	sadd.s32 $0xF200, s6;
	s12 =	smul.u32 $0x4F000, s3  }
0x8: {  	s14 =	sadd.s32 $0x6A200, s6;
	s16 =	sadd.s32 $0x128400, s1;
	s29 =	smul.u32 $0x27100, s7  }
0x9: {  	s22 =	simm.s32 $0x2;
	_ =	strace $0x80000047;
	s30 =	smul.u32 $0x138800, s7  }
0xa: {  	s5 =	sshll.u32 s7, $0x4;
	s10 =	ssub.s32 $0x2, s7;
	s17 =	smul.u32 $0x2780, s3  }
0xb: {  	p0 =	seq.s32 s3, $0xF;
	s11 =	sor.u32 s3, s5;
	s5 =	sadd.s32 $0x67A00, s6  }
0xc: {  	s13 =	sshrl.u32 s10, $0x1;
	s11 =	smul.u32 $0x2800, s11;
	s26 =	sshrl.u32 s12, $0x2  }
0xd: {  	s13 =	ssub.s32 s10, s13;
	s31 =	sshrl.u32 s30, $0x3;
	s15 =	sadd.s32 s26, s1  }
0xe: {  	s12 =	sadd.s32 s14, s31;
	s26 =	simm.s32 $0x0;
	s28 =	sshrl.u32 s11, $0x3  }
0xf: {  	s11 =	sadd.s32 s17, s29;
	s15 =	sshrl.u32 @!p0 s15, $0x3;
	s17 =	simm.s32 $0x1400  }
0x10: {  	s6 =	sadd.s32 s8, s28;
	s7 =	sadd.s32 s9, s28;
	s10 =	sadd.s32 $0x280, s28  }
0x11: {  	s8 =	sadd.s32 s8, s10;
	s9 =	sadd.s32 s9, s10;
	s10 =	sadd.s32 s14, s11  }
0x12: {  	s11 =	sadd.s32 $0x25080, s12;
	s14 =	sshll.u32 @!p0 s3, $0x6;
	s12 =	smax.u32 s13, $0x1  }
0x13: {  	s13 =	sshrl.u32 @p0 s16, $0x3;
	s16 =	simm.s32 $0x3;
	s14 =	sor.u32 @!p0 $0x1C03, s14  }
.LBB2_1:
0x14: {  	s28 =	simm.s32 @p0 $0x1FC3  }
0x15: {  	[spmem:s13], [sflag:s28] =	dma.local @p0 [hbm:s5], $0x2080  }
0x16: {  	s28 =	simm.s32 @p0 $0x3  }
0x17: {  	_ =	swait.ge @p0 [sflag:s28], $0x2080  }
0x18: {  	[sflag:s28] =	ssyncset.done @p0 $0x0  }
0x19: {  	[sflag:s28] =	ssyncadd.s32 @p0 $0xFFFFDF80;
	s28 =	simm.s32 @!p0 $0x3  }
0x1a: {  	[spmem:s15], [sflag:s14] =	dma.local @!p0 [hbm:s5], $0x2780  }
0x1b: {  	_ =	swait.ge @!p0 [sflag:s28], $0x2780  }
0x1c: {  	[sflag:s28] =	ssyncset.done @!p0 $0x0  }
0x1d: {  	[sflag:s28] =	ssyncadd.s32 @!p0 $0xFFFFD880  }
0x1e: {  	[bflag:$0x0] =	sbarrier.arrive $0xFFFF  }
0x1f: {  	[tilespmem:s2], [sflag:$0x3] =	stream.linear.gather [hbm4b:s6+s2], $0x1400, $0x38;
	[tilespmem:$0x1E080] =	vst v63  }
0x20: {  	_ =	swait.ge [sflag:s16], $0x1400  }
0x21: {  	[sflag:s16] =	ssyncset.done $0x0  }
0x22: {  	[sflag:s16] =	ssyncadd.s32 $0xFFFFEC00  }
0x23: {  	[tilespmem:s17], [sflag:$0x3] =	stream.linear.gather [hbm4b:s7+s2], $0x1400, $0x38;
	[tilespmem:$0x1E080] =	vst v63  }
0x24: {  	_ =	swait.ge [sflag:s16], $0x1400  }
0x25: {  	[sflag:s16] =	ssyncset.done $0x0  }
0x26: {  	[sflag:s16] =	ssyncadd.s32 $0xFFFFEC00  }
0x27: {  	[tilespmem:s19], [sflag:$0x1] =	stream.indirect.gather [hbm4b:s4+s18], $0x80, s2, s18, $0xb8;
	[tilespmem:$0x1E080] =	vst v63  }
0x28: {  	s28 =	simm.s32 $0x80  }
0x29: {  	[tilespmem:s20], [sflag:$0x2] =	stream.indirect.gather [hbm4b:s4+s18], $0x80, s28, s18, $0xb8;
	[tilespmem:$0x1E080] =	vst v63  }
0x2a: {  	_ =	swait.ge [sflag:s21], $0x4000  }
0x2b: {  	[sflag:s21] =	ssyncset.done $0x0  }
0x2c: {  	s28 =	simm.s32 $0x1400;
	[sflag:s21] =	ssyncadd.s32 $0xFFFFC000  }
0x2d: {  	[spmem:s1] =	stream.indirect.scatter.add.f32 [tilespmem:s19], [sflag:$0x3], $0x80, s28, s18, $0xb8;
	[tilespmem:$0x1E080] =	vst v63  }
0x2e: {  	_ =	swait.ge [sflag:s16], $0x4000  }
0x2f: {  	[sflag:s16] =	ssyncset.done $0x0  }
0x30: {  	s28 =	simm.s32 $0x100;
	[sflag:s16] =	ssyncadd.s32 $0xFFFFC000  }
0x31: {  	[tilespmem:s19], [sflag:$0x1] =	stream.indirect.gather [hbm4b:s4+s18], $0x80, s28, s18, $0xb8;
	[tilespmem:$0x1E080] =	vst v63  }
0x32: {  	_ =	swait.ge [sflag:s22], $0x4000  }
0x33: {  	[sflag:s22] =	ssyncset.done $0x0  }
0x34: {  	s28 =	simm.s32 $0x1480;
	[sflag:s22] =	ssyncadd.s32 $0xFFFFC000  }
0x35: {  	[spmem:s1] =	stream.indirect.scatter.add.f32 [tilespmem:s20], [sflag:$0x3], $0x80, s28, s18, $0xb8;
	[tilespmem:$0x1E080] =	vst v63  }
0x36: {  	_ =	swait.ge [sflag:s16], $0x4000  }
0x37: {  	s29 =	simm.s32 $0x800;
	s28 =	simm.s32 $0x100;
	[sflag:s16] =	ssyncset.done $0x0  }
.LBB2_2:
0x38: {  	s30 =	sadd.s32 $0x80, s28  }
0x39: {  	[sflag:s16] =	ssyncadd.s32 $0xFFFFC000;
	s31 =	smov.u32 s29;
	s0 =	sadd.s32 $0x400, s29  }
0x3a: {  	[tilespmem:s20], [sflag:$0x2] =	stream.indirect.gather [hbm4b:s4+s18], $0x80, s30, s18, $0xb8;
	[tilespmem:$0x1E080] =	vst v63  }
0x3b: {  	p1 =	sne.s32 s29, $0x4800;
	_ =	swait.ge [sflag:s21], $0x4000  }
0x3c: {  	[sflag:s21] =	ssyncset.done $0x0  }
0x3d: {  	s29 =	sadd.s32 $0x1400, s28;
	[sflag:s21] =	ssyncadd.s32 $0xFFFFC000  }
0x3e: {  	[spmem:s1] =	stream.indirect.scatter.add.f32 [tilespmem:s19], [sflag:$0x3], $0x80, s29, s18, $0xb8;
	[tilespmem:$0x1E080] =	vst v63  }
0x3f: {  	_ =	swait.ge [sflag:s16], $0x4000  }
0x40: {  	[sflag:s16] =	ssyncset.done $0x0  }
0x41: {  	s29 =	sadd.s32 $0x100, s28;
	[sflag:s16] =	ssyncadd.s32 $0xFFFFC000  }
0x42: {  	[tilespmem:s19], [sflag:$0x1] =	stream.indirect.gather [hbm4b:s4+s18], $0x80, s29, s18, $0xb8;
	[tilespmem:$0x1E080] =	vst v63  }
0x43: {  	_ =	swait.ge [sflag:s22], $0x4000  }
.Ltmp0:
0x44: {  	[sflag:s22] =	ssyncset.done $0x0;
	(pc) =	sbr.rel @p1 .LBB2_2-.Ltmp0, $4  }
0x45: {  	s28 =	sadd.s32 $0x1480, s28;
	[sflag:s22] =	ssyncadd.s32 $0xFFFFC000  }
0x46: {  	[spmem:s1] =	stream.indirect.scatter.add.f32 [tilespmem:s20], [sflag:$0x3], $0x80, s28, s18, $0xb8;
	[tilespmem:$0x1E080] =	vst v63  }
0x47: {  	_ =	swait.ge [sflag:s16], $0x4000  }
0x48: {  	s29 =	smov.u32 s0;
	s28 =	sshra.s32 s31, $0x2;
	[sflag:s16] =	ssyncset.done $0x0  }
0x49: {  	s0 =	sadd.s32 $0x80, s28;
	[sflag:s16] =	ssyncadd.s32 $0xFFFFC000  }
0x4a: {  	[tilespmem:s20], [sflag:$0x2] =	stream.indirect.gather [hbm4b:s4+s18], $0x80, s0, s18, $0xb8;
	[tilespmem:$0x1E080] =	vst v63  }
0x4b: {  	_ =	swait.ge [sflag:s21], $0x4000  }
0x4c: {  	[sflag:s21] =	ssyncset.done $0x0  }
0x4d: {  	s30 =	sadd.s32 $0x1400, s28;
	[sflag:s21] =	ssyncadd.s32 $0xFFFFC000  }
0x4e: {  	[spmem:s1] =	stream.indirect.scatter.add.f32 [tilespmem:s19], [sflag:$0x3], $0x80, s30, s18, $0xb8;
	[tilespmem:$0x1E080] =	vst v63  }
0x4f: {  	_ =	swait.ge [sflag:s16], $0x4000  }
0x50: {  	[sflag:s16] =	ssyncset.done $0x0  }
0x51: {  	s31 =	sadd.s32 $0x100, s28;
	[sflag:s16] =	ssyncadd.s32 $0xFFFFC000  }
0x52: {  	[tilespmem:s19], [sflag:$0x1] =	stream.indirect.gather [hbm4b:s4+s18], $0x80, s31, s18, $0xb8;
	[tilespmem:$0x1E080] =	vst v63  }
0x53: {  	_ =	swait.ge [sflag:s22], $0x4000  }
0x54: {  	[sflag:s22] =	ssyncset.done $0x0  }
0x55: {  	s30 =	sadd.s32 $0x1480, s28;
	[sflag:s22] =	ssyncadd.s32 $0xFFFFC000  }
0x56: {  	[spmem:s1] =	stream.indirect.scatter.add.f32 [tilespmem:s20], [sflag:$0x3], $0x80, s30, s18, $0xb8;
	[tilespmem:$0x1E080] =	vst v63  }
0x57: {  	_ =	swait.ge [sflag:s16], $0x4000  }
0x58: {  	[sflag:s16] =	ssyncset.done $0x0  }
0x59: {  	[sflag:s16] =	ssyncadd.s32 $0xFFFFC000  }
0x5a: {  	[tilespmem:s20], [sflag:$0x2] =	stream.indirect.gather [hbm4b:s4+s18], $0x80, s23, s18, $0xb8;
	[tilespmem:$0x1E080] =	vst v63  }
0x5b: {  	_ =	swait.ge [sflag:s21], $0x4000  }
0x5c: {  	[sflag:s21] =	ssyncset.done $0x0  }
0x5d: {  	[sflag:s21] =	ssyncadd.s32 $0xFFFFC000  }
0x5e: {  	[spmem:s1] =	stream.indirect.scatter.add.f32 [tilespmem:s19], [sflag:$0x3], $0x80, s24, s18, $0xb8;
	[tilespmem:$0x1E080] =	vst v63  }
0x5f: {  	_ =	swait.ge [sflag:s16], $0x4000  }
0x60: {  	[sflag:s16] =	ssyncset.done $0x0  }
0x61: {  	[sflag:s16] =	ssyncadd.s32 $0xFFFFC000  }
0x62: {  	_ =	swait.ge [sflag:s22], $0x4000  }
0x63: {  	[sflag:s22] =	ssyncset.done $0x0  }
0x64: {  	[sflag:s22] =	ssyncadd.s32 $0xFFFFC000  }
0x65: {  	[spmem:s1] =	stream.indirect.scatter.add.f32 [tilespmem:s20], [sflag:$0x3], $0x80, s25, s18, $0xb8;
	[tilespmem:$0x1E080] =	vst v63  }
0x66: {  	_ =	swait.ge [sflag:s16], $0x4000  }
0x67: {  	[sflag:s16] =	ssyncset.done $0x0  }
0x68: {  	s31 =	simm.s32 $0x0;
	[sflag:s16] =	ssyncadd.s32 $0xFFFFC000  }
0x69: {  	[tilespmem:s31], [sflag:$0x3] =	stream.linear.gather [hbm4b:s8+s31], $0x1400, $0x38;
	[tilespmem:$0x1E080] =	vst v63  }
0x6a: {  	_ =	swait.ge [sflag:s16], $0x1400  }
0x6b: {  	[sflag:s16] =	ssyncset.done $0x0  }
0x6c: {  	[sflag:s16] =	ssyncadd.s32 $0xFFFFEC00  }
0x6d: {  	[tilespmem:s17], [sflag:$0x3] =	stream.linear.gather [hbm4b:s9+s31], $0x1400, $0x38;
	[tilespmem:$0x1E080] =	vst v63  }
0x6e: {  	_ =	swait.ge [sflag:s16], $0x1400  }
0x6f: {  	[sflag:s16] =	ssyncset.done $0x0  }
0x70: {  	[sflag:s16] =	ssyncadd.s32 $0xFFFFEC00  }
0x71: {  	[tilespmem:s19], [sflag:$0x1] =	stream.indirect.gather [hbm4b:s4+s18], $0x80, s31, s18, $0xb8;
	[tilespmem:$0x1E080] =	vst v63  }
0x72: {  	s30 =	simm.s32 $0x80  }
0x73: {  	[tilespmem:s20], [sflag:$0x2] =	stream.indirect.gather [hbm4b:s4+s18], $0x80, s30, s18, $0xb8;
	[tilespmem:$0x1E080] =	vst v63  }
0x74: {  	_ =	swait.ge [sflag:s21], $0x4000  }
0x75: {  	[sflag:s21] =	ssyncset.done $0x0  }
0x76: {  	s31 =	simm.s32 $0x1400;
	[sflag:s21] =	ssyncadd.s32 $0xFFFFC000  }
0x77: {  	[spmem:s1] =	stream.indirect.scatter.add.f32 [tilespmem:s19], [sflag:$0x3], $0x80, s31, s18, $0xb8;
	[tilespmem:$0x1E080] =	vst v63  }
0x78: {  	_ =	swait.ge [sflag:s16], $0x4000  }
0x79: {  	[sflag:s16] =	ssyncset.done $0x0  }
0x7a: {  	s30 =	simm.s32 $0x100;
	[sflag:s16] =	ssyncadd.s32 $0xFFFFC000  }
0x7b: {  	[tilespmem:s19], [sflag:$0x1] =	stream.indirect.gather [hbm4b:s4+s18], $0x80, s30, s18, $0xb8;
	[tilespmem:$0x1E080] =	vst v63  }
0x7c: {  	_ =	swait.ge [sflag:s22], $0x4000  }
0x7d: {  	[sflag:s22] =	ssyncset.done $0x0  }
0x7e: {  	s31 =	simm.s32 $0x1480;
	[sflag:s22] =	ssyncadd.s32 $0xFFFFC000  }
0x7f: {  	[spmem:s1] =	stream.indirect.scatter.add.f32 [tilespmem:s20], [sflag:$0x3], $0x80, s31, s18, $0xb8;
	[tilespmem:$0x1E080] =	vst v63  }
0x80: {  	_ =	swait.ge [sflag:s16], $0x4000  }
0x81: {  	s29 =	simm.s32 $0x800;
	s28 =	simm.s32 $0x100;
	[sflag:s16] =	ssyncset.done $0x0  }
.LBB2_4:
0x82: {  	s0 =	sadd.s32 $0x80, s28  }
0x83: {  	[sflag:s16] =	ssyncadd.s32 $0xFFFFC000;
	s30 =	smov.u32 s29;
	s31 =	sadd.s32 $0x400, s29  }
0x84: {  	[tilespmem:s20], [sflag:$0x2] =	stream.indirect.gather [hbm4b:s4+s18], $0x80, s0, s18, $0xb8;
	[tilespmem:$0x1E080] =	vst v63  }
0x85: {  	p1 =	sne.s32 s29, $0x4800;
	_ =	swait.ge [sflag:s21], $0x4000  }
0x86: {  	[sflag:s21] =	ssyncset.done $0x0  }
0x87: {  	s0 =	sadd.s32 $0x1400, s28;
	[sflag:s21] =	ssyncadd.s32 $0xFFFFC000  }
0x88: {  	[spmem:s1] =	stream.indirect.scatter.add.f32 [tilespmem:s19], [sflag:$0x3], $0x80, s0, s18, $0xb8;
	[tilespmem:$0x1E080] =	vst v63  }
0x89: {  	_ =	swait.ge [sflag:s16], $0x4000  }
0x8a: {  	[sflag:s16] =	ssyncset.done $0x0  }
0x8b: {  	s0 =	sadd.s32 $0x100, s28;
	[sflag:s16] =	ssyncadd.s32 $0xFFFFC000  }
0x8c: {  	[tilespmem:s19], [sflag:$0x1] =	stream.indirect.gather [hbm4b:s4+s18], $0x80, s0, s18, $0xb8;
	[tilespmem:$0x1E080] =	vst v63  }
0x8d: {  	_ =	swait.ge [sflag:s22], $0x4000  }
.Ltmp1:
0x8e: {  	[sflag:s22] =	ssyncset.done $0x0;
	(pc) =	sbr.rel @p1 .LBB2_4-.Ltmp1, $4  }
0x8f: {  	s0 =	sadd.s32 $0x1480, s28;
	[sflag:s22] =	ssyncadd.s32 $0xFFFFC000  }
0x90: {  	[spmem:s1] =	stream.indirect.scatter.add.f32 [tilespmem:s20], [sflag:$0x3], $0x80, s0, s18, $0xb8;
	[tilespmem:$0x1E080] =	vst v63  }
0x91: {  	_ =	swait.ge [sflag:s16], $0x4000  }
0x92: {  	s29 =	smov.u32 s31;
	s28 =	sshra.s32 s30, $0x2;
	[sflag:s16] =	ssyncset.done $0x0  }
0x93: {  	s0 =	sadd.s32 $0x80, s28;
	[sflag:s16] =	ssyncadd.s32 $0xFFFFC000  }
0x94: {  	[tilespmem:s20], [sflag:$0x2] =	stream.indirect.gather [hbm4b:s4+s18], $0x80, s0, s18, $0xb8;
	[tilespmem:$0x1E080] =	vst v63  }
0x95: {  	_ =	swait.ge [sflag:s21], $0x4000  }
0x96: {  	[sflag:s21] =	ssyncset.done $0x0  }
0x97: {  	s29 =	sadd.s32 $0x1400, s28;
	[sflag:s21] =	ssyncadd.s32 $0xFFFFC000  }
0x98: {  	[spmem:s1] =	stream.indirect.scatter.add.f32 [tilespmem:s19], [sflag:$0x3], $0x80, s29, s18, $0xb8;
	[tilespmem:$0x1E080] =	vst v63  }
0x99: {  	_ =	swait.ge [sflag:s16], $0x4000  }
0x9a: {  	[sflag:s16] =	ssyncset.done $0x0  }
0x9b: {  	s30 =	sadd.s32 $0x100, s28;
	[sflag:s16] =	ssyncadd.s32 $0xFFFFC000  }
0x9c: {  	[tilespmem:s19], [sflag:$0x1] =	stream.indirect.gather [hbm4b:s4+s18], $0x80, s30, s18, $0xb8;
	[tilespmem:$0x1E080] =	vst v63  }
0x9d: {  	_ =	swait.ge [sflag:s22], $0x4000  }
0x9e: {  	[sflag:s22] =	ssyncset.done $0x0  }
0x9f: {  	s31 =	sadd.s32 $0x1480, s28;
	[sflag:s22] =	ssyncadd.s32 $0xFFFFC000  }
0xa0: {  	[spmem:s1] =	stream.indirect.scatter.add.f32 [tilespmem:s20], [sflag:$0x3], $0x80, s31, s18, $0xb8;
	[tilespmem:$0x1E080] =	vst v63  }
0xa1: {  	_ =	swait.ge [sflag:s16], $0x4000  }
0xa2: {  	[sflag:s16] =	ssyncset.done $0x0  }
0xa3: {  	[sflag:s16] =	ssyncadd.s32 $0xFFFFC000  }
0xa4: {  	[tilespmem:s20], [sflag:$0x2] =	stream.indirect.gather [hbm4b:s4+s18], $0x80, s23, s18, $0xb8;
	[tilespmem:$0x1E080] =	vst v63  }
0xa5: {  	_ =	swait.ge [sflag:s21], $0x4000  }
0xa6: {  	[sflag:s21] =	ssyncset.done $0x0  }
0xa7: {  	[sflag:s21] =	ssyncadd.s32 $0xFFFFC000  }
0xa8: {  	[spmem:s1] =	stream.indirect.scatter.add.f32 [tilespmem:s19], [sflag:$0x3], $0x80, s24, s18, $0xb8;
	[tilespmem:$0x1E080] =	vst v63  }
0xa9: {  	_ =	swait.ge [sflag:s16], $0x4000  }
0xaa: {  	[sflag:s16] =	ssyncset.done $0x0  }
0xab: {  	[sflag:s16] =	ssyncadd.s32 $0xFFFFC000  }
0xac: {  	_ =	swait.ge [sflag:s22], $0x4000  }
0xad: {  	[sflag:s22] =	ssyncset.done $0x0  }
0xae: {  	[sflag:s22] =	ssyncadd.s32 $0xFFFFC000  }
0xaf: {  	[spmem:s1] =	stream.indirect.scatter.add.f32 [tilespmem:s20], [sflag:$0x3], $0x80, s25, s18, $0xb8;
	[tilespmem:$0x1E080] =	vst v63  }
0xb0: {  	_ =	swait.ge [sflag:s16], $0x4000  }
0xb1: {  	[sflag:s16] =	ssyncset.done $0x0  }
0xb2: {  	[sflag:s16] =	ssyncadd.s32 $0xFFFFC000  }
0xb3: {  	s0 =	simm.s32 @p0 $0x1FC3;
	[bflag:$0x0] =	sbarrier.arrive $0xFFFF  }
0xb4: {  	[hbm:s11], [sflag:s0] =	dma.local @p0 [spmem:s13], $0x2080  }
0xb5: {  	s0 =	simm.s32 @p0 $0x3  }
0xb6: {  	s26 =	sadd.s32 $0x1, s26;
	_ =	swait.ge @p0 [sflag:s0], $0x2080  }
0xb7: {  	p1 =	sne.s32 s26, s12;
	[sflag:s0] =	ssyncset.done @p0 $0x0  }
.Ltmp2:
0xb8: {  	[sflag:s0] =	ssyncadd.s32 @p0 $0xFFFFDF80;
	s0 =	simm.s32 @!p0 $0x3;
	(pc) =	sbr.rel @p1 .LBB2_1-.Ltmp2, $4  }
0xb9: {  	[hbm:s10], [sflag:s14] =	dma.local @!p0 [spmem:s15], $0x2780  }
0xba: {  	_ =	swait.ge @!p0 [sflag:s0], $0x2780  }
0xbb: {  	[sflag:s0] =	ssyncset.done @!p0 $0x0  }
0xbc: {  	[sflag:s0] =	ssyncadd.s32 @!p0 $0xFFFFD880  }
0xbd: {  	_ =	sfence.sel $0x180000  }
0xbe: {  	[bflag:$0x0] =	sbarrier.arrive $0xFFFF  }
0xbf: {  	_ =	strace $0x90000047  }
0xc0: {  	[bflag:$0x2] =	sbarrier.arrive $0xFFFF  }
0xc1: {  	p0 =	sne.s32 s3, $0x0;
	s0 =	rddreg [dreg:$0x2]  }
0xc2: {  	s0 =	sadd.s32 @!p0 $0x100000, s0  }
0xc3: {  	[sflag:s0] =	ssyncadd.tile.s32 @!p0 $0x1;
	_ =	shalt  }
.Lfunc_end2:
_tile_overlayer_lowered:
.L_overlay_start_2:
0xc4: {  	(tag) =	ssettag $0x2  }
0xc5: {  	s0 =	rddreg [dreg:$0x0];
	s2 =	stileid.u32  }
0xc6: {  	s1 =	rddreg [dreg:$0x1];
	p0 =	sne.s32 s2, $0x0  }
0xc7: {  	s3 =	rddreg [dreg:$0x2];
	[bflag:$0x3] =	sbarrier.arrive $0xFFFF;
	s2 =	simm.s32 @!p0 $0x1C03  }
0xc8: {  	[timem:s3], [sflag:s2] =	dma.local @!p0 [hbm:s0], s1  }
0xc9: {  	s0 =	simm.s32 @!p0 $0x3  }
0xca: {  	_ =	swait.ge @!p0 [sflag:s0], s1  }
0xcb: {  	s1 =	ssub.s32 @!p0 $0x0, s1;
	[sflag:s0] =	ssyncset.done @!p0 $0x0  }
0xcc: {  	[sflag:s0] =	ssyncadd.s32 @!p0 s1  }
0xcd: {  	[bflag:$0x3] =	sbarrier.arrive $0xFFFF  }
0xce: {  	_ =	shalt  }

// kernel: kernel.15.cloned.1.call-start
scs
__scs_entry_jumppad:
0x0: {  	(pc) =	sbr.rel $0x88, $3  }
0x1: {  	(tag) =	ssettag $0x0;
	lr =	simm.s32 $0x1  }
0x2: {  	[smem:$0x3F8D] =	sst lr;
	_ =	strace $0xD0000000  }
0x3: {  	_ = 	snop  }
0x4: {  	_ = 	snop  }
0x5: {  	_ = 	snop  }
0x6: {  	_ = 	snop  }
0x7: {  	_ = 	snop  }
__scs_overlays_trampoline_lowered:
0x8: {  	[smem:$0x3F9C] =	sst s0  }
0x9: {  	[smem:$0x3F9D] =	sst s1  }
0xa: {  	[smem:$0x3F9E] =	sst s2  }
0xb: {  	[smem:$0x3F9F] =	sst s3  }
0xc: {  	[smem:$0x3FA0] =	sst s4  }
0xd: {  	[smem:$0x3FA1] =	sst s5  }
0xe: {  	[smem:$0x3FA2] =	sst s6  }
0xf: {  	[smem:$0x3FA3] =	sst s7  }
0x10: {  	[smem:$0x3FA4] =	sst s8  }
0x11: {  	[smem:$0x3FA5] =	sst s9;
	s0 =	simm.s32 @!p0 $0x0  }
0x12: {  	s1 =	sld [smem:$0x3F8B];
	s0 =	simm.s32 @p0 $0x1  }
0x13: {  	[smem:$0x3FA6] =	sst s0;
	s0 =	simm.s32 @!p1 $0x0  }
0x14: {  	s2 =	sld [smem:$0x3F8A];
	s0 =	simm.s32 @p1 $0x1  }
0x15: {  	[smem:$0x3FA7] =	sst s0;
	s0 =	simm.s32 @!p2 $0x0  }
0x16: {  	s3 =	sld [smem:$0x3FDB];
	s0 =	simm.s32 @p2 $0x1  }
0x17: {  	s4 =	simm.s32 $0x1BF5;
	[smem:$0x3FA9] =	sst s0  }
0x18: {  	s0 =	sld [smem:$0x3F8C];
	_ =	swait.ge [sflag:s4], $0x0  }
0x19: {  	s7 =	sld [smem:$0x3F8D]  }
0x1a: {  	s8 =	sadd.s32 $0xFFFFE003, lr  }
0x1b: {  	s9 =	sadd.s32 $0xFFFFFEF7, lr;
	s5 =	simm.s32 $0xFFFFFFFF;
	p2 =	slt.u32 s8, $0xFFFFF086  }
0x1c: {  	p1 =	slt.u32 s9, $0xF7A;
	s5 =	simm.s32 @!p2 $0x0  }
0x1d: {  	s5 =	simm.s32 @p1 $0x1;
	p0 =	seq.s32 s7, s2  }
0x1e: {  	s7 =	smul.u32 @!p0 $0xF7A, s2;
	p2 =	seq.s32 @!p0 s5, $0x0  }
0x1f: {  	s9 =	smul.u32 $0xF7A, s1;
	s8 =	simm.s32 @!p0 $0x1BF5;
	p2 =	por !p2, p0  }
0x20: {  	[sflag:s8] =	ssyncset.s32 @!p0 $0xFFFFF086;
	s6 =	sadd.s32 @!p0 s3, s7;
	s7 =	simm.s32 @!p0 $0x108  }
0x21: {  	s3 =	sadd.s32 s3, s9;
	s6 =	sadd.s32 @!p0 $0x88, s6;
	s7 =	simm.s32 @p2 $0x1082  }
0x22: {  	[simem:s7], [sflag:s8] =	dma.local @!p0 [hbm:s6], $0xF7A  }
0x23: {  	s9 =	sor.u32 $0xD0000000, s2;
	s6 =	simm.s32 $0x108;
	_ =	swait.ge @!p0 [sflag:s8], $0x0  }
0x24: {  	s3 =	sadd.s32 $0x88, s3;
	s6 =	simm.s32 @!p1 $0x1082;
	[sflag:s4] =	ssyncset.s32 $0xFFFFF086  }
0x25: {  	[simem:s6], [sflag:s4] =	dma.local [hbm:s3], $0xF7A  }
0x26: {  	[smem:$0x3F8D] =	sst s1;
	(tag) =	ssettag s2;
	_ =	strace s9  }
0x27: {  	s1 =	sld [smem:$0x3F9D]  }
0x28: {  	s2 =	sld [smem:$0x3F9E]  }
0x29: {  	s4 =	sld [smem:$0x3FA0]  }
0x2a: {  	p0 =	seq.s32 s5, $0x0;
	s5 =	sld [smem:$0x3FA1]  }
0x2b: {  	s6 =	sld [smem:$0x3FA2]  }
0x2c: {  	s7 =	sld [smem:$0x3FA3]  }
0x2d: {  	s3 =	simm.s32 $0x108;
	s8 =	sld [smem:$0x3FA4]  }
0x2e: {  	s3 =	simm.s32 @!p0 $0x1082;
	s9 =	sld [smem:$0x3FA5]  }
0x2f: {  	lr =	sadd.s32 s0, s3;
	s0 =	sld [smem:$0x3F9C]  }
0x30: {  	s3 =	sld [smem:$0x3F9F]  }
0x31: {  	[smem:$0x3FA8] =	sst s10  }
0x32: {  	s10 =	sld [smem:$0x3FA6];
	_ =	sdelay $0x3  }
0x33: {  	p0 =	seq.s32 s10, $0x1;
	s10 =	sld [smem:$0x3FA8];
	_ =	sdelay $0x3  }
0x34: {  	[smem:$0x3FA8] =	sst s10  }
0x35: {  	s10 =	sld [smem:$0x3FA7];
	_ =	sdelay $0x3  }
0x36: {  	p1 =	seq.s32 s10, $0x1;
	s10 =	sld [smem:$0x3FA8];
	_ =	sdelay $0x3  }
0x37: {  	[smem:$0x3FA8] =	sst s10  }
0x38: {  	s10 =	sld [smem:$0x3FA9]  }
0x39: {  	_ = 	snop;
	(pc) =	sbr.ind lr, $3  }
0x3a: {  	_ = 	snop  }
0x3b: {  	_ = 	snop  }
0x3c: {  	p2 =	seq.s32 s10, $0x1;
	s10 =	sld [smem:$0x3FA8]  }
0x3d: {  	_ =	shalt  }
0x3e: {  	_ =	shalt  }
0x3f: {  	_ =	shalt  }
0x40: {  	_ =	shalt  }
0x41: {  	_ =	shalt  }
0x42: {  	_ =	shalt  }
0x43: {  	_ =	shalt  }
0x44: {  	_ =	shalt  }
0x45: {  	_ =	shalt  }
0x46: {  	_ =	shalt  }
0x47: {  	_ =	shalt  }
0x48: {  	_ =	shalt  }
0x49: {  	_ =	shalt  }
0x4a: {  	_ =	shalt  }
0x4b: {  	_ =	shalt  }
0x4c: {  	_ =	shalt  }
0x4d: {  	_ =	shalt  }
0x4e: {  	_ =	shalt  }
0x4f: {  	_ =	shalt  }
0x50: {  	_ =	shalt  }
0x51: {  	_ =	shalt  }
0x52: {  	_ =	shalt  }
0x53: {  	_ =	shalt  }
0x54: {  	_ =	shalt  }
0x55: {  	_ =	shalt  }
0x56: {  	_ =	shalt  }
0x57: {  	_ =	shalt  }
0x58: {  	_ =	shalt  }
0x59: {  	_ =	shalt  }
0x5a: {  	_ =	shalt  }
0x5b: {  	_ =	shalt  }
0x5c: {  	_ =	shalt  }
0x5d: {  	_ =	shalt  }
0x5e: {  	_ =	shalt  }
0x5f: {  	_ =	shalt  }
0x60: {  	_ =	shalt  }
0x61: {  	_ =	shalt  }
0x62: {  	_ =	shalt  }
0x63: {  	_ =	shalt  }
0x64: {  	_ =	shalt  }
0x65: {  	_ =	shalt  }
0x66: {  	_ =	shalt  }
0x67: {  	_ =	shalt  }
0x68: {  	_ =	shalt  }
0x69: {  	_ =	shalt  }
0x6a: {  	_ =	shalt  }
0x6b: {  	_ =	shalt  }
0x6c: {  	_ =	shalt  }
0x6d: {  	_ =	shalt  }
0x6e: {  	_ =	shalt  }
0x6f: {  	_ =	shalt  }
0x70: {  	_ =	shalt  }
0x71: {  	_ =	shalt  }
0x72: {  	_ =	shalt  }
0x73: {  	_ =	shalt  }
0x74: {  	_ =	shalt  }
0x75: {  	_ =	shalt  }
0x76: {  	_ =	shalt  }
0x77: {  	_ =	shalt  }
0x78: {  	_ =	shalt  }
0x79: {  	_ =	shalt  }
0x7a: {  	_ =	shalt  }
0x7b: {  	_ =	shalt  }
0x7c: {  	_ =	shalt  }
0x7d: {  	_ =	shalt  }
0x7e: {  	_ =	shalt  }
0x7f: {  	_ =	shalt  }
0x80: {  	_ =	shalt  }
0x81: {  	_ =	shalt  }
0x82: {  	_ =	shalt  }
0x83: {  	_ =	shalt  }
0x84: {  	_ =	shalt  }
0x85: {  	_ =	shalt  }
0x86: {  	_ =	shalt  }
0x87: {  	_ =	shalt  }
.Lfunc_end0:
.L_simem_size_0:
called_computation.1_lowered:
.L_overlay_start_0:
0x88: {  	s2 =	sld [smem:$0x3FD9]  }
0x89: {  	s3 =	sld [smem:$0x3FFE];
	_ =	sdelay $0x1  }
0x8a: {  	s1 =	srdreg.scid  }
0x8b: {  	s0 =	sand.u32 $0x1, s1  }
0x8c: {  	s16 =	sshll.u32 s0, $0xA;
	s2 =	sadd.s32 s3, s2  }
0x8d: {  	s2 =	sadd.s32 s2, s16  }
0x8e: {  	[smem:$0x3FB4] =	sst s2  }
0x8f: {  	_ = 	snop  }
0x90: {  	(tm) =	ssettm $0x1  }
0x91: {  	s17 =	sld [smem:$0x3FFB];
	_ =	sdelay $0x3  }
0x92: {  	_ =	strace s17  }
0x93: {  	s2 =	sld [smem:$0x3FFC];
	_ =	sdelay $0x3  }
0x94: {  	_ =	strace s2  }
0x95: {  	s2 =	sld [smem:$0x3FFD];
	_ =	sdelay $0x3  }
0x96: {  	_ =	strace s2  }
0x97: {  	_ =	strace $0x8FFFFFFF  }
0x98: {  	s18 =	sld [smem:$0x3FDB];
	_ =	sdelay $0x1  }
0x99: {  	s19 =	simm.s32 $_scs_section_size  }
0x9a: {  	s4 =	simm.s32 $_size__tile_overlayer_lowered;
	s5 =	simm.s32 $_tile_overlayer_lowered  }
0x9b: {  	s22 =	simm.s32 $0x1BFF;
	s21 =	sshll.u32 s5, $0x1;
	s2 =	sadd.s32 s19, s18  }
0x9c: {  	s6 =	simm.s32 $0x0;
	s20 =	sshll.u32 s4, $0x1;
	s4 =	sadd.s32 s21, s2  }
0x9d: {  	[timem:s6], [sflag:s22] =	dma.local [hbm:s4], s20  }
0x9e: {  	_ =	swait.ge [sflag:s22], s20  }
0x9f: {  	s3 =	ssub.s32 $0x0, s20;
	[sflag:s22] =	ssyncset.done $0x0  }
0xa0: {  	[sflag:s22] =	ssyncadd.s32 s3;
	_ =	sdelay $0x1  }
0xa1: {  	s23 =	simm.s32 $0x1B8B  }
0xa2: {  	_ =	swait.ge [sflag:s23], $0x1  }
0xa3: {  	[sflag:s23] =	ssyncset.done $0x0  }
0xa4: {  	s25 =	simm.s32 $0x1B8E;
	s24 =	sld [smem:$0x3FFE];
	[sflag:s23] =	ssyncadd.s32 $0xFFFFFFFF  }
0xa5: {  	s26 =	simm.s32 $execute0_lowered;
	[smem:$0x3FD2] =	sst s25  }
0xa6: {  	s4 =	sshll.u32 s26, $0x1;
	_ =	strace $0x80000049;
	[dreg:$0x1] =	wrdreg $0xFFFFFFFF  }
0xa7: {  	s28 =	simm.s32 $_size_execute0_lowered;
	s2 =	sadd.s32 s2, s4;
	[dreg:$0x0] =	wrdreg $0x0  }
0xa8: {  	s4 =	sshll.u32 s28, $0x1;
	[dreg:$0x2] =	wrdreg s2  }
0xa9: {  	[dreg:$0x3] =	wrdreg s4  }
0xaa: {  	[dreg:$0x4] =	wrdreg $0xC0  }
0xab: {  	_ =	task [dreg:s6], $0x5FFFF  }
0xac: {  	[dreg:$0x1] =	wrdreg $0xFFFFFFFF  }
0xad: {  	[dreg:$0x0] =	wrdreg $0x60  }
0xae: {  	[dreg:$0x2] =	wrdreg s24  }
0xaf: {  	[dreg:$0x3] =	wrdreg $0xA8000  }
0xb0: {  	[dreg:$0x4] =	wrdreg $0x9  }
0xb1: {  	_ =	task.clear_ibuf [dreg:s6], $0x5FFFF;
	_ =	strace $0x90000049  }
0xb2: {  	s29 =	simm.s32 $0x9;
	_ =	strace $0x8000004B  }
0xb3: {  	_ =	swait.ge [sflag:s29], $0x1  }
0xb4: {  	[sflag:s29] =	ssyncadd.s32 $0xFFFFFFFF  }
0xb5: {  	_ =	strace $0x9000004B  }
0xb6: {  	_ =	sfence  }
0xb7: {  	s30 =	sld [smem:$0x0];
	_ =	sdelay $0x2  }
0xb8: {  	s31 =	sshll.u32 s1, $0xD;
	s1 =	sshrl.u32 s1, $0x2  }
0xb9: {  	s3 =	sand.u32 $0x4000, s31;
	s1 =	sadd.s32 s1, s30  }
0xba: {  	s0 =	sor.u32 s3, s0;
	s1 =	sshll.u32 s1, $0x11  }
0xbb: {  	s0 =	sor.u32 s1, s0  }
0xbc: {  	s0 =	sadd.s32 $0x8F2B, s0  }
0xbd: {  	[sflag:s0] =	ssyncadd.remote.s32 $0x1  }
0xbe: {  	_ =	sfence.sel $0xFFFF  }
0xbf: {  	[dreg:$0x0] =	wrdreg $0xFFFFFFFF;
	(pc) =	sbr.abs _section_cstart, $3  }
0xc0: {  	[dreg:$0x1] =	wrdreg $0xFFFFFFFF  }
0xc1: {  	_ =	task.clear_ibuf [dreg:s6], $0x2FFFF;
	_ =	strace $0x9FFFFFFF  }
0xc2: {  	(tm) =	ssettm $0x7FFFFFFF  }
0xc3: {  	_ =	shalt  }
tec
execute0_lowered:
.L_overlay_start_1:
0x0: {  	(tag) =	ssettag $0x1  }
0x1: {  	s6 =	rddreg [dreg:$0x0]  }
0x2: {  	s1 =	rddreg [dreg:$0x1];
	s2 =	simm.s32 $0x0  }
0x3: {  	s3 =	srdreg.scid;
	s18 =	simm.s32 $0x80;
	s19 =	simm.s32 $0x2800  }
0x4: {  	s20 =	simm.s32 $0x6800;
	s21 =	simm.s32 $0x1;
	s23 =	simm.s32 $0x1380  }
0x5: {  	s24 =	simm.s32 $0x2700;
	s25 =	simm.s32 $0x2780;
	[smem:$0x7FF] =	sst s2  }
0x6: {  	s4 =	sadd.s32 $0x19200, s6;
	s7 =	sand.u32 $0x1, s3;
	s3 =	stileid.u32  }
0x7: {  	s8 =	sadd.s32 $0x5200, s6;
	s9 =	sadd.s32 $0xF200, s6;
	s12 =	smul.u32 $0x4F000, s3  }
0x8: {  	s14 =	sadd.s32 $0x6A200, s6;
	s16 =	sadd.s32 $0x128400, s1;
	s29 =	smul.u32 $0x27100, s7  }
0x9: {  	s22 =	simm.s32 $0x2;
	_ =	strace $0x8000004A;
	s30 =	smul.u32 $0x138800, s7  }
0xa: {  	s5 =	sshll.u32 s7, $0x4;
	s10 =	ssub.s32 $0x2, s7;
	s17 =	smul.u32 $0x2780, s3  }
0xb: {  	p0 =	seq.s32 s3, $0xF;
	s11 =	sor.u32 s3, s5;
	s5 =	sadd.s32 $0x67A00, s6  }
0xc: {  	s13 =	sshrl.u32 s10, $0x1;
	s11 =	smul.u32 $0x2800, s11;
	s26 =	sshrl.u32 s12, $0x2  }
0xd: {  	s13 =	ssub.s32 s10, s13;
	s31 =	sshrl.u32 s30, $0x3;
	s15 =	sadd.s32 s26, s1  }
0xe: {  	s12 =	sadd.s32 s14, s31;
	s26 =	simm.s32 $0x0;
	s28 =	sshrl.u32 s11, $0x3  }
0xf: {  	s11 =	sadd.s32 s17, s29;
	s15 =	sshrl.u32 @!p0 s15, $0x3;
	s17 =	simm.s32 $0x1400  }
0x10: {  	s6 =	sadd.s32 s8, s28;
	s7 =	sadd.s32 s9, s28;
	s10 =	sadd.s32 $0x280, s28  }
0x11: {  	s8 =	sadd.s32 s8, s10;
	s9 =	sadd.s32 s9, s10;
	s10 =	sadd.s32 s14, s11  }
0x12: {  	s11 =	sadd.s32 $0x25080, s12;
	s14 =	sshll.u32 @!p0 s3, $0x6;
	s12 =	smax.u32 s13, $0x1  }
0x13: {  	s13 =	sshrl.u32 @p0 s16, $0x3;
	s16 =	simm.s32 $0x3;
	s14 =	sor.u32 @!p0 $0x1C03, s14  }
.LBB2_1:
0x14: {  	s28 =	simm.s32 @p0 $0x1FC3  }
0x15: {  	[spmem:s13], [sflag:s28] =	dma.local @p0 [hbm:s5], $0x2080  }
0x16: {  	s28 =	simm.s32 @p0 $0x3  }
0x17: {  	_ =	swait.ge @p0 [sflag:s28], $0x2080  }
0x18: {  	[sflag:s28] =	ssyncset.done @p0 $0x0  }
0x19: {  	[sflag:s28] =	ssyncadd.s32 @p0 $0xFFFFDF80;
	s28 =	simm.s32 @!p0 $0x3  }
0x1a: {  	[spmem:s15], [sflag:s14] =	dma.local @!p0 [hbm:s5], $0x2780  }
0x1b: {  	_ =	swait.ge @!p0 [sflag:s28], $0x2780  }
0x1c: {  	[sflag:s28] =	ssyncset.done @!p0 $0x0  }
0x1d: {  	[sflag:s28] =	ssyncadd.s32 @!p0 $0xFFFFD880  }
0x1e: {  	[bflag:$0x0] =	sbarrier.arrive $0xFFFF  }
0x1f: {  	[tilespmem:s2], [sflag:$0x3] =	stream.linear.gather [hbm4b:s6+s2], $0x1400, $0x38;
	[tilespmem:$0x1E080] =	vst v63  }
0x20: {  	_ =	swait.ge [sflag:s16], $0x1400  }
0x21: {  	[sflag:s16] =	ssyncset.done $0x0  }
0x22: {  	[sflag:s16] =	ssyncadd.s32 $0xFFFFEC00  }
0x23: {  	[tilespmem:s17], [sflag:$0x3] =	stream.linear.gather [hbm4b:s7+s2], $0x1400, $0x38;
	[tilespmem:$0x1E080] =	vst v63  }
0x24: {  	_ =	swait.ge [sflag:s16], $0x1400  }
0x25: {  	[sflag:s16] =	ssyncset.done $0x0  }
0x26: {  	[sflag:s16] =	ssyncadd.s32 $0xFFFFEC00  }
0x27: {  	[tilespmem:s19], [sflag:$0x1] =	stream.indirect.gather [hbm4b:s4+s18], $0x80, s2, s18, $0xb8;
	[tilespmem:$0x1E080] =	vst v63  }
0x28: {  	s28 =	simm.s32 $0x80  }
0x29: {  	[tilespmem:s20], [sflag:$0x2] =	stream.indirect.gather [hbm4b:s4+s18], $0x80, s28, s18, $0xb8;
	[tilespmem:$0x1E080] =	vst v63  }
0x2a: {  	_ =	swait.ge [sflag:s21], $0x4000  }
0x2b: {  	[sflag:s21] =	ssyncset.done $0x0  }
0x2c: {  	s28 =	simm.s32 $0x1400;
	[sflag:s21] =	ssyncadd.s32 $0xFFFFC000  }
0x2d: {  	[spmem:s1] =	stream.indirect.scatter.add.f32 [tilespmem:s19], [sflag:$0x3], $0x80, s28, s18, $0xb8;
	[tilespmem:$0x1E080] =	vst v63  }
0x2e: {  	_ =	swait.ge [sflag:s16], $0x4000  }
0x2f: {  	[sflag:s16] =	ssyncset.done $0x0  }
0x30: {  	s28 =	simm.s32 $0x100;
	[sflag:s16] =	ssyncadd.s32 $0xFFFFC000  }
0x31: {  	[tilespmem:s19], [sflag:$0x1] =	stream.indirect.gather [hbm4b:s4+s18], $0x80, s28, s18, $0xb8;
	[tilespmem:$0x1E080] =	vst v63  }
0x32: {  	_ =	swait.ge [sflag:s22], $0x4000  }
0x33: {  	[sflag:s22] =	ssyncset.done $0x0  }
0x34: {  	s28 =	simm.s32 $0x1480;
	[sflag:s22] =	ssyncadd.s32 $0xFFFFC000  }
0x35: {  	[spmem:s1] =	stream.indirect.scatter.add.f32 [tilespmem:s20], [sflag:$0x3], $0x80, s28, s18, $0xb8;
	[tilespmem:$0x1E080] =	vst v63  }
0x36: {  	_ =	swait.ge [sflag:s16], $0x4000  }
0x37: {  	s29 =	simm.s32 $0x800;
	s28 =	simm.s32 $0x100;
	[sflag:s16] =	ssyncset.done $0x0  }
.LBB2_2:
0x38: {  	s30 =	sadd.s32 $0x80, s28  }
0x39: {  	[sflag:s16] =	ssyncadd.s32 $0xFFFFC000;
	s31 =	smov.u32 s29;
	s0 =	sadd.s32 $0x400, s29  }
0x3a: {  	[tilespmem:s20], [sflag:$0x2] =	stream.indirect.gather [hbm4b:s4+s18], $0x80, s30, s18, $0xb8;
	[tilespmem:$0x1E080] =	vst v63  }
0x3b: {  	p1 =	sne.s32 s29, $0x4800;
	_ =	swait.ge [sflag:s21], $0x4000  }
0x3c: {  	[sflag:s21] =	ssyncset.done $0x0  }
0x3d: {  	s29 =	sadd.s32 $0x1400, s28;
	[sflag:s21] =	ssyncadd.s32 $0xFFFFC000  }
0x3e: {  	[spmem:s1] =	stream.indirect.scatter.add.f32 [tilespmem:s19], [sflag:$0x3], $0x80, s29, s18, $0xb8;
	[tilespmem:$0x1E080] =	vst v63  }
0x3f: {  	_ =	swait.ge [sflag:s16], $0x4000  }
0x40: {  	[sflag:s16] =	ssyncset.done $0x0  }
0x41: {  	s29 =	sadd.s32 $0x100, s28;
	[sflag:s16] =	ssyncadd.s32 $0xFFFFC000  }
0x42: {  	[tilespmem:s19], [sflag:$0x1] =	stream.indirect.gather [hbm4b:s4+s18], $0x80, s29, s18, $0xb8;
	[tilespmem:$0x1E080] =	vst v63  }
0x43: {  	_ =	swait.ge [sflag:s22], $0x4000  }
.Ltmp0:
0x44: {  	[sflag:s22] =	ssyncset.done $0x0;
	(pc) =	sbr.rel @p1 .LBB2_2-.Ltmp0, $4  }
0x45: {  	s28 =	sadd.s32 $0x1480, s28;
	[sflag:s22] =	ssyncadd.s32 $0xFFFFC000  }
0x46: {  	[spmem:s1] =	stream.indirect.scatter.add.f32 [tilespmem:s20], [sflag:$0x3], $0x80, s28, s18, $0xb8;
	[tilespmem:$0x1E080] =	vst v63  }
0x47: {  	_ =	swait.ge [sflag:s16], $0x4000  }
0x48: {  	s29 =	smov.u32 s0;
	s28 =	sshra.s32 s31, $0x2;
	[sflag:s16] =	ssyncset.done $0x0  }
0x49: {  	s0 =	sadd.s32 $0x80, s28;
	[sflag:s16] =	ssyncadd.s32 $0xFFFFC000  }
0x4a: {  	[tilespmem:s20], [sflag:$0x2] =	stream.indirect.gather [hbm4b:s4+s18], $0x80, s0, s18, $0xb8;
	[tilespmem:$0x1E080] =	vst v63  }
0x4b: {  	_ =	swait.ge [sflag:s21], $0x4000  }
0x4c: {  	[sflag:s21] =	ssyncset.done $0x0  }
0x4d: {  	s30 =	sadd.s32 $0x1400, s28;
	[sflag:s21] =	ssyncadd.s32 $0xFFFFC000  }
0x4e: {  	[spmem:s1] =	stream.indirect.scatter.add.f32 [tilespmem:s19], [sflag:$0x3], $0x80, s30, s18, $0xb8;
	[tilespmem:$0x1E080] =	vst v63  }
0x4f: {  	_ =	swait.ge [sflag:s16], $0x4000  }
0x50: {  	[sflag:s16] =	ssyncset.done $0x0  }
0x51: {  	s31 =	sadd.s32 $0x100, s28;
	[sflag:s16] =	ssyncadd.s32 $0xFFFFC000  }
0x52: {  	[tilespmem:s19], [sflag:$0x1] =	stream.indirect.gather [hbm4b:s4+s18], $0x80, s31, s18, $0xb8;
	[tilespmem:$0x1E080] =	vst v63  }
0x53: {  	_ =	swait.ge [sflag:s22], $0x4000  }
0x54: {  	[sflag:s22] =	ssyncset.done $0x0  }
0x55: {  	s30 =	sadd.s32 $0x1480, s28;
	[sflag:s22] =	ssyncadd.s32 $0xFFFFC000  }
0x56: {  	[spmem:s1] =	stream.indirect.scatter.add.f32 [tilespmem:s20], [sflag:$0x3], $0x80, s30, s18, $0xb8;
	[tilespmem:$0x1E080] =	vst v63  }
0x57: {  	_ =	swait.ge [sflag:s16], $0x4000  }
0x58: {  	[sflag:s16] =	ssyncset.done $0x0  }
0x59: {  	[sflag:s16] =	ssyncadd.s32 $0xFFFFC000  }
0x5a: {  	[tilespmem:s20], [sflag:$0x2] =	stream.indirect.gather [hbm4b:s4+s18], $0x80, s23, s18, $0xb8;
	[tilespmem:$0x1E080] =	vst v63  }
0x5b: {  	_ =	swait.ge [sflag:s21], $0x4000  }
0x5c: {  	[sflag:s21] =	ssyncset.done $0x0  }
0x5d: {  	[sflag:s21] =	ssyncadd.s32 $0xFFFFC000  }
0x5e: {  	[spmem:s1] =	stream.indirect.scatter.add.f32 [tilespmem:s19], [sflag:$0x3], $0x80, s24, s18, $0xb8;
	[tilespmem:$0x1E080] =	vst v63  }
0x5f: {  	_ =	swait.ge [sflag:s16], $0x4000  }
0x60: {  	[sflag:s16] =	ssyncset.done $0x0  }
0x61: {  	[sflag:s16] =	ssyncadd.s32 $0xFFFFC000  }
0x62: {  	_ =	swait.ge [sflag:s22], $0x4000  }
0x63: {  	[sflag:s22] =	ssyncset.done $0x0  }
0x64: {  	[sflag:s22] =	ssyncadd.s32 $0xFFFFC000  }
0x65: {  	[spmem:s1] =	stream.indirect.scatter.add.f32 [tilespmem:s20], [sflag:$0x3], $0x80, s25, s18, $0xb8;
	[tilespmem:$0x1E080] =	vst v63  }
0x66: {  	_ =	swait.ge [sflag:s16], $0x4000  }
0x67: {  	[sflag:s16] =	ssyncset.done $0x0  }
0x68: {  	s31 =	simm.s32 $0x0;
	[sflag:s16] =	ssyncadd.s32 $0xFFFFC000  }
0x69: {  	[tilespmem:s31], [sflag:$0x3] =	stream.linear.gather [hbm4b:s8+s31], $0x1400, $0x38;
	[tilespmem:$0x1E080] =	vst v63  }
0x6a: {  	_ =	swait.ge [sflag:s16], $0x1400  }
0x6b: {  	[sflag:s16] =	ssyncset.done $0x0  }
0x6c: {  	[sflag:s16] =	ssyncadd.s32 $0xFFFFEC00  }
0x6d: {  	[tilespmem:s17], [sflag:$0x3] =	stream.linear.gather [hbm4b:s9+s31], $0x1400, $0x38;
	[tilespmem:$0x1E080] =	vst v63  }
0x6e: {  	_ =	swait.ge [sflag:s16], $0x1400  }
0x6f: {  	[sflag:s16] =	ssyncset.done $0x0  }
0x70: {  	[sflag:s16] =	ssyncadd.s32 $0xFFFFEC00  }
0x71: {  	[tilespmem:s19], [sflag:$0x1] =	stream.indirect.gather [hbm4b:s4+s18], $0x80, s31, s18, $0xb8;
	[tilespmem:$0x1E080] =	vst v63  }
0x72: {  	s30 =	simm.s32 $0x80  }
0x73: {  	[tilespmem:s20], [sflag:$0x2] =	stream.indirect.gather [hbm4b:s4+s18], $0x80, s30, s18, $0xb8;
	[tilespmem:$0x1E080] =	vst v63  }
0x74: {  	_ =	swait.ge [sflag:s21], $0x4000  }
0x75: {  	[sflag:s21] =	ssyncset.done $0x0  }
0x76: {  	s31 =	simm.s32 $0x1400;
	[sflag:s21] =	ssyncadd.s32 $0xFFFFC000  }
0x77: {  	[spmem:s1] =	stream.indirect.scatter.add.f32 [tilespmem:s19], [sflag:$0x3], $0x80, s31, s18, $0xb8;
	[tilespmem:$0x1E080] =	vst v63  }
0x78: {  	_ =	swait.ge [sflag:s16], $0x4000  }
0x79: {  	[sflag:s16] =	ssyncset.done $0x0  }
0x7a: {  	s30 =	simm.s32 $0x100;
	[sflag:s16] =	ssyncadd.s32 $0xFFFFC000  }
0x7b: {  	[tilespmem:s19], [sflag:$0x1] =	stream.indirect.gather [hbm4b:s4+s18], $0x80, s30, s18, $0xb8;
	[tilespmem:$0x1E080] =	vst v63  }
0x7c: {  	_ =	swait.ge [sflag:s22], $0x4000  }
0x7d: {  	[sflag:s22] =	ssyncset.done $0x0  }
0x7e: {  	s31 =	simm.s32 $0x1480;
	[sflag:s22] =	ssyncadd.s32 $0xFFFFC000  }
0x7f: {  	[spmem:s1] =	stream.indirect.scatter.add.f32 [tilespmem:s20], [sflag:$0x3], $0x80, s31, s18, $0xb8;
	[tilespmem:$0x1E080] =	vst v63  }
0x80: {  	_ =	swait.ge [sflag:s16], $0x4000  }
0x81: {  	s29 =	simm.s32 $0x800;
	s28 =	simm.s32 $0x100;
	[sflag:s16] =	ssyncset.done $0x0  }
.LBB2_4:
0x82: {  	s0 =	sadd.s32 $0x80, s28  }
0x83: {  	[sflag:s16] =	ssyncadd.s32 $0xFFFFC000;
	s30 =	smov.u32 s29;
	s31 =	sadd.s32 $0x400, s29  }
0x84: {  	[tilespmem:s20], [sflag:$0x2] =	stream.indirect.gather [hbm4b:s4+s18], $0x80, s0, s18, $0xb8;
	[tilespmem:$0x1E080] =	vst v63  }
0x85: {  	p1 =	sne.s32 s29, $0x4800;
	_ =	swait.ge [sflag:s21], $0x4000  }
0x86: {  	[sflag:s21] =	ssyncset.done $0x0  }
0x87: {  	s0 =	sadd.s32 $0x1400, s28;
	[sflag:s21] =	ssyncadd.s32 $0xFFFFC000  }
0x88: {  	[spmem:s1] =	stream.indirect.scatter.add.f32 [tilespmem:s19], [sflag:$0x3], $0x80, s0, s18, $0xb8;
	[tilespmem:$0x1E080] =	vst v63  }
0x89: {  	_ =	swait.ge [sflag:s16], $0x4000  }
0x8a: {  	[sflag:s16] =	ssyncset.done $0x0  }
0x8b: {  	s0 =	sadd.s32 $0x100, s28;
	[sflag:s16] =	ssyncadd.s32 $0xFFFFC000  }
0x8c: {  	[tilespmem:s19], [sflag:$0x1] =	stream.indirect.gather [hbm4b:s4+s18], $0x80, s0, s18, $0xb8;
	[tilespmem:$0x1E080] =	vst v63  }
0x8d: {  	_ =	swait.ge [sflag:s22], $0x4000  }
.Ltmp1:
0x8e: {  	[sflag:s22] =	ssyncset.done $0x0;
	(pc) =	sbr.rel @p1 .LBB2_4-.Ltmp1, $4  }
0x8f: {  	s0 =	sadd.s32 $0x1480, s28;
	[sflag:s22] =	ssyncadd.s32 $0xFFFFC000  }
0x90: {  	[spmem:s1] =	stream.indirect.scatter.add.f32 [tilespmem:s20], [sflag:$0x3], $0x80, s0, s18, $0xb8;
	[tilespmem:$0x1E080] =	vst v63  }
0x91: {  	_ =	swait.ge [sflag:s16], $0x4000  }
0x92: {  	s29 =	smov.u32 s31;
	s28 =	sshra.s32 s30, $0x2;
	[sflag:s16] =	ssyncset.done $0x0  }
0x93: {  	s0 =	sadd.s32 $0x80, s28;
	[sflag:s16] =	ssyncadd.s32 $0xFFFFC000  }
0x94: {  	[tilespmem:s20], [sflag:$0x2] =	stream.indirect.gather [hbm4b:s4+s18], $0x80, s0, s18, $0xb8;
	[tilespmem:$0x1E080] =	vst v63  }
0x95: {  	_ =	swait.ge [sflag:s21], $0x4000  }
0x96: {  	[sflag:s21] =	ssyncset.done $0x0  }
0x97: {  	s29 =	sadd.s32 $0x1400, s28;
	[sflag:s21] =	ssyncadd.s32 $0xFFFFC000  }
0x98: {  	[spmem:s1] =	stream.indirect.scatter.add.f32 [tilespmem:s19], [sflag:$0x3], $0x80, s29, s18, $0xb8;
	[tilespmem:$0x1E080] =	vst v63  }
0x99: {  	_ =	swait.ge [sflag:s16], $0x4000  }
0x9a: {  	[sflag:s16] =	ssyncset.done $0x0  }
0x9b: {  	s30 =	sadd.s32 $0x100, s28;
	[sflag:s16] =	ssyncadd.s32 $0xFFFFC000  }
0x9c: {  	[tilespmem:s19], [sflag:$0x1] =	stream.indirect.gather [hbm4b:s4+s18], $0x80, s30, s18, $0xb8;
	[tilespmem:$0x1E080] =	vst v63  }
0x9d: {  	_ =	swait.ge [sflag:s22], $0x4000  }
0x9e: {  	[sflag:s22] =	ssyncset.done $0x0  }
0x9f: {  	s31 =	sadd.s32 $0x1480, s28;
	[sflag:s22] =	ssyncadd.s32 $0xFFFFC000  }
0xa0: {  	[spmem:s1] =	stream.indirect.scatter.add.f32 [tilespmem:s20], [sflag:$0x3], $0x80, s31, s18, $0xb8;
	[tilespmem:$0x1E080] =	vst v63  }
0xa1: {  	_ =	swait.ge [sflag:s16], $0x4000  }
0xa2: {  	[sflag:s16] =	ssyncset.done $0x0  }
0xa3: {  	[sflag:s16] =	ssyncadd.s32 $0xFFFFC000  }
0xa4: {  	[tilespmem:s20], [sflag:$0x2] =	stream.indirect.gather [hbm4b:s4+s18], $0x80, s23, s18, $0xb8;
	[tilespmem:$0x1E080] =	vst v63  }
0xa5: {  	_ =	swait.ge [sflag:s21], $0x4000  }
0xa6: {  	[sflag:s21] =	ssyncset.done $0x0  }
0xa7: {  	[sflag:s21] =	ssyncadd.s32 $0xFFFFC000  }
0xa8: {  	[spmem:s1] =	stream.indirect.scatter.add.f32 [tilespmem:s19], [sflag:$0x3], $0x80, s24, s18, $0xb8;
	[tilespmem:$0x1E080] =	vst v63  }
0xa9: {  	_ =	swait.ge [sflag:s16], $0x4000  }
0xaa: {  	[sflag:s16] =	ssyncset.done $0x0  }
0xab: {  	[sflag:s16] =	ssyncadd.s32 $0xFFFFC000  }
0xac: {  	_ =	swait.ge [sflag:s22], $0x4000  }
0xad: {  	[sflag:s22] =	ssyncset.done $0x0  }
0xae: {  	[sflag:s22] =	ssyncadd.s32 $0xFFFFC000  }
0xaf: {  	[spmem:s1] =	stream.indirect.scatter.add.f32 [tilespmem:s20], [sflag:$0x3], $0x80, s25, s18, $0xb8;
	[tilespmem:$0x1E080] =	vst v63  }
0xb0: {  	_ =	swait.ge [sflag:s16], $0x4000  }
0xb1: {  	[sflag:s16] =	ssyncset.done $0x0  }
0xb2: {  	[sflag:s16] =	ssyncadd.s32 $0xFFFFC000  }
0xb3: {  	s0 =	simm.s32 @p0 $0x1FC3;
	[bflag:$0x0] =	sbarrier.arrive $0xFFFF  }
0xb4: {  	[hbm:s11], [sflag:s0] =	dma.local @p0 [spmem:s13], $0x2080  }
0xb5: {  	s0 =	simm.s32 @p0 $0x3  }
0xb6: {  	s26 =	sadd.s32 $0x1, s26;
	_ =	swait.ge @p0 [sflag:s0], $0x2080  }
0xb7: {  	p1 =	sne.s32 s26, s12;
	[sflag:s0] =	ssyncset.done @p0 $0x0  }
.Ltmp2:
0xb8: {  	[sflag:s0] =	ssyncadd.s32 @p0 $0xFFFFDF80;
	s0 =	simm.s32 @!p0 $0x3;
	(pc) =	sbr.rel @p1 .LBB2_1-.Ltmp2, $4  }
0xb9: {  	[hbm:s10], [sflag:s14] =	dma.local @!p0 [spmem:s15], $0x2780  }
0xba: {  	_ =	swait.ge @!p0 [sflag:s0], $0x2780  }
0xbb: {  	[sflag:s0] =	ssyncset.done @!p0 $0x0  }
0xbc: {  	[sflag:s0] =	ssyncadd.s32 @!p0 $0xFFFFD880  }
0xbd: {  	_ =	sfence.sel $0x180000  }
0xbe: {  	[bflag:$0x0] =	sbarrier.arrive $0xFFFF  }
0xbf: {  	_ =	strace $0x9000004A  }
0xc0: {  	[bflag:$0x2] =	sbarrier.arrive $0xFFFF  }
0xc1: {  	p0 =	sne.s32 s3, $0x0;
	s0 =	rddreg [dreg:$0x2]  }
0xc2: {  	s0 =	sadd.s32 @!p0 $0x100000, s0  }
0xc3: {  	[sflag:s0] =	ssyncadd.tile.s32 @!p0 $0x1;
	_ =	shalt  }
.Lfunc_end2:
_tile_overlayer_lowered:
.L_overlay_start_2:
0xc4: {  	(tag) =	ssettag $0x2  }
0xc5: {  	s0 =	rddreg [dreg:$0x0];
	s2 =	stileid.u32  }
0xc6: {  	s1 =	rddreg [dreg:$0x1];
	p0 =	sne.s32 s2, $0x0  }
0xc7: {  	s3 =	rddreg [dreg:$0x2];
	[bflag:$0x3] =	sbarrier.arrive $0xFFFF;
	s2 =	simm.s32 @!p0 $0x1C03  }
0xc8: {  	[timem:s3], [sflag:s2] =	dma.local @!p0 [hbm:s0], s1  }
0xc9: {  	s0 =	simm.s32 @!p0 $0x3  }
0xca: {  	_ =	swait.ge @!p0 [sflag:s0], s1  }
0xcb: {  	s1 =	ssub.s32 @!p0 $0x0, s1;
	[sflag:s0] =	ssyncset.done @!p0 $0x0  }
0xcc: {  	[sflag:s0] =	ssyncadd.s32 @!p0 s1  }
0xcd: {  	[bflag:$0x3] =	sbarrier.arrive $0xFFFF  }
0xce: {  	_ =	shalt  }

// kernel: kernel.18.cloned.1.call-start
scs
__scs_entry_jumppad:
0x0: {  	(pc) =	sbr.rel $0x88, $3  }
0x1: {  	(tag) =	ssettag $0x0;
	lr =	simm.s32 $0x1  }
0x2: {  	[smem:$0x3F8D] =	sst lr;
	_ =	strace $0xD0000000  }
0x3: {  	_ = 	snop  }
0x4: {  	_ = 	snop  }
0x5: {  	_ = 	snop  }
0x6: {  	_ = 	snop  }
0x7: {  	_ = 	snop  }
__scs_overlays_trampoline_lowered:
0x8: {  	[smem:$0x3F9C] =	sst s0  }
0x9: {  	[smem:$0x3F9D] =	sst s1  }
0xa: {  	[smem:$0x3F9E] =	sst s2  }
0xb: {  	[smem:$0x3F9F] =	sst s3  }
0xc: {  	[smem:$0x3FA0] =	sst s4  }
0xd: {  	[smem:$0x3FA1] =	sst s5  }
0xe: {  	[smem:$0x3FA2] =	sst s6  }
0xf: {  	[smem:$0x3FA3] =	sst s7  }
0x10: {  	[smem:$0x3FA4] =	sst s8  }
0x11: {  	[smem:$0x3FA5] =	sst s9;
	s0 =	simm.s32 @!p0 $0x0  }
0x12: {  	s1 =	sld [smem:$0x3F8B];
	s0 =	simm.s32 @p0 $0x1  }
0x13: {  	[smem:$0x3FA6] =	sst s0;
	s0 =	simm.s32 @!p1 $0x0  }
0x14: {  	s2 =	sld [smem:$0x3F8A];
	s0 =	simm.s32 @p1 $0x1  }
0x15: {  	[smem:$0x3FA7] =	sst s0;
	s0 =	simm.s32 @!p2 $0x0  }
0x16: {  	s3 =	sld [smem:$0x3FDB];
	s0 =	simm.s32 @p2 $0x1  }
0x17: {  	s4 =	simm.s32 $0x1BF5;
	[smem:$0x3FA9] =	sst s0  }
0x18: {  	s0 =	sld [smem:$0x3F8C];
	_ =	swait.ge [sflag:s4], $0x0  }
0x19: {  	s7 =	sld [smem:$0x3F8D]  }
0x1a: {  	s8 =	sadd.s32 $0xFFFFE003, lr  }
0x1b: {  	s9 =	sadd.s32 $0xFFFFFEF7, lr;
	s5 =	simm.s32 $0xFFFFFFFF;
	p2 =	slt.u32 s8, $0xFFFFF086  }
0x1c: {  	p1 =	slt.u32 s9, $0xF7A;
	s5 =	simm.s32 @!p2 $0x0  }
0x1d: {  	s5 =	simm.s32 @p1 $0x1;
	p0 =	seq.s32 s7, s2  }
0x1e: {  	s7 =	smul.u32 @!p0 $0xF7A, s2;
	p2 =	seq.s32 @!p0 s5, $0x0  }
0x1f: {  	s9 =	smul.u32 $0xF7A, s1;
	s8 =	simm.s32 @!p0 $0x1BF5;
	p2 =	por !p2, p0  }
0x20: {  	[sflag:s8] =	ssyncset.s32 @!p0 $0xFFFFF086;
	s6 =	sadd.s32 @!p0 s3, s7;
	s7 =	simm.s32 @!p0 $0x108  }
0x21: {  	s3 =	sadd.s32 s3, s9;
	s6 =	sadd.s32 @!p0 $0x88, s6;
	s7 =	simm.s32 @p2 $0x1082  }
0x22: {  	[simem:s7], [sflag:s8] =	dma.local @!p0 [hbm:s6], $0xF7A  }
0x23: {  	s9 =	sor.u32 $0xD0000000, s2;
	s6 =	simm.s32 $0x108;
	_ =	swait.ge @!p0 [sflag:s8], $0x0  }
0x24: {  	s3 =	sadd.s32 $0x88, s3;
	s6 =	simm.s32 @!p1 $0x1082;
	[sflag:s4] =	ssyncset.s32 $0xFFFFF086  }
0x25: {  	[simem:s6], [sflag:s4] =	dma.local [hbm:s3], $0xF7A  }
0x26: {  	[smem:$0x3F8D] =	sst s1;
	(tag) =	ssettag s2;
	_ =	strace s9  }
0x27: {  	s1 =	sld [smem:$0x3F9D]  }
0x28: {  	s2 =	sld [smem:$0x3F9E]  }
0x29: {  	s4 =	sld [smem:$0x3FA0]  }
0x2a: {  	p0 =	seq.s32 s5, $0x0;
	s5 =	sld [smem:$0x3FA1]  }
0x2b: {  	s6 =	sld [smem:$0x3FA2]  }
0x2c: {  	s7 =	sld [smem:$0x3FA3]  }
0x2d: {  	s3 =	simm.s32 $0x108;
	s8 =	sld [smem:$0x3FA4]  }
0x2e: {  	s3 =	simm.s32 @!p0 $0x1082;
	s9 =	sld [smem:$0x3FA5]  }
0x2f: {  	lr =	sadd.s32 s0, s3;
	s0 =	sld [smem:$0x3F9C]  }
0x30: {  	s3 =	sld [smem:$0x3F9F]  }
0x31: {  	[smem:$0x3FA8] =	sst s10  }
0x32: {  	s10 =	sld [smem:$0x3FA6];
	_ =	sdelay $0x3  }
0x33: {  	p0 =	seq.s32 s10, $0x1;
	s10 =	sld [smem:$0x3FA8];
	_ =	sdelay $0x3  }
0x34: {  	[smem:$0x3FA8] =	sst s10  }
0x35: {  	s10 =	sld [smem:$0x3FA7];
	_ =	sdelay $0x3  }
0x36: {  	p1 =	seq.s32 s10, $0x1;
	s10 =	sld [smem:$0x3FA8];
	_ =	sdelay $0x3  }
0x37: {  	[smem:$0x3FA8] =	sst s10  }
0x38: {  	s10 =	sld [smem:$0x3FA9]  }
0x39: {  	_ = 	snop;
	(pc) =	sbr.ind lr, $3  }
0x3a: {  	_ = 	snop  }
0x3b: {  	_ = 	snop  }
0x3c: {  	p2 =	seq.s32 s10, $0x1;
	s10 =	sld [smem:$0x3FA8]  }
0x3d: {  	_ =	shalt  }
0x3e: {  	_ =	shalt  }
0x3f: {  	_ =	shalt  }
0x40: {  	_ =	shalt  }
0x41: {  	_ =	shalt  }
0x42: {  	_ =	shalt  }
0x43: {  	_ =	shalt  }
0x44: {  	_ =	shalt  }
0x45: {  	_ =	shalt  }
0x46: {  	_ =	shalt  }
0x47: {  	_ =	shalt  }
0x48: {  	_ =	shalt  }
0x49: {  	_ =	shalt  }
0x4a: {  	_ =	shalt  }
0x4b: {  	_ =	shalt  }
0x4c: {  	_ =	shalt  }
0x4d: {  	_ =	shalt  }
0x4e: {  	_ =	shalt  }
0x4f: {  	_ =	shalt  }
0x50: {  	_ =	shalt  }
0x51: {  	_ =	shalt  }
0x52: {  	_ =	shalt  }
0x53: {  	_ =	shalt  }
0x54: {  	_ =	shalt  }
0x55: {  	_ =	shalt  }
0x56: {  	_ =	shalt  }
0x57: {  	_ =	shalt  }
0x58: {  	_ =	shalt  }
0x59: {  	_ =	shalt  }
0x5a: {  	_ =	shalt  }
0x5b: {  	_ =	shalt  }
0x5c: {  	_ =	shalt  }
0x5d: {  	_ =	shalt  }
0x5e: {  	_ =	shalt  }
0x5f: {  	_ =	shalt  }
0x60: {  	_ =	shalt  }
0x61: {  	_ =	shalt  }
0x62: {  	_ =	shalt  }
0x63: {  	_ =	shalt  }
0x64: {  	_ =	shalt  }
0x65: {  	_ =	shalt  }
0x66: {  	_ =	shalt  }
0x67: {  	_ =	shalt  }
0x68: {  	_ =	shalt  }
0x69: {  	_ =	shalt  }
0x6a: {  	_ =	shalt  }
0x6b: {  	_ =	shalt  }
0x6c: {  	_ =	shalt  }
0x6d: {  	_ =	shalt  }
0x6e: {  	_ =	shalt  }
0x6f: {  	_ =	shalt  }
0x70: {  	_ =	shalt  }
0x71: {  	_ =	shalt  }
0x72: {  	_ =	shalt  }
0x73: {  	_ =	shalt  }
0x74: {  	_ =	shalt  }
0x75: {  	_ =	shalt  }
0x76: {  	_ =	shalt  }
0x77: {  	_ =	shalt  }
0x78: {  	_ =	shalt  }
0x79: {  	_ =	shalt  }
0x7a: {  	_ =	shalt  }
0x7b: {  	_ =	shalt  }
0x7c: {  	_ =	shalt  }
0x7d: {  	_ =	shalt  }
0x7e: {  	_ =	shalt  }
0x7f: {  	_ =	shalt  }
0x80: {  	_ =	shalt  }
0x81: {  	_ =	shalt  }
0x82: {  	_ =	shalt  }
0x83: {  	_ =	shalt  }
0x84: {  	_ =	shalt  }
0x85: {  	_ =	shalt  }
0x86: {  	_ =	shalt  }
0x87: {  	_ =	shalt  }
.Lfunc_end0:
.L_simem_size_0:
called_computation.2_lowered:
.L_overlay_start_0:
0x88: {  	s2 =	sld [smem:$0x3FD9]  }
0x89: {  	s3 =	sld [smem:$0x3FFE];
	_ =	sdelay $0x1  }
0x8a: {  	s1 =	srdreg.scid  }
0x8b: {  	s0 =	sand.u32 $0x1, s1  }
0x8c: {  	s16 =	sshll.u32 s0, $0xA;
	s2 =	sadd.s32 s3, s2  }
0x8d: {  	s2 =	sadd.s32 s2, s16  }
0x8e: {  	[smem:$0x3FB4] =	sst s2  }
0x8f: {  	_ = 	snop  }
0x90: {  	(tm) =	ssettm $0x1  }
0x91: {  	s17 =	sld [smem:$0x3FFB];
	_ =	sdelay $0x3  }
0x92: {  	_ =	strace s17  }
0x93: {  	s2 =	sld [smem:$0x3FFC];
	_ =	sdelay $0x3  }
0x94: {  	_ =	strace s2  }
0x95: {  	s2 =	sld [smem:$0x3FFD];
	_ =	sdelay $0x3  }
0x96: {  	_ =	strace s2  }
0x97: {  	_ =	strace $0x8FFFFFFF  }
0x98: {  	s18 =	sld [smem:$0x3FDB];
	_ =	sdelay $0x1  }
0x99: {  	s19 =	simm.s32 $_scs_section_size  }
0x9a: {  	s4 =	simm.s32 $_size__tile_overlayer_lowered;
	s5 =	simm.s32 $_tile_overlayer_lowered  }
0x9b: {  	s22 =	simm.s32 $0x1BFF;
	s21 =	sshll.u32 s5, $0x1;
	s2 =	sadd.s32 s19, s18  }
0x9c: {  	s6 =	simm.s32 $0x0;
	s20 =	sshll.u32 s4, $0x1;
	s4 =	sadd.s32 s21, s2  }
0x9d: {  	[timem:s6], [sflag:s22] =	dma.local [hbm:s4], s20  }
0x9e: {  	_ =	swait.ge [sflag:s22], s20  }
0x9f: {  	s3 =	ssub.s32 $0x0, s20;
	[sflag:s22] =	ssyncset.done $0x0  }
0xa0: {  	[sflag:s22] =	ssyncadd.s32 s3;
	_ =	sdelay $0x1  }
0xa1: {  	s23 =	simm.s32 $0x1B8B  }
0xa2: {  	_ =	swait.ge [sflag:s23], $0x1  }
0xa3: {  	[sflag:s23] =	ssyncset.done $0x0  }
0xa4: {  	s25 =	simm.s32 $0x1B8E;
	s24 =	sld [smem:$0x3FFE];
	[sflag:s23] =	ssyncadd.s32 $0xFFFFFFFF  }
0xa5: {  	s26 =	simm.s32 $execute0_lowered;
	[smem:$0x3FD2] =	sst s25  }
0xa6: {  	s4 =	sshll.u32 s26, $0x1;
	_ =	strace $0x8000004C;
	[dreg:$0x1] =	wrdreg $0xFFFFFFFF  }
0xa7: {  	s28 =	simm.s32 $_size_execute0_lowered;
	s2 =	sadd.s32 s2, s4;
	[dreg:$0x0] =	wrdreg $0x0  }
0xa8: {  	s4 =	sshll.u32 s28, $0x1;
	[dreg:$0x2] =	wrdreg s2  }
0xa9: {  	[dreg:$0x3] =	wrdreg s4  }
0xaa: {  	[dreg:$0x4] =	wrdreg $0xC0  }
0xab: {  	_ =	task [dreg:s6], $0x5FFFF  }
0xac: {  	[dreg:$0x1] =	wrdreg $0xFFFFFFFF  }
0xad: {  	[dreg:$0x0] =	wrdreg $0x60  }
0xae: {  	[dreg:$0x2] =	wrdreg s24  }
0xaf: {  	[dreg:$0x3] =	wrdreg $0xA8000  }
0xb0: {  	[dreg:$0x4] =	wrdreg $0x9  }
0xb1: {  	_ =	task.clear_ibuf [dreg:s6], $0x5FFFF;
	_ =	strace $0x9000004C  }
0xb2: {  	s29 =	simm.s32 $0x9;
	_ =	strace $0x8000004E  }
0xb3: {  	_ =	swait.ge [sflag:s29], $0x1  }
0xb4: {  	[sflag:s29] =	ssyncadd.s32 $0xFFFFFFFF  }
0xb5: {  	_ =	strace $0x9000004E  }
0xb6: {  	_ =	sfence  }
0xb7: {  	s30 =	sld [smem:$0x0];
	_ =	sdelay $0x2  }
0xb8: {  	s31 =	sshll.u32 s1, $0xD;
	s1 =	sshrl.u32 s1, $0x2  }
0xb9: {  	s3 =	sand.u32 $0x4000, s31;
	s1 =	sadd.s32 s1, s30  }
0xba: {  	s0 =	sor.u32 s3, s0;
	s1 =	sshll.u32 s1, $0x11  }
0xbb: {  	s0 =	sor.u32 s1, s0  }
0xbc: {  	s0 =	sadd.s32 $0x8F2B, s0  }
0xbd: {  	[sflag:s0] =	ssyncadd.remote.s32 $0x1  }
0xbe: {  	_ =	sfence.sel $0xFFFF  }
0xbf: {  	[dreg:$0x0] =	wrdreg $0xFFFFFFFF;
	(pc) =	sbr.abs _section_cstart, $3  }
0xc0: {  	[dreg:$0x1] =	wrdreg $0xFFFFFFFF  }
0xc1: {  	_ =	task.clear_ibuf [dreg:s6], $0x2FFFF;
	_ =	strace $0x9FFFFFFF  }
0xc2: {  	(tm) =	ssettm $0x7FFFFFFF  }
0xc3: {  	_ =	shalt  }
tec
execute0_lowered:
.L_overlay_start_1:
0x0: {  	(tag) =	ssettag $0x1  }
0x1: {  	s6 =	rddreg [dreg:$0x0]  }
0x2: {  	s1 =	rddreg [dreg:$0x1];
	s2 =	simm.s32 $0x0  }
0x3: {  	s3 =	srdreg.scid;
	s18 =	simm.s32 $0x80;
	s19 =	simm.s32 $0x2800  }
0x4: {  	s20 =	simm.s32 $0x6800;
	s21 =	simm.s32 $0x1;
	s23 =	simm.s32 $0x1380  }
0x5: {  	s24 =	simm.s32 $0x2700;
	s25 =	simm.s32 $0x2780;
	[smem:$0x7FF] =	sst s2  }
0x6: {  	s4 =	sadd.s32 $0x19200, s6;
	s7 =	sand.u32 $0x1, s3;
	s3 =	stileid.u32  }
0x7: {  	s8 =	sadd.s32 $0x5200, s6;
	s9 =	sadd.s32 $0xF200, s6;
	s12 =	smul.u32 $0x4F000, s3  }
0x8: {  	s14 =	sadd.s32 $0x6A200, s6;
	s16 =	sadd.s32 $0x128400, s1;
	s29 =	smul.u32 $0x27100, s7  }
0x9: {  	s22 =	simm.s32 $0x2;
	_ =	strace $0x8000004D;
	s30 =	smul.u32 $0x138800, s7  }
0xa: {  	s5 =	sshll.u32 s7, $0x4;
	s10 =	ssub.s32 $0x2, s7;
	s17 =	smul.u32 $0x2780, s3  }
0xb: {  	p0 =	seq.s32 s3, $0xF;
	s11 =	sor.u32 s3, s5;
	s5 =	sadd.s32 $0x67A00, s6  }
0xc: {  	s13 =	sshrl.u32 s10, $0x1;
	s11 =	smul.u32 $0x2800, s11;
	s26 =	sshrl.u32 s12, $0x2  }
0xd: {  	s13 =	ssub.s32 s10, s13;
	s31 =	sshrl.u32 s30, $0x3;
	s15 =	sadd.s32 s26, s1  }
0xe: {  	s12 =	sadd.s32 s14, s31;
	s26 =	simm.s32 $0x0;
	s28 =	sshrl.u32 s11, $0x3  }
0xf: {  	s11 =	sadd.s32 s17, s29;
	s15 =	sshrl.u32 @!p0 s15, $0x3;
	s17 =	simm.s32 $0x1400  }
0x10: {  	s6 =	sadd.s32 s8, s28;
	s7 =	sadd.s32 s9, s28;
	s10 =	sadd.s32 $0x280, s28  }
0x11: {  	s8 =	sadd.s32 s8, s10;
	s9 =	sadd.s32 s9, s10;
	s10 =	sadd.s32 s14, s11  }
0x12: {  	s11 =	sadd.s32 $0x25080, s12;
	s14 =	sshll.u32 @!p0 s3, $0x6;
	s12 =	smax.u32 s13, $0x1  }
0x13: {  	s13 =	sshrl.u32 @p0 s16, $0x3;
	s16 =	simm.s32 $0x3;
	s14 =	sor.u32 @!p0 $0x1C03, s14  }
.LBB2_1:
0x14: {  	s28 =	simm.s32 @p0 $0x1FC3  }
0x15: {  	[spmem:s13], [sflag:s28] =	dma.local @p0 [hbm:s5], $0x2080  }
0x16: {  	s28 =	simm.s32 @p0 $0x3  }
0x17: {  	_ =	swait.ge @p0 [sflag:s28], $0x2080  }
0x18: {  	[sflag:s28] =	ssyncset.done @p0 $0x0  }
0x19: {  	[sflag:s28] =	ssyncadd.s32 @p0 $0xFFFFDF80;
	s28 =	simm.s32 @!p0 $0x3  }
0x1a: {  	[spmem:s15], [sflag:s14] =	dma.local @!p0 [hbm:s5], $0x2780  }
0x1b: {  	_ =	swait.ge @!p0 [sflag:s28], $0x2780  }
0x1c: {  	[sflag:s28] =	ssyncset.done @!p0 $0x0  }
0x1d: {  	[sflag:s28] =	ssyncadd.s32 @!p0 $0xFFFFD880  }
0x1e: {  	[bflag:$0x0] =	sbarrier.arrive $0xFFFF  }
0x1f: {  	[tilespmem:s2], [sflag:$0x3] =	stream.linear.gather [hbm4b:s6+s2], $0x1400, $0x38;
	[tilespmem:$0x1E080] =	vst v63  }
0x20: {  	_ =	swait.ge [sflag:s16], $0x1400  }
0x21: {  	[sflag:s16] =	ssyncset.done $0x0  }
0x22: {  	[sflag:s16] =	ssyncadd.s32 $0xFFFFEC00  }
0x23: {  	[tilespmem:s17], [sflag:$0x3] =	stream.linear.gather [hbm4b:s7+s2], $0x1400, $0x38;
	[tilespmem:$0x1E080] =	vst v63  }
0x24: {  	_ =	swait.ge [sflag:s16], $0x1400  }
0x25: {  	[sflag:s16] =	ssyncset.done $0x0  }
0x26: {  	[sflag:s16] =	ssyncadd.s32 $0xFFFFEC00  }
0x27: {  	[tilespmem:s19], [sflag:$0x1] =	stream.indirect.gather [hbm4b:s4+s18], $0x80, s2, s18, $0xb8;
	[tilespmem:$0x1E080] =	vst v63  }
0x28: {  	s28 =	simm.s32 $0x80  }
0x29: {  	[tilespmem:s20], [sflag:$0x2] =	stream.indirect.gather [hbm4b:s4+s18], $0x80, s28, s18, $0xb8;
	[tilespmem:$0x1E080] =	vst v63  }
0x2a: {  	_ =	swait.ge [sflag:s21], $0x4000  }
0x2b: {  	[sflag:s21] =	ssyncset.done $0x0  }
0x2c: {  	s28 =	simm.s32 $0x1400;
	[sflag:s21] =	ssyncadd.s32 $0xFFFFC000  }
0x2d: {  	[spmem:s1] =	stream.indirect.scatter.add.f32 [tilespmem:s19], [sflag:$0x3], $0x80, s28, s18, $0xb8;
	[tilespmem:$0x1E080] =	vst v63  }
0x2e: {  	_ =	swait.ge [sflag:s16], $0x4000  }
0x2f: {  	[sflag:s16] =	ssyncset.done $0x0  }
0x30: {  	s28 =	simm.s32 $0x100;
	[sflag:s16] =	ssyncadd.s32 $0xFFFFC000  }
0x31: {  	[tilespmem:s19], [sflag:$0x1] =	stream.indirect.gather [hbm4b:s4+s18], $0x80, s28, s18, $0xb8;
	[tilespmem:$0x1E080] =	vst v63  }
0x32: {  	_ =	swait.ge [sflag:s22], $0x4000  }
0x33: {  	[sflag:s22] =	ssyncset.done $0x0  }
0x34: {  	s28 =	simm.s32 $0x1480;
	[sflag:s22] =	ssyncadd.s32 $0xFFFFC000  }
0x35: {  	[spmem:s1] =	stream.indirect.scatter.add.f32 [tilespmem:s20], [sflag:$0x3], $0x80, s28, s18, $0xb8;
	[tilespmem:$0x1E080] =	vst v63  }
0x36: {  	_ =	swait.ge [sflag:s16], $0x4000  }
0x37: {  	s29 =	simm.s32 $0x800;
	s28 =	simm.s32 $0x100;
	[sflag:s16] =	ssyncset.done $0x0  }
.LBB2_2:
0x38: {  	s30 =	sadd.s32 $0x80, s28  }
0x39: {  	[sflag:s16] =	ssyncadd.s32 $0xFFFFC000;
	s31 =	smov.u32 s29;
	s0 =	sadd.s32 $0x400, s29  }
0x3a: {  	[tilespmem:s20], [sflag:$0x2] =	stream.indirect.gather [hbm4b:s4+s18], $0x80, s30, s18, $0xb8;
	[tilespmem:$0x1E080] =	vst v63  }
0x3b: {  	p1 =	sne.s32 s29, $0x4800;
	_ =	swait.ge [sflag:s21], $0x4000  }
0x3c: {  	[sflag:s21] =	ssyncset.done $0x0  }
0x3d: {  	s29 =	sadd.s32 $0x1400, s28;
	[sflag:s21] =	ssyncadd.s32 $0xFFFFC000  }
0x3e: {  	[spmem:s1] =	stream.indirect.scatter.add.f32 [tilespmem:s19], [sflag:$0x3], $0x80, s29, s18, $0xb8;
	[tilespmem:$0x1E080] =	vst v63  }
0x3f: {  	_ =	swait.ge [sflag:s16], $0x4000  }
0x40: {  	[sflag:s16] =	ssyncset.done $0x0  }
0x41: {  	s29 =	sadd.s32 $0x100, s28;
	[sflag:s16] =	ssyncadd.s32 $0xFFFFC000  }
0x42: {  	[tilespmem:s19], [sflag:$0x1] =	stream.indirect.gather [hbm4b:s4+s18], $0x80, s29, s18, $0xb8;
	[tilespmem:$0x1E080] =	vst v63  }
0x43: {  	_ =	swait.ge [sflag:s22], $0x4000  }
.Ltmp0:
0x44: {  	[sflag:s22] =	ssyncset.done $0x0;
	(pc) =	sbr.rel @p1 .LBB2_2-.Ltmp0, $4  }
0x45: {  	s28 =	sadd.s32 $0x1480, s28;
	[sflag:s22] =	ssyncadd.s32 $0xFFFFC000  }
0x46: {  	[spmem:s1] =	stream.indirect.scatter.add.f32 [tilespmem:s20], [sflag:$0x3], $0x80, s28, s18, $0xb8;
	[tilespmem:$0x1E080] =	vst v63  }
0x47: {  	_ =	swait.ge [sflag:s16], $0x4000  }
0x48: {  	s29 =	smov.u32 s0;
	s28 =	sshra.s32 s31, $0x2;
	[sflag:s16] =	ssyncset.done $0x0  }
0x49: {  	s0 =	sadd.s32 $0x80, s28;
	[sflag:s16] =	ssyncadd.s32 $0xFFFFC000  }
0x4a: {  	[tilespmem:s20], [sflag:$0x2] =	stream.indirect.gather [hbm4b:s4+s18], $0x80, s0, s18, $0xb8;
	[tilespmem:$0x1E080] =	vst v63  }
0x4b: {  	_ =	swait.ge [sflag:s21], $0x4000  }
0x4c: {  	[sflag:s21] =	ssyncset.done $0x0  }
0x4d: {  	s30 =	sadd.s32 $0x1400, s28;
	[sflag:s21] =	ssyncadd.s32 $0xFFFFC000  }
0x4e: {  	[spmem:s1] =	stream.indirect.scatter.add.f32 [tilespmem:s19], [sflag:$0x3], $0x80, s30, s18, $0xb8;
	[tilespmem:$0x1E080] =	vst v63  }
0x4f: {  	_ =	swait.ge [sflag:s16], $0x4000  }
0x50: {  	[sflag:s16] =	ssyncset.done $0x0  }
0x51: {  	s31 =	sadd.s32 $0x100, s28;
	[sflag:s16] =	ssyncadd.s32 $0xFFFFC000  }
0x52: {  	[tilespmem:s19], [sflag:$0x1] =	stream.indirect.gather [hbm4b:s4+s18], $0x80, s31, s18, $0xb8;
	[tilespmem:$0x1E080] =	vst v63  }
0x53: {  	_ =	swait.ge [sflag:s22], $0x4000  }
0x54: {  	[sflag:s22] =	ssyncset.done $0x0  }
0x55: {  	s30 =	sadd.s32 $0x1480, s28;
	[sflag:s22] =	ssyncadd.s32 $0xFFFFC000  }
0x56: {  	[spmem:s1] =	stream.indirect.scatter.add.f32 [tilespmem:s20], [sflag:$0x3], $0x80, s30, s18, $0xb8;
	[tilespmem:$0x1E080] =	vst v63  }
0x57: {  	_ =	swait.ge [sflag:s16], $0x4000  }
0x58: {  	[sflag:s16] =	ssyncset.done $0x0  }
0x59: {  	[sflag:s16] =	ssyncadd.s32 $0xFFFFC000  }
0x5a: {  	[tilespmem:s20], [sflag:$0x2] =	stream.indirect.gather [hbm4b:s4+s18], $0x80, s23, s18, $0xb8;
	[tilespmem:$0x1E080] =	vst v63  }
0x5b: {  	_ =	swait.ge [sflag:s21], $0x4000  }
0x5c: {  	[sflag:s21] =	ssyncset.done $0x0  }
0x5d: {  	[sflag:s21] =	ssyncadd.s32 $0xFFFFC000  }
0x5e: {  	[spmem:s1] =	stream.indirect.scatter.add.f32 [tilespmem:s19], [sflag:$0x3], $0x80, s24, s18, $0xb8;
	[tilespmem:$0x1E080] =	vst v63  }
0x5f: {  	_ =	swait.ge [sflag:s16], $0x4000  }
0x60: {  	[sflag:s16] =	ssyncset.done $0x0  }
0x61: {  	[sflag:s16] =	ssyncadd.s32 $0xFFFFC000  }
0x62: {  	_ =	swait.ge [sflag:s22], $0x4000  }
0x63: {  	[sflag:s22] =	ssyncset.done $0x0  }
0x64: {  	[sflag:s22] =	ssyncadd.s32 $0xFFFFC000  }
0x65: {  	[spmem:s1] =	stream.indirect.scatter.add.f32 [tilespmem:s20], [sflag:$0x3], $0x80, s25, s18, $0xb8;
	[tilespmem:$0x1E080] =	vst v63  }
0x66: {  	_ =	swait.ge [sflag:s16], $0x4000  }
0x67: {  	[sflag:s16] =	ssyncset.done $0x0  }
0x68: {  	s31 =	simm.s32 $0x0;
	[sflag:s16] =	ssyncadd.s32 $0xFFFFC000  }
0x69: {  	[tilespmem:s31], [sflag:$0x3] =	stream.linear.gather [hbm4b:s8+s31], $0x1400, $0x38;
	[tilespmem:$0x1E080] =	vst v63  }
0x6a: {  	_ =	swait.ge [sflag:s16], $0x1400  }
0x6b: {  	[sflag:s16] =	ssyncset.done $0x0  }
0x6c: {  	[sflag:s16] =	ssyncadd.s32 $0xFFFFEC00  }
0x6d: {  	[tilespmem:s17], [sflag:$0x3] =	stream.linear.gather [hbm4b:s9+s31], $0x1400, $0x38;
	[tilespmem:$0x1E080] =	vst v63  }
0x6e: {  	_ =	swait.ge [sflag:s16], $0x1400  }
0x6f: {  	[sflag:s16] =	ssyncset.done $0x0  }
0x70: {  	[sflag:s16] =	ssyncadd.s32 $0xFFFFEC00  }
0x71: {  	[tilespmem:s19], [sflag:$0x1] =	stream.indirect.gather [hbm4b:s4+s18], $0x80, s31, s18, $0xb8;
	[tilespmem:$0x1E080] =	vst v63  }
0x72: {  	s30 =	simm.s32 $0x80  }
0x73: {  	[tilespmem:s20], [sflag:$0x2] =	stream.indirect.gather [hbm4b:s4+s18], $0x80, s30, s18, $0xb8;
	[tilespmem:$0x1E080] =	vst v63  }
0x74: {  	_ =	swait.ge [sflag:s21], $0x4000  }
0x75: {  	[sflag:s21] =	ssyncset.done $0x0  }
0x76: {  	s31 =	simm.s32 $0x1400;
	[sflag:s21] =	ssyncadd.s32 $0xFFFFC000  }
0x77: {  	[spmem:s1] =	stream.indirect.scatter.add.f32 [tilespmem:s19], [sflag:$0x3], $0x80, s31, s18, $0xb8;
	[tilespmem:$0x1E080] =	vst v63  }
0x78: {  	_ =	swait.ge [sflag:s16], $0x4000  }
0x79: {  	[sflag:s16] =	ssyncset.done $0x0  }
0x7a: {  	s30 =	simm.s32 $0x100;
	[sflag:s16] =	ssyncadd.s32 $0xFFFFC000  }
0x7b: {  	[tilespmem:s19], [sflag:$0x1] =	stream.indirect.gather [hbm4b:s4+s18], $0x80, s30, s18, $0xb8;
	[tilespmem:$0x1E080] =	vst v63  }
0x7c: {  	_ =	swait.ge [sflag:s22], $0x4000  }
0x7d: {  	[sflag:s22] =	ssyncset.done $0x0  }
0x7e: {  	s31 =	simm.s32 $0x1480;
	[sflag:s22] =	ssyncadd.s32 $0xFFFFC000  }
0x7f: {  	[spmem:s1] =	stream.indirect.scatter.add.f32 [tilespmem:s20], [sflag:$0x3], $0x80, s31, s18, $0xb8;
	[tilespmem:$0x1E080] =	vst v63  }
0x80: {  	_ =	swait.ge [sflag:s16], $0x4000  }
0x81: {  	s29 =	simm.s32 $0x800;
	s28 =	simm.s32 $0x100;
	[sflag:s16] =	ssyncset.done $0x0  }
.LBB2_4:
0x82: {  	s0 =	sadd.s32 $0x80, s28  }
0x83: {  	[sflag:s16] =	ssyncadd.s32 $0xFFFFC000;
	s30 =	smov.u32 s29;
	s31 =	sadd.s32 $0x400, s29  }
0x84: {  	[tilespmem:s20], [sflag:$0x2] =	stream.indirect.gather [hbm4b:s4+s18], $0x80, s0, s18, $0xb8;
	[tilespmem:$0x1E080] =	vst v63  }
0x85: {  	p1 =	sne.s32 s29, $0x4800;
	_ =	swait.ge [sflag:s21], $0x4000  }
0x86: {  	[sflag:s21] =	ssyncset.done $0x0  }
0x87: {  	s0 =	sadd.s32 $0x1400, s28;
	[sflag:s21] =	ssyncadd.s32 $0xFFFFC000  }
0x88: {  	[spmem:s1] =	stream.indirect.scatter.add.f32 [tilespmem:s19], [sflag:$0x3], $0x80, s0, s18, $0xb8;
	[tilespmem:$0x1E080] =	vst v63  }
0x89: {  	_ =	swait.ge [sflag:s16], $0x4000  }
0x8a: {  	[sflag:s16] =	ssyncset.done $0x0  }
0x8b: {  	s0 =	sadd.s32 $0x100, s28;
	[sflag:s16] =	ssyncadd.s32 $0xFFFFC000  }
0x8c: {  	[tilespmem:s19], [sflag:$0x1] =	stream.indirect.gather [hbm4b:s4+s18], $0x80, s0, s18, $0xb8;
	[tilespmem:$0x1E080] =	vst v63  }
0x8d: {  	_ =	swait.ge [sflag:s22], $0x4000  }
.Ltmp1:
0x8e: {  	[sflag:s22] =	ssyncset.done $0x0;
	(pc) =	sbr.rel @p1 .LBB2_4-.Ltmp1, $4  }
0x8f: {  	s0 =	sadd.s32 $0x1480, s28;
	[sflag:s22] =	ssyncadd.s32 $0xFFFFC000  }
0x90: {  	[spmem:s1] =	stream.indirect.scatter.add.f32 [tilespmem:s20], [sflag:$0x3], $0x80, s0, s18, $0xb8;
	[tilespmem:$0x1E080] =	vst v63  }
0x91: {  	_ =	swait.ge [sflag:s16], $0x4000  }
0x92: {  	s29 =	smov.u32 s31;
	s28 =	sshra.s32 s30, $0x2;
	[sflag:s16] =	ssyncset.done $0x0  }
0x93: {  	s0 =	sadd.s32 $0x80, s28;
	[sflag:s16] =	ssyncadd.s32 $0xFFFFC000  }
0x94: {  	[tilespmem:s20], [sflag:$0x2] =	stream.indirect.gather [hbm4b:s4+s18], $0x80, s0, s18, $0xb8;
	[tilespmem:$0x1E080] =	vst v63  }
0x95: {  	_ =	swait.ge [sflag:s21], $0x4000  }
0x96: {  	[sflag:s21] =	ssyncset.done $0x0  }
0x97: {  	s29 =	sadd.s32 $0x1400, s28;
	[sflag:s21] =	ssyncadd.s32 $0xFFFFC000  }
0x98: {  	[spmem:s1] =	stream.indirect.scatter.add.f32 [tilespmem:s19], [sflag:$0x3], $0x80, s29, s18, $0xb8;
	[tilespmem:$0x1E080] =	vst v63  }
0x99: {  	_ =	swait.ge [sflag:s16], $0x4000  }
0x9a: {  	[sflag:s16] =	ssyncset.done $0x0  }
0x9b: {  	s30 =	sadd.s32 $0x100, s28;
	[sflag:s16] =	ssyncadd.s32 $0xFFFFC000  }
0x9c: {  	[tilespmem:s19], [sflag:$0x1] =	stream.indirect.gather [hbm4b:s4+s18], $0x80, s30, s18, $0xb8;
	[tilespmem:$0x1E080] =	vst v63  }
0x9d: {  	_ =	swait.ge [sflag:s22], $0x4000  }
0x9e: {  	[sflag:s22] =	ssyncset.done $0x0  }
0x9f: {  	s31 =	sadd.s32 $0x1480, s28;
	[sflag:s22] =	ssyncadd.s32 $0xFFFFC000  }
0xa0: {  	[spmem:s1] =	stream.indirect.scatter.add.f32 [tilespmem:s20], [sflag:$0x3], $0x80, s31, s18, $0xb8;
	[tilespmem:$0x1E080] =	vst v63  }
0xa1: {  	_ =	swait.ge [sflag:s16], $0x4000  }
0xa2: {  	[sflag:s16] =	ssyncset.done $0x0  }
0xa3: {  	[sflag:s16] =	ssyncadd.s32 $0xFFFFC000  }
0xa4: {  	[tilespmem:s20], [sflag:$0x2] =	stream.indirect.gather [hbm4b:s4+s18], $0x80, s23, s18, $0xb8;
	[tilespmem:$0x1E080] =	vst v63  }
0xa5: {  	_ =	swait.ge [sflag:s21], $0x4000  }
0xa6: {  	[sflag:s21] =	ssyncset.done $0x0  }
0xa7: {  	[sflag:s21] =	ssyncadd.s32 $0xFFFFC000  }
0xa8: {  	[spmem:s1] =	stream.indirect.scatter.add.f32 [tilespmem:s19], [sflag:$0x3], $0x80, s24, s18, $0xb8;
	[tilespmem:$0x1E080] =	vst v63  }
0xa9: {  	_ =	swait.ge [sflag:s16], $0x4000  }
0xaa: {  	[sflag:s16] =	ssyncset.done $0x0  }
0xab: {  	[sflag:s16] =	ssyncadd.s32 $0xFFFFC000  }
0xac: {  	_ =	swait.ge [sflag:s22], $0x4000  }
0xad: {  	[sflag:s22] =	ssyncset.done $0x0  }
0xae: {  	[sflag:s22] =	ssyncadd.s32 $0xFFFFC000  }
0xaf: {  	[spmem:s1] =	stream.indirect.scatter.add.f32 [tilespmem:s20], [sflag:$0x3], $0x80, s25, s18, $0xb8;
	[tilespmem:$0x1E080] =	vst v63  }
0xb0: {  	_ =	swait.ge [sflag:s16], $0x4000  }
0xb1: {  	[sflag:s16] =	ssyncset.done $0x0  }
0xb2: {  	[sflag:s16] =	ssyncadd.s32 $0xFFFFC000  }
0xb3: {  	s0 =	simm.s32 @p0 $0x1FC3;
	[bflag:$0x0] =	sbarrier.arrive $0xFFFF  }
0xb4: {  	[hbm:s11], [sflag:s0] =	dma.local @p0 [spmem:s13], $0x2080  }
0xb5: {  	s0 =	simm.s32 @p0 $0x3  }
0xb6: {  	s26 =	sadd.s32 $0x1, s26;
	_ =	swait.ge @p0 [sflag:s0], $0x2080  }
0xb7: {  	p1 =	sne.s32 s26, s12;
	[sflag:s0] =	ssyncset.done @p0 $0x0  }
.Ltmp2:
0xb8: {  	[sflag:s0] =	ssyncadd.s32 @p0 $0xFFFFDF80;
	s0 =	simm.s32 @!p0 $0x3;
	(pc) =	sbr.rel @p1 .LBB2_1-.Ltmp2, $4  }
0xb9: {  	[hbm:s10], [sflag:s14] =	dma.local @!p0 [spmem:s15], $0x2780  }
0xba: {  	_ =	swait.ge @!p0 [sflag:s0], $0x2780  }
0xbb: {  	[sflag:s0] =	ssyncset.done @!p0 $0x0  }
0xbc: {  	[sflag:s0] =	ssyncadd.s32 @!p0 $0xFFFFD880  }
0xbd: {  	_ =	sfence.sel $0x180000  }
0xbe: {  	[bflag:$0x0] =	sbarrier.arrive $0xFFFF  }
0xbf: {  	_ =	strace $0x9000004D  }
0xc0: {  	[bflag:$0x2] =	sbarrier.arrive $0xFFFF  }
0xc1: {  	p0 =	sne.s32 s3, $0x0;
	s0 =	rddreg [dreg:$0x2]  }
0xc2: {  	s0 =	sadd.s32 @!p0 $0x100000, s0  }
0xc3: {  	[sflag:s0] =	ssyncadd.tile.s32 @!p0 $0x1;
	_ =	shalt  }
.Lfunc_end2:
_tile_overlayer_lowered:
.L_overlay_start_2:
0xc4: {  	(tag) =	ssettag $0x2  }
0xc5: {  	s0 =	rddreg [dreg:$0x0];
	s2 =	stileid.u32  }
0xc6: {  	s1 =	rddreg [dreg:$0x1];
	p0 =	sne.s32 s2, $0x0  }
0xc7: {  	s3 =	rddreg [dreg:$0x2];
	[bflag:$0x3] =	sbarrier.arrive $0xFFFF;
	s2 =	simm.s32 @!p0 $0x1C03  }
0xc8: {  	[timem:s3], [sflag:s2] =	dma.local @!p0 [hbm:s0], s1  }
0xc9: {  	s0 =	simm.s32 @!p0 $0x3  }
0xca: {  	_ =	swait.ge @!p0 [sflag:s0], s1  }
0xcb: {  	s1 =	ssub.s32 @!p0 $0x0, s1;
	[sflag:s0] =	ssyncset.done @!p0 $0x0  }
0xcc: {  	[sflag:s0] =	ssyncadd.s32 @!p0 s1  }
0xcd: {  	[bflag:$0x3] =	sbarrier.arrive $0xFFFF  }
0xce: {  	_ =	shalt  }

</sc_bundles>
